<compile_context>
chip_gen: v7x
topology: tpu7x:2x2x1
jax: 0.10.2.dev20260603
libtpu: 0.0.44.dev20260713+nightly
codegen_flags: <defaults>
</compile_context>

<pallas_src>
import functools

import jax
import jax.numpy as jnp
from jax import lax
from jax.experimental import pallas as pl
from jax.experimental.pallas import tpu as pltpu
from jax.experimental.pallas import tpu_sc as plsc

N = 10000
E = 320000
D_IN = 128
H = 16
C = 64

NC = 2
NS = 16
NW = NC * NS
EPT = E // NW
BLK = 80
NB = EPT // BLK
NP = 10240
RPT = NP // NS

_mesh = lambda: plsc.VectorSubcoreMesh(core_axis_name="c", subcore_axis_name="s")


def _make_prop(W):

    @functools.partial(
        pl.kernel,
        out_type=jax.ShapeDtypeStruct((NC, NP, W), jnp.float32),
        mesh=_mesh(),
        compiler_params=pltpu.CompilerParams(use_tc_tiling_on_sc=False),
        scratch_types=[
            pltpu.VMEM((NB, BLK), jnp.int32),
            pltpu.VMEM((NB, BLK), jnp.int32),
            pltpu.VMEM((4, BLK, W), jnp.float32),
            pltpu.VMEM((BLK, W), jnp.float32),
            pltpu.VMEM_SHARED((NP, W), jnp.float32),
            pltpu.SemaphoreType.DMA((4,)),
            pltpu.SemaphoreType.DMA((4,)),
        ],
    )
    def prop(g_hbm, src_hbm, dst_hbm, out_hbm, srcs_v, dsts_v, rows_v, zb_v,
             acc_sh, gsem, ssem):
        cid = lax.axis_index("c")
        sid = lax.axis_index("s")
        wid = cid * NS + sid

        zvec = jnp.zeros((16,), jnp.float32)

        def zrow(r, carry):
            for c in range(W // 16):
                zb_v[r, pl.ds(c * 16, 16)] = zvec
            return carry

        lax.fori_loop(0, BLK, zrow, 0)
        for k in range(RPT // BLK):
            pltpu.sync_copy(zb_v, acc_sh.at[pl.ds(sid * RPT + k * BLK, BLK)])
        pltpu.sync_copy(src_hbm.at[wid], srcs_v)
        pltpu.sync_copy(dst_hbm.at[wid], dsts_v)
        plsc.subcore_barrier()

        pltpu.async_copy(g_hbm.at[srcs_v.at[0]], rows_v.at[0], gsem.at[0])
        pltpu.async_copy(g_hbm.at[srcs_v.at[1]], rows_v.at[1], gsem.at[1])

        def step(j, carry):
            b = lax.rem(j, 4)
            b2 = lax.rem(j + 2, 4)

            @pl.when(j >= 1)
            def _():
                pltpu.make_async_copy(rows_v.at[lax.rem(j - 1, 4)],
                                      acc_sh.at[dsts_v.at[j - 1]],
                                      ssem.at[lax.rem(j - 1, 4)]).wait()

            @pl.when(j + 2 < NB)
            def _():
                pltpu.async_copy(g_hbm.at[srcs_v.at[j + 2]], rows_v.at[b2],
                                 gsem.at[b2])

            pltpu.make_async_copy(g_hbm.at[srcs_v.at[j]], rows_v.at[b],
                                  gsem.at[b]).wait()
            pltpu.async_copy(rows_v.at[b], acc_sh.at[dsts_v.at[j]],
                             ssem.at[b], add=True)
            return carry

        lax.fori_loop(0, NB, step, 0)

        pltpu.make_async_copy(rows_v.at[(NB - 1) % 4],
                              acc_sh.at[dsts_v.at[NB - 1]],
                              ssem.at[(NB - 1) % 4]).wait()

        plsc.subcore_barrier()
        pltpu.sync_copy(acc_sh.at[pl.ds(sid * RPT, RPT)],
                        out_hbm.at[cid, pl.ds(sid * RPT, RPT)])

    return prop


def _make_count():

    @functools.partial(
        pl.kernel,
        out_type=jax.ShapeDtypeStruct((NC, NP, 16), jnp.float32),
        mesh=_mesh(),
        compiler_params=pltpu.CompilerParams(use_tc_tiling_on_sc=False),
        scratch_types=[
            pltpu.VMEM((NB, BLK), jnp.int32),
            pltpu.VMEM((BLK, 16), jnp.float32),
            pltpu.VMEM((BLK, 16), jnp.float32),
            pltpu.VMEM_SHARED((NP, 16), jnp.float32),
            pltpu.SemaphoreType.DMA,
        ],
    )
    def count(dst_hbm, out_hbm, dsts_v, ones_v, zb_v, acc_sh, ssem):
        cid = lax.axis_index("c")
        sid = lax.axis_index("s")
        wid = cid * NS + sid

        zvec = jnp.zeros((16,), jnp.float32)
        ovec = jnp.ones((16,), jnp.float32)

        def zrow(r, carry):
            zb_v[r, pl.ds(0, 16)] = zvec
            return carry

        lax.fori_loop(0, BLK, zrow, 0)

        def orow(r, carry):
            ones_v[r, pl.ds(0, 16)] = ovec
            return carry

        lax.fori_loop(0, BLK, orow, 0)

        for k in range(RPT // BLK):
            pltpu.sync_copy(zb_v, acc_sh.at[pl.ds(sid * RPT + k * BLK, BLK)])
        pltpu.sync_copy(dst_hbm.at[wid], dsts_v)
        plsc.subcore_barrier()

        def step(j, carry):
            @pl.when(j >= 1)
            def _():
                pltpu.make_async_copy(ones_v, acc_sh.at[dsts_v.at[j - 1]],
                                      ssem).wait()

            pltpu.async_copy(ones_v, acc_sh.at[dsts_v.at[j]], ssem, add=True)
            return carry

        lax.fori_loop(0, NB, step, 0)
        pltpu.make_async_copy(ones_v, acc_sh.at[dsts_v.at[NB - 1]],
                              ssem).wait()

        plsc.subcore_barrier()
        pltpu.sync_copy(acc_sh.at[pl.ds(sid * RPT, RPT)],
                        out_hbm.at[cid, pl.ds(sid * RPT, RPT)])

    return count


_count = _make_count()
_prop16 = _make_prop(H)
_prop64 = _make_prop(C)



def _tc1_body(cnt_ref, x_ref, w1_ref, g1_ref, dinv_ref):
    cnt = cnt_ref[0, 0:N, 0:1] + cnt_ref[1, 0:N, 0:1]
    deg = cnt + 1.0
    dinv = lax.rsqrt(jnp.maximum(deg, 1e-12))
    h0 = jnp.dot(x_ref[...], w1_ref[...], preferred_element_type=jnp.float32)
    g1_ref[...] = dinv * h0
    dinv_ref[...] = dinv


def _tc1(cnt, x, w1):
    return pl.pallas_call(
        _tc1_body,
        out_shape=(
            jax.ShapeDtypeStruct((N, H), jnp.float32),
            jax.ShapeDtypeStruct((N, 1), jnp.float32),
        ),
    )(cnt, x, w1)


def _tc_mid_body(s_ref, g_ref, dinv_ref, b_ref, w_ref, out_ref):
    dinv = dinv_ref[...]
    t = dinv * (s_ref[0, 0:N, :] + s_ref[1, 0:N, :] + g_ref[...]) + b_ref[...]
    m = jnp.sum(t, axis=0, keepdims=True) * (1.0 / N)
    t = t - m
    rn2 = jnp.sum(t * t) * (1.0 / N)
    t = t / jnp.sqrt(rn2 + 1e-6)
    t = jnp.maximum(t, 0.0)
    out_ref[...] = dinv * jnp.dot(t, w_ref[...],
                                  preferred_element_type=jnp.float32)


def _tc_mid(s, g, dinv, b, w):
    return pl.pallas_call(
        _tc_mid_body,
        out_shape=jax.ShapeDtypeStruct((N, w.shape[1]), jnp.float32),
    )(s, g, dinv, b, w)


def _tc_out_body(s_ref, g_ref, dinv_ref, b_ref, out_ref):
    t = dinv_ref[...] * (s_ref[0, 0:N, :] + s_ref[1, 0:N, :] + g_ref[...]) + b_ref[...]
    mx = jnp.max(t, axis=1, keepdims=True)
    t = t - mx
    lse = jnp.log(jnp.sum(jnp.exp(t), axis=1, keepdims=True))
    out_ref[...] = t - lse


def _tc_out(s, g, dinv, b):
    return pl.pallas_call(
        _tc_out_body,
        out_shape=jax.ShapeDtypeStruct((N, C), jnp.float32),
    )(s, g, dinv, b)


def kernel(x, edge_index, W1, b1, W2, b2, W3, b3):
    src = edge_index[0].reshape(NW, NB, BLK)
    dst = edge_index[1].reshape(NW, NB, BLK)
    cnt = _count(dst)
    g1, dinv = _tc1(cnt, x, W1)
    s1 = _prop16(g1, src, dst)
    g2 = _tc_mid(s1, g1, dinv, b1.reshape(1, H), W2)
    s2 = _prop16(g2, src, dst)
    g3 = _tc_mid(s2, g2, dinv, b2.reshape(1, H), W3)
    s3 = _prop64(g3, src, dst)
    return _tc_out(s3, g3, dinv, b3.reshape(1, C))

# --- scband reference (transcript-rebuilt; emitter-appended) ---
"""Pipeline reference for scband-gcn-3092376453801 (READ-ONLY COPY).

The authoritative reference and input builder live on the scoring server;
editing this copy changes nothing except your own understanding.
"""

import jax, jax.numpy as jnp
import numpy as np

N = 10000
E = 320000
D_IN = 128
H = 16
C = 64


def setup_inputs(seed: int = 0) -> dict:
    key = jax.random.key(seed)
    ks = jax.random.split(key, 10)
    x = jax.random.normal(ks[0], (N, D_IN), dtype=jnp.float32)
    edge_index = jax.random.randint(ks[1], (2, E), 0, N, dtype=jnp.int32)
    s1 = 1.0 / np.sqrt(D_IN)
    s2 = 1.0 / np.sqrt(H)
    W1 = jax.random.uniform(ks[2], (D_IN, H), dtype=jnp.float32, minval=-s1, maxval=s1)
    b1 = jax.random.uniform(ks[3], (H,), dtype=jnp.float32, minval=-s1, maxval=s1)
    W2 = jax.random.uniform(ks[4], (H, H), dtype=jnp.float32, minval=-s2, maxval=s2)
    b2 = jax.random.uniform(ks[5], (H,), dtype=jnp.float32, minval=-s2, maxval=s2)
    W3 = jax.random.uniform(ks[6], (H, C), dtype=jnp.float32, minval=-s2, maxval=s2)
    b3 = jax.random.uniform(ks[7], (C,), dtype=jnp.float32, minval=-s2, maxval=s2)
    return {"x": x, "edge_index": edge_index, "W1": W1, "b1": b1, "W2": W2, "b2": b2, "W3": W3, "b3": b3}


def _gcn_propagate(h, edge_index):
    # symmetric-normalized adjacency with self-loops: D^{-1/2}(A+I)D^{-1/2} h
    n = h.shape[0]
    src = edge_index[0]
    dst = edge_index[1]
    loop = jnp.arange(n, dtype=src.dtype)
    src = jnp.concatenate([src, loop])
    dst = jnp.concatenate([dst, loop])
    deg = jnp.zeros((n,), dtype=h.dtype).at[dst].add(1.0)
    dinv = jax.lax.rsqrt(jnp.maximum(deg, 1e-12))
    norm = dinv[src] * dinv[dst]
    msgs = h[src] * norm[:, None]
    return jnp.zeros_like(h).at[dst].add(msgs)


def _pair_norm(x, s=1.0, eps=1e-6):
    x = x - jnp.mean(x, axis=0, keepdims=True)
    rownorm2_mean = jnp.mean(jnp.sum(x * x, axis=1))
    return s * x / jnp.sqrt(rownorm2_mean + eps)


def reference(x, edge_index, W1, b1, W2, b2, W3, b3):
    # layer 1: GraphConvolution(128 -> 16); dropedge=1.0 keeps all edges
    h = _gcn_propagate(x @ W1, edge_index) + b1
    h = _pair_norm(h)
    h = jax.nn.relu(h)
    # layer 2: GCNConv(16 -> 16)
    h = _gcn_propagate(h @ W2, edge_index) + b2
    h = _pair_norm(h)
    h = jax.nn.relu(h)
    # F.dropout with training=False -> identity (eval mode)
    # output layer: GraphConvolution(16 -> 64)
    h = _gcn_propagate(h @ W3, edge_index) + b3
    return jax.nn.log_softmax(h, axis=1)

if __name__ == "__main__":
    import jax
    _d = setup_inputs()
    print(jax.jit(kernel)(*tuple(_d.values())))

</pallas_src>

<mosaic_0001>
#map = affine_map<(d0, d1) -> (0, 0)>
#map1 = affine_map<(d0, d1) -> (0, 0, 0)>
module attributes {stable_mosaic.version = 14 : i64} {
  func.func @prop(%arg0: i32, %arg1: i32, %arg2: memref<10000x64xf32, #tpu.memory_space<hbm>>, %arg3: memref<32x125x80xi32, #tpu.memory_space<hbm>>, %arg4: memref<32x125x80xi32, #tpu.memory_space<hbm>>, %arg5: memref<2x10240x64xf32, #tpu.memory_space<hbm>>, %arg6: memref<125x80xi32, #tpu.memory_space<vmem>>, %arg7: memref<125x80xi32, #tpu.memory_space<vmem>>, %arg8: memref<4x80x64xf32, #tpu.memory_space<vmem>>, %arg9: memref<80x64xf32, #tpu.memory_space<vmem>>, %arg10: memref<10240x64xf32, #tpu.memory_space<vmem_shared>>, %arg11: memref<4x!tpu.dma_semaphore, #tpu.memory_space<semaphore_mem>>, %arg12: memref<4x!tpu.dma_semaphore, #tpu.memory_space<semaphore_mem>>) attributes {dimension_semantics = [#tpu.dimension_semantics<core_parallel>, #tpu.dimension_semantics<subcore_parallel>], iteration_bounds = array<i64: 2, 16>, scalar_prefetch = 0 : i64, scratch_operands = 7 : i64, tpu.core_type = #tpu.core_type<sc_vector_subcore>, window_params = [{transform_indices = #map}, {transform_indices = #map1}, {transform_indices = #map1}, {transform_indices = #map1}]} {
    %mul3A = arith.constant 16 : i32
    %mul3A_0 = arith.muli %arg0, %mul3A : i32
    %add3A = arith.addi %mul3A_0, %arg1 : i32
    %broadcast_in_dim3A = arith.constant 0.000000e+00 : f32
    %broadcast_in_dim3A_1 = vector.broadcast %broadcast_in_dim3A : f32 to vector<16xf32>
    %scan3A = arith.constant 0 : i32
    %scan3A_2 = arith.constant 0 : i32
    %scan3A_3 = arith.constant 80 : i32
    %scan3A_4 = arith.addi %scan3A_2, %scan3A_3 : i32
    %scan3A_5 = arith.constant 1 : i32
    scf.for %scan3A_93 = %scan3A_2 to %scan3A_4 step %scan3A_5  : i32 {
      %swap3A = arith.index_cast %scan3A_93 : i32 to index
      %swap3A_94 = arith.constant 0 : index
      %swap3A_95 = tpu.vector_load %arg9[%swap3A, %swap3A_94] {strides = array<i32>} : memref<80x64xf32, #tpu.memory_space<vmem>>, vector<1x16xf32>,
      %swap3A_96 = vector.shape_cast %swap3A_95 : vector<1x16xf32> to vector<16xf32>
      %swap3A_97 = vector.shape_cast %broadcast_in_dim3A_1 : vector<16xf32> to vector<1x16xf32>
      tpu.vector_store %arg9[%swap3A, %swap3A_94], %swap3A_97 {strides = array<i32>} : memref<80x64xf32, #tpu.memory_space<vmem>>, vector<1x16xf32>,
      %swap3A_98 = arith.index_cast %scan3A_93 : i32 to index
      %swap3A_99 = arith.constant 16 : index
      %swap3A_100 = tpu.vector_load %arg9[%swap3A_98, %swap3A_99] {strides = array<i32>} : memref<80x64xf32, #tpu.memory_space<vmem>>, vector<1x16xf32>,
      %swap3A_101 = vector.shape_cast %swap3A_100 : vector<1x16xf32> to vector<16xf32>
      %swap3A_102 = vector.shape_cast %broadcast_in_dim3A_1 : vector<16xf32> to vector<1x16xf32>
      tpu.vector_store %arg9[%swap3A_98, %swap3A_99], %swap3A_102 {strides = array<i32>} : memref<80x64xf32, #tpu.memory_space<vmem>>, vector<1x16xf32>,
      %swap3A_103 = arith.index_cast %scan3A_93 : i32 to index
      %swap3A_104 = arith.constant 32 : index
      %swap3A_105 = tpu.vector_load %arg9[%swap3A_103, %swap3A_104] {strides = array<i32>} : memref<80x64xf32, #tpu.memory_space<vmem>>, vector<1x16xf32>,
      %swap3A_106 = vector.shape_cast %swap3A_105 : vector<1x16xf32> to vector<16xf32>
      %swap3A_107 = vector.shape_cast %broadcast_in_dim3A_1 : vector<16xf32> to vector<1x16xf32>
      tpu.vector_store %arg9[%swap3A_103, %swap3A_104], %swap3A_107 {strides = array<i32>} : memref<80x64xf32, #tpu.memory_space<vmem>>, vector<1x16xf32>,
      %swap3A_108 = arith.index_cast %scan3A_93 : i32 to index
      %swap3A_109 = arith.constant 48 : index
      %swap3A_110 = tpu.vector_load %arg9[%swap3A_108, %swap3A_109] {strides = array<i32>} : memref<80x64xf32, #tpu.memory_space<vmem>>, vector<1x16xf32>,
      %swap3A_111 = vector.shape_cast %swap3A_110 : vector<1x16xf32> to vector<16xf32>
      %swap3A_112 = vector.shape_cast %broadcast_in_dim3A_1 : vector<16xf32> to vector<1x16xf32>
      tpu.vector_store %arg9[%swap3A_108, %swap3A_109], %swap3A_112 {strides = array<i32>} : memref<80x64xf32, #tpu.memory_space<vmem>>, vector<1x16xf32>,
    }
    %scan3A_6 = arith.constant 80 : i32
    %mul3A_7 = arith.constant 640 : i32
    %mul3A_8 = arith.muli %arg1, %mul3A_7 : i32
    %add3A_9 = arith.constant 0 : i32
    %add3A_10 = arith.addi %mul3A_8, %add3A_9 : i32
    "tpu.region"() ({
      %run_scoped3A = tpu.sem_alloc : memref<!tpu.dma_semaphore, #tpu.memory_space<semaphore_mem>>
      %dma_start3A_93 = arith.constant 0 : i32
      %dma_start3A_94 = tpu.memref_slice %arg10[%add3A_10, %dma_start3A_93] : memref<10240x64xf32, #tpu.memory_space<vmem_shared>> -> memref<80x64xf32, #tpu.memory_space<vmem_shared>>
      %dma_start3A_95 = arith.constant 0 : i32
      %dma_start3A_96 = tpu.memref_slice %arg10[%add3A_10, %dma_start3A_95] : memref<10240x64xf32, #tpu.memory_space<vmem_shared>> -> memref<80x64xf32, #tpu.memory_space<vmem_shared>>
      tpu.enqueue_dma source(%arg9 : memref<80x64xf32, #tpu.memory_space<vmem>>) target(%dma_start3A_96 : memref<80x64xf32, #tpu.memory_space<vmem_shared>>) target_semaphore(%run_scoped3A : memref<!tpu.dma_semaphore, #tpu.memory_space<semaphore_mem>>)
      %dma_wait3A_97 = arith.constant 0 : i32
      %dma_wait3A_98 = tpu.memref_slice %arg10[%add3A_10, %dma_wait3A_97] : memref<10240x64xf32, #tpu.memory_space<vmem_shared>> -> memref<80x64xf32, #tpu.memory_space<vmem_shared>>
      %dma_wait3A_99 = arith.constant 0 : i32
      %dma_wait3A_100 = tpu.memref_slice %arg10[%add3A_10, %dma_wait3A_99] : memref<10240x64xf32, #tpu.memory_space<vmem_shared>> -> memref<80x64xf32, #tpu.memory_space<vmem_shared>>
      tpu.wait_dma2 semaphore(%run_scoped3A : memref<!tpu.dma_semaphore, #tpu.memory_space<semaphore_mem>>) src(%arg9 : memref<80x64xf32, #tpu.memory_space<vmem>>) dst(%dma_wait3A_100 : memref<80x64xf32, #tpu.memory_space<vmem_shared>>)
      tpu.yield
    }) : () -> ()
    %mul3A_11 = arith.constant 640 : i32
    %mul3A_12 = arith.muli %arg1, %mul3A_11 : i32
    %add3A_13 = arith.constant 80 : i32
    %add3A_14 = arith.addi %mul3A_12, %add3A_13 : i32
    "tpu.region"() ({
      %run_scoped3A = tpu.sem_alloc : memref<!tpu.dma_semaphore, #tpu.memory_space<semaphore_mem>>
      %dma_start3A_93 = arith.constant 0 : i32
      %dma_start3A_94 = tpu.memref_slice %arg10[%add3A_14, %dma_start3A_93] : memref<10240x64xf32, #tpu.memory_space<vmem_shared>> -> memref<80x64xf32, #tpu.memory_space<vmem_shared>>
      %dma_start3A_95 = arith.constant 0 : i32
      %dma_start3A_96 = tpu.memref_slice %arg10[%add3A_14, %dma_start3A_95] : memref<10240x64xf32, #tpu.memory_space<vmem_shared>> -> memref<80x64xf32, #tpu.memory_space<vmem_shared>>
      tpu.enqueue_dma source(%arg9 : memref<80x64xf32, #tpu.memory_space<vmem>>) target(%dma_start3A_96 : memref<80x64xf32, #tpu.memory_space<vmem_shared>>) target_semaphore(%run_scoped3A : memref<!tpu.dma_semaphore, #tpu.memory_space<semaphore_mem>>)
      %dma_wait3A_97 = arith.constant 0 : i32
      %dma_wait3A_98 = tpu.memref_slice %arg10[%add3A_14, %dma_wait3A_97] : memref<10240x64xf32, #tpu.memory_space<vmem_shared>> -> memref<80x64xf32, #tpu.memory_space<vmem_shared>>
      %dma_wait3A_99 = arith.constant 0 : i32
      %dma_wait3A_100 = tpu.memref_slice %arg10[%add3A_14, %dma_wait3A_99] : memref<10240x64xf32, #tpu.memory_space<vmem_shared>> -> memref<80x64xf32, #tpu.memory_space<vmem_shared>>
      tpu.wait_dma2 semaphore(%run_scoped3A : memref<!tpu.dma_semaphore, #tpu.memory_space<semaphore_mem>>) src(%arg9 : memref<80x64xf32, #tpu.memory_space<vmem>>) dst(%dma_wait3A_100 : memref<80x64xf32, #tpu.memory_space<vmem_shared>>)
      tpu.yield
    }) : () -> ()
    %mul3A_15 = arith.constant 640 : i32
    %mul3A_16 = arith.muli %arg1, %mul3A_15 : i32
    %add3A_17 = arith.constant 160 : i32
    %add3A_18 = arith.addi %mul3A_16, %add3A_17 : i32
    "tpu.region"() ({
      %run_scoped3A = tpu.sem_alloc : memref<!tpu.dma_semaphore, #tpu.memory_space<semaphore_mem>>
      %dma_start3A_93 = arith.constant 0 : i32
      %dma_start3A_94 = tpu.memref_slice %arg10[%add3A_18, %dma_start3A_93] : memref<10240x64xf32, #tpu.memory_space<vmem_shared>> -> memref<80x64xf32, #tpu.memory_space<vmem_shared>>
      %dma_start3A_95 = arith.constant 0 : i32
      %dma_start3A_96 = tpu.memref_slice %arg10[%add3A_18, %dma_start3A_95] : memref<10240x64xf32, #tpu.memory_space<vmem_shared>> -> memref<80x64xf32, #tpu.memory_space<vmem_shared>>
      tpu.enqueue_dma source(%arg9 : memref<80x64xf32, #tpu.memory_space<vmem>>) target(%dma_start3A_96 : memref<80x64xf32, #tpu.memory_space<vmem_shared>>) target_semaphore(%run_scoped3A : memref<!tpu.dma_semaphore, #tpu.memory_space<semaphore_mem>>)
      %dma_wait3A_97 = arith.constant 0 : i32
      %dma_wait3A_98 = tpu.memref_slice %arg10[%add3A_18, %dma_wait3A_97] : memref<10240x64xf32, #tpu.memory_space<vmem_shared>> -> memref<80x64xf32, #tpu.memory_space<vmem_shared>>
      %dma_wait3A_99 = arith.constant 0 : i32
      %dma_wait3A_100 = tpu.memref_slice %arg10[%add3A_18, %dma_wait3A_99] : memref<10240x64xf32, #tpu.memory_space<vmem_shared>> -> memref<80x64xf32, #tpu.memory_space<vmem_shared>>
      tpu.wait_dma2 semaphore(%run_scoped3A : memref<!tpu.dma_semaphore, #tpu.memory_space<semaphore_mem>>) src(%arg9 : memref<80x64xf32, #tpu.memory_space<vmem>>) dst(%dma_wait3A_100 : memref<80x64xf32, #tpu.memory_space<vmem_shared>>)
      tpu.yield
    }) : () -> ()
    %mul3A_19 = arith.constant 640 : i32
    %mul3A_20 = arith.muli %arg1, %mul3A_19 : i32
    %add3A_21 = arith.constant 240 : i32
    %add3A_22 = arith.addi %mul3A_20, %add3A_21 : i32
    "tpu.region"() ({
      %run_scoped3A = tpu.sem_alloc : memref<!tpu.dma_semaphore, #tpu.memory_space<semaphore_mem>>
      %dma_start3A_93 = arith.constant 0 : i32
      %dma_start3A_94 = tpu.memref_slice %arg10[%add3A_22, %dma_start3A_93] : memref<10240x64xf32, #tpu.memory_space<vmem_shared>> -> memref<80x64xf32, #tpu.memory_space<vmem_shared>>
      %dma_start3A_95 = arith.constant 0 : i32
      %dma_start3A_96 = tpu.memref_slice %arg10[%add3A_22, %dma_start3A_95] : memref<10240x64xf32, #tpu.memory_space<vmem_shared>> -> memref<80x64xf32, #tpu.memory_space<vmem_shared>>
      tpu.enqueue_dma source(%arg9 : memref<80x64xf32, #tpu.memory_space<vmem>>) target(%dma_start3A_96 : memref<80x64xf32, #tpu.memory_space<vmem_shared>>) target_semaphore(%run_scoped3A : memref<!tpu.dma_semaphore, #tpu.memory_space<semaphore_mem>>)
      %dma_wait3A_97 = arith.constant 0 : i32
      %dma_wait3A_98 = tpu.memref_slice %arg10[%add3A_22, %dma_wait3A_97] : memref<10240x64xf32, #tpu.memory_space<vmem_shared>> -> memref<80x64xf32, #tpu.memory_space<vmem_shared>>
      %dma_wait3A_99 = arith.constant 0 : i32
      %dma_wait3A_100 = tpu.memref_slice %arg10[%add3A_22, %dma_wait3A_99] : memref<10240x64xf32, #tpu.memory_space<vmem_shared>> -> memref<80x64xf32, #tpu.memory_space<vmem_shared>>
      tpu.wait_dma2 semaphore(%run_scoped3A : memref<!tpu.dma_semaphore, #tpu.memory_space<semaphore_mem>>) src(%arg9 : memref<80x64xf32, #tpu.memory_space<vmem>>) dst(%dma_wait3A_100 : memref<80x64xf32, #tpu.memory_space<vmem_shared>>)
      tpu.yield
    }) : () -> ()
    %mul3A_23 = arith.constant 640 : i32
    %mul3A_24 = arith.muli %arg1, %mul3A_23 : i32
    %add3A_25 = arith.constant 320 : i32
    %add3A_26 = arith.addi %mul3A_24, %add3A_25 : i32
    "tpu.region"() ({
      %run_scoped3A = tpu.sem_alloc : memref<!tpu.dma_semaphore, #tpu.memory_space<semaphore_mem>>
      %dma_start3A_93 = arith.constant 0 : i32
      %dma_start3A_94 = tpu.memref_slice %arg10[%add3A_26, %dma_start3A_93] : memref<10240x64xf32, #tpu.memory_space<vmem_shared>> -> memref<80x64xf32, #tpu.memory_space<vmem_shared>>
      %dma_start3A_95 = arith.constant 0 : i32
      %dma_start3A_96 = tpu.memref_slice %arg10[%add3A_26, %dma_start3A_95] : memref<10240x64xf32, #tpu.memory_space<vmem_shared>> -> memref<80x64xf32, #tpu.memory_space<vmem_shared>>
      tpu.enqueue_dma source(%arg9 : memref<80x64xf32, #tpu.memory_space<vmem>>) target(%dma_start3A_96 : memref<80x64xf32, #tpu.memory_space<vmem_shared>>) target_semaphore(%run_scoped3A : memref<!tpu.dma_semaphore, #tpu.memory_space<semaphore_mem>>)
      %dma_wait3A_97 = arith.constant 0 : i32
      %dma_wait3A_98 = tpu.memref_slice %arg10[%add3A_26, %dma_wait3A_97] : memref<10240x64xf32, #tpu.memory_space<vmem_shared>> -> memref<80x64xf32, #tpu.memory_space<vmem_shared>>
      %dma_wait3A_99 = arith.constant 0 : i32
      %dma_wait3A_100 = tpu.memref_slice %arg10[%add3A_26, %dma_wait3A_99] : memref<10240x64xf32, #tpu.memory_space<vmem_shared>> -> memref<80x64xf32, #tpu.memory_space<vmem_shared>>
      tpu.wait_dma2 semaphore(%run_scoped3A : memref<!tpu.dma_semaphore, #tpu.memory_space<semaphore_mem>>) src(%arg9 : memref<80x64xf32, #tpu.memory_space<vmem>>) dst(%dma_wait3A_100 : memref<80x64xf32, #tpu.memory_space<vmem_shared>>)
      tpu.yield
    }) : () -> ()
    %mul3A_27 = arith.constant 640 : i32
    %mul3A_28 = arith.muli %arg1, %mul3A_27 : i32
    %add3A_29 = arith.constant 400 : i32
    %add3A_30 = arith.addi %mul3A_28, %add3A_29 : i32
    "tpu.region"() ({
      %run_scoped3A = tpu.sem_alloc : memref<!tpu.dma_semaphore, #tpu.memory_space<semaphore_mem>>
      %dma_start3A_93 = arith.constant 0 : i32
      %dma_start3A_94 = tpu.memref_slice %arg10[%add3A_30, %dma_start3A_93] : memref<10240x64xf32, #tpu.memory_space<vmem_shared>> -> memref<80x64xf32, #tpu.memory_space<vmem_shared>>
      %dma_start3A_95 = arith.constant 0 : i32
      %dma_start3A_96 = tpu.memref_slice %arg10[%add3A_30, %dma_start3A_95] : memref<10240x64xf32, #tpu.memory_space<vmem_shared>> -> memref<80x64xf32, #tpu.memory_space<vmem_shared>>
      tpu.enqueue_dma source(%arg9 : memref<80x64xf32, #tpu.memory_space<vmem>>) target(%dma_start3A_96 : memref<80x64xf32, #tpu.memory_space<vmem_shared>>) target_semaphore(%run_scoped3A : memref<!tpu.dma_semaphore, #tpu.memory_space<semaphore_mem>>)
      %dma_wait3A_97 = arith.constant 0 : i32
      %dma_wait3A_98 = tpu.memref_slice %arg10[%add3A_30, %dma_wait3A_97] : memref<10240x64xf32, #tpu.memory_space<vmem_shared>> -> memref<80x64xf32, #tpu.memory_space<vmem_shared>>
      %dma_wait3A_99 = arith.constant 0 : i32
      %dma_wait3A_100 = tpu.memref_slice %arg10[%add3A_30, %dma_wait3A_99] : memref<10240x64xf32, #tpu.memory_space<vmem_shared>> -> memref<80x64xf32, #tpu.memory_space<vmem_shared>>
      tpu.wait_dma2 semaphore(%run_scoped3A : memref<!tpu.dma_semaphore, #tpu.memory_space<semaphore_mem>>) src(%arg9 : memref<80x64xf32, #tpu.memory_space<vmem>>) dst(%dma_wait3A_100 : memref<80x64xf32, #tpu.memory_space<vmem_shared>>)
      tpu.yield
    }) : () -> ()
    %mul3A_31 = arith.constant 640 : i32
    %mul3A_32 = arith.muli %arg1, %mul3A_31 : i32
    %add3A_33 = arith.constant 480 : i32
    %add3A_34 = arith.addi %mul3A_32, %add3A_33 : i32
    "tpu.region"() ({
      %run_scoped3A = tpu.sem_alloc : memref<!tpu.dma_semaphore, #tpu.memory_space<semaphore_mem>>
      %dma_start3A_93 = arith.constant 0 : i32
      %dma_start3A_94 = tpu.memref_slice %arg10[%add3A_34, %dma_start3A_93] : memref<10240x64xf32, #tpu.memory_space<vmem_shared>> -> memref<80x64xf32, #tpu.memory_space<vmem_shared>>
      %dma_start3A_95 = arith.constant 0 : i32
      %dma_start3A_96 = tpu.memref_slice %arg10[%add3A_34, %dma_start3A_95] : memref<10240x64xf32, #tpu.memory_space<vmem_shared>> -> memref<80x64xf32, #tpu.memory_space<vmem_shared>>
      tpu.enqueue_dma source(%arg9 : memref<80x64xf32, #tpu.memory_space<vmem>>) target(%dma_start3A_96 : memref<80x64xf32, #tpu.memory_space<vmem_shared>>) target_semaphore(%run_scoped3A : memref<!tpu.dma_semaphore, #tpu.memory_space<semaphore_mem>>)
      %dma_wait3A_97 = arith.constant 0 : i32
      %dma_wait3A_98 = tpu.memref_slice %arg10[%add3A_34, %dma_wait3A_97] : memref<10240x64xf32, #tpu.memory_space<vmem_shared>> -> memref<80x64xf32, #tpu.memory_space<vmem_shared>>
      %dma_wait3A_99 = arith.constant 0 : i32
      %dma_wait3A_100 = tpu.memref_slice %arg10[%add3A_34, %dma_wait3A_99] : memref<10240x64xf32, #tpu.memory_space<vmem_shared>> -> memref<80x64xf32, #tpu.memory_space<vmem_shared>>
      tpu.wait_dma2 semaphore(%run_scoped3A : memref<!tpu.dma_semaphore, #tpu.memory_space<semaphore_mem>>) src(%arg9 : memref<80x64xf32, #tpu.memory_space<vmem>>) dst(%dma_wait3A_100 : memref<80x64xf32, #tpu.memory_space<vmem_shared>>)
      tpu.yield
    }) : () -> ()
    %mul3A_35 = arith.constant 640 : i32
    %mul3A_36 = arith.muli %arg1, %mul3A_35 : i32
    %add3A_37 = arith.constant 560 : i32
    %add3A_38 = arith.addi %mul3A_36, %add3A_37 : i32
    "tpu.region"() ({
      %run_scoped3A = tpu.sem_alloc : memref<!tpu.dma_semaphore, #tpu.memory_space<semaphore_mem>>
      %dma_start3A_93 = arith.constant 0 : i32
      %dma_start3A_94 = tpu.memref_slice %arg10[%add3A_38, %dma_start3A_93] : memref<10240x64xf32, #tpu.memory_space<vmem_shared>> -> memref<80x64xf32, #tpu.memory_space<vmem_shared>>
      %dma_start3A_95 = arith.constant 0 : i32
      %dma_start3A_96 = tpu.memref_slice %arg10[%add3A_38, %dma_start3A_95] : memref<10240x64xf32, #tpu.memory_space<vmem_shared>> -> memref<80x64xf32, #tpu.memory_space<vmem_shared>>
      tpu.enqueue_dma source(%arg9 : memref<80x64xf32, #tpu.memory_space<vmem>>) target(%dma_start3A_96 : memref<80x64xf32, #tpu.memory_space<vmem_shared>>) target_semaphore(%run_scoped3A : memref<!tpu.dma_semaphore, #tpu.memory_space<semaphore_mem>>)
      %dma_wait3A_97 = arith.constant 0 : i32
      %dma_wait3A_98 = tpu.memref_slice %arg10[%add3A_38, %dma_wait3A_97] : memref<10240x64xf32, #tpu.memory_space<vmem_shared>> -> memref<80x64xf32, #tpu.memory_space<vmem_shared>>
      %dma_wait3A_99 = arith.constant 0 : i32
      %dma_wait3A_100 = tpu.memref_slice %arg10[%add3A_38, %dma_wait3A_99] : memref<10240x64xf32, #tpu.memory_space<vmem_shared>> -> memref<80x64xf32, #tpu.memory_space<vmem_shared>>
      tpu.wait_dma2 semaphore(%run_scoped3A : memref<!tpu.dma_semaphore, #tpu.memory_space<semaphore_mem>>) src(%arg9 : memref<80x64xf32, #tpu.memory_space<vmem>>) dst(%dma_wait3A_100 : memref<80x64xf32, #tpu.memory_space<vmem_shared>>)
      tpu.yield
    }) : () -> ()
    "tpu.region"() ({
      %run_scoped3A = tpu.sem_alloc : memref<!tpu.dma_semaphore, #tpu.memory_space<semaphore_mem>>
      %dma_start3A_93 = arith.constant 0 : i32
      %dma_start3A_94 = arith.constant 0 : i32
      %dma_start3A_95 = tpu.memref_slice %arg3[%add3A, %dma_start3A_93, %dma_start3A_94] : memref<32x125x80xi32, #tpu.memory_space<hbm>> -> memref<1x125x80xi32, #tpu.memory_space<hbm>>
      %dma_start3A_96 = tpu.memref_squeeze %dma_start3A_95 : memref<1x125x80xi32, #tpu.memory_space<hbm>> -> memref<125x80xi32, #tpu.memory_space<hbm>>
      %dma_start3A_97 = arith.constant 0 : i32
      %dma_start3A_98 = arith.constant 0 : i32
      %dma_start3A_99 = tpu.memref_slice %arg3[%add3A, %dma_start3A_97, %dma_start3A_98] : memref<32x125x80xi32, #tpu.memory_space<hbm>> -> memref<1x125x80xi32, #tpu.memory_space<hbm>>
      %dma_start3A_100 = tpu.memref_squeeze %dma_start3A_99 : memref<1x125x80xi32, #tpu.memory_space<hbm>> -> memref<125x80xi32, #tpu.memory_space<hbm>>
      tpu.enqueue_dma source(%dma_start3A_100 : memref<125x80xi32, #tpu.memory_space<hbm>>) target(%arg6 : memref<125x80xi32, #tpu.memory_space<vmem>>) target_semaphore(%run_scoped3A : memref<!tpu.dma_semaphore, #tpu.memory_space<semaphore_mem>>)
      %dma_wait3A_101 = arith.constant 0 : i32
      %dma_wait3A_102 = arith.constant 0 : i32
      %dma_wait3A_103 = tpu.memref_slice %arg3[%add3A, %dma_wait3A_101, %dma_wait3A_102] : memref<32x125x80xi32, #tpu.memory_space<hbm>> -> memref<1x125x80xi32, #tpu.memory_space<hbm>>
      %dma_wait3A_104 = tpu.memref_squeeze %dma_wait3A_103 : memref<1x125x80xi32, #tpu.memory_space<hbm>> -> memref<125x80xi32, #tpu.memory_space<hbm>>
      %dma_wait3A_105 = arith.constant 0 : i32
      %dma_wait3A_106 = arith.constant 0 : i32
      %dma_wait3A_107 = tpu.memref_slice %arg3[%add3A, %dma_wait3A_105, %dma_wait3A_106] : memref<32x125x80xi32, #tpu.memory_space<hbm>> -> memref<1x125x80xi32, #tpu.memory_space<hbm>>
      %dma_wait3A_108 = tpu.memref_squeeze %dma_wait3A_107 : memref<1x125x80xi32, #tpu.memory_space<hbm>> -> memref<125x80xi32, #tpu.memory_space<hbm>>
      tpu.wait_dma2 semaphore(%run_scoped3A : memref<!tpu.dma_semaphore, #tpu.memory_space<semaphore_mem>>) src(%dma_wait3A_108 : memref<125x80xi32, #tpu.memory_space<hbm>>) dst(%arg6 : memref<125x80xi32, #tpu.memory_space<vmem>>)
      tpu.yield
    }) : () -> ()
    "tpu.region"() ({
      %run_scoped3A = tpu.sem_alloc : memref<!tpu.dma_semaphore, #tpu.memory_space<semaphore_mem>>
      %dma_start3A_93 = arith.constant 0 : i32
      %dma_start3A_94 = arith.constant 0 : i32
      %dma_start3A_95 = tpu.memref_slice %arg4[%add3A, %dma_start3A_93, %dma_start3A_94] : memref<32x125x80xi32, #tpu.memory_space<hbm>> -> memref<1x125x80xi32, #tpu.memory_space<hbm>>
      %dma_start3A_96 = tpu.memref_squeeze %dma_start3A_95 : memref<1x125x80xi32, #tpu.memory_space<hbm>> -> memref<125x80xi32, #tpu.memory_space<hbm>>
      %dma_start3A_97 = arith.constant 0 : i32
      %dma_start3A_98 = arith.constant 0 : i32
      %dma_start3A_99 = tpu.memref_slice %arg4[%add3A, %dma_start3A_97, %dma_start3A_98] : memref<32x125x80xi32, #tpu.memory_space<hbm>> -> memref<1x125x80xi32, #tpu.memory_space<hbm>>
      %dma_start3A_100 = tpu.memref_squeeze %dma_start3A_99 : memref<1x125x80xi32, #tpu.memory_space<hbm>> -> memref<125x80xi32, #tpu.memory_space<hbm>>
      tpu.enqueue_dma source(%dma_start3A_100 : memref<125x80xi32, #tpu.memory_space<hbm>>) target(%arg7 : memref<125x80xi32, #tpu.memory_space<vmem>>) target_semaphore(%run_scoped3A : memref<!tpu.dma_semaphore, #tpu.memory_space<semaphore_mem>>)
      %dma_wait3A_101 = arith.constant 0 : i32
      %dma_wait3A_102 = arith.constant 0 : i32
      %dma_wait3A_103 = tpu.memref_slice %arg4[%add3A, %dma_wait3A_101, %dma_wait3A_102] : memref<32x125x80xi32, #tpu.memory_space<hbm>> -> memref<1x125x80xi32, #tpu.memory_space<hbm>>
      %dma_wait3A_104 = tpu.memref_squeeze %dma_wait3A_103 : memref<1x125x80xi32, #tpu.memory_space<hbm>> -> memref<125x80xi32, #tpu.memory_space<hbm>>
      %dma_wait3A_105 = arith.constant 0 : i32
      %dma_wait3A_106 = arith.constant 0 : i32
      %dma_wait3A_107 = tpu.memref_slice %arg4[%add3A, %dma_wait3A_105, %dma_wait3A_106] : memref<32x125x80xi32, #tpu.memory_space<hbm>> -> memref<1x125x80xi32, #tpu.memory_space<hbm>>
      %dma_wait3A_108 = tpu.memref_squeeze %dma_wait3A_107 : memref<1x125x80xi32, #tpu.memory_space<hbm>> -> memref<125x80xi32, #tpu.memory_space<hbm>>
      tpu.wait_dma2 semaphore(%run_scoped3A : memref<!tpu.dma_semaphore, #tpu.memory_space<semaphore_mem>>) src(%dma_wait3A_108 : memref<125x80xi32, #tpu.memory_space<hbm>>) dst(%arg7 : memref<125x80xi32, #tpu.memory_space<vmem>>)
      tpu.yield
    }) : () -> ()
    %barrier3A = arith.constant 0 : index
    tpu.barrier barrier_id(%barrier3A)
    %dma_start3A = arith.constant 0 : i32
    %dma_start3A_39 = arith.constant 0 : i32
    %dma_start3A_40 = arith.constant 0 : i32
    %dma_start3A_41 = arith.constant 0 : i32
    %dma_start3A_42 = arith.constant 0 : i32
    %dma_start3A_43 = tpu.memref_slice %arg8[%dma_start3A_39, %dma_start3A_41, %dma_start3A_42] : memref<4x80x64xf32, #tpu.memory_space<vmem>> -> memref<1x80x64xf32, #tpu.memory_space<vmem>>
    %dma_start3A_44 = tpu.memref_squeeze %dma_start3A_43 : memref<1x80x64xf32, #tpu.memory_space<vmem>> -> memref<80x64xf32, #tpu.memory_space<vmem>>
    %dma_start3A_45 = arith.constant 0 : i32
    %dma_start3A_46 = tpu.memref_slice %arg6[%dma_start3A, %dma_start3A_45] : memref<125x80xi32, #tpu.memory_space<vmem>> -> memref<1x80xi32, #tpu.memory_space<vmem>>
    %dma_start3A_47 = tpu.memref_squeeze %dma_start3A_46 : memref<1x80xi32, #tpu.memory_space<vmem>> -> memref<80xi32, #tpu.memory_space<vmem>>
    %dma_start3A_48 = arith.constant 0 : i32
    %dma_start3A_49 = arith.constant 0 : i32
    %dma_start3A_50 = tpu.memref_slice %arg2[%dma_start3A_48, %dma_start3A_49] : memref<10000x64xf32, #tpu.memory_space<hbm>> -> memref<10000x64xf32, #tpu.memory_space<hbm>>
    %dma_start3A_51 = tpu.memref_slice %arg11[%dma_start3A_40] : memref<4x!tpu.dma_semaphore, #tpu.memory_space<semaphore_mem>> -> memref<1x!tpu.dma_semaphore, #tpu.memory_space<semaphore_mem>>
    %dma_start3A_52 = tpu.memref_squeeze %dma_start3A_51 : memref<1x!tpu.dma_semaphore, #tpu.memory_space<semaphore_mem>> -> memref<!tpu.dma_semaphore, #tpu.memory_space<semaphore_mem>>
    tpu.enqueue_indirect_dma source(%dma_start3A_50 : memref<10000x64xf32, #tpu.memory_space<hbm>>) target(%dma_start3A_44 : memref<80x64xf32, #tpu.memory_space<vmem>>) offsets(%dma_start3A_47 : memref<80xi32, #tpu.memory_space<vmem>>) semaphore(%dma_start3A_52 : memref<!tpu.dma_semaphore, #tpu.memory_space<semaphore_mem>>)
    %dma_start3A_53 = arith.constant 1 : i32
    %dma_start3A_54 = arith.constant 1 : i32
    %dma_start3A_55 = arith.constant 1 : i32
    %dma_start3A_56 = arith.constant 0 : i32
    %dma_start3A_57 = arith.constant 0 : i32
    %dma_start3A_58 = tpu.memref_slice %arg8[%dma_start3A_54, %dma_start3A_56, %dma_start3A_57] : memref<4x80x64xf32, #tpu.memory_space<vmem>> -> memref<1x80x64xf32, #tpu.memory_space<vmem>>
    %dma_start3A_59 = tpu.memref_squeeze %dma_start3A_58 : memref<1x80x64xf32, #tpu.memory_space<vmem>> -> memref<80x64xf32, #tpu.memory_space<vmem>>
    %dma_start3A_60 = arith.constant 0 : i32
    %dma_start3A_61 = tpu.memref_slice %arg6[%dma_start3A_53, %dma_start3A_60] : memref<125x80xi32, #tpu.memory_space<vmem>> -> memref<1x80xi32, #tpu.memory_space<vmem>>
    %dma_start3A_62 = tpu.memref_squeeze %dma_start3A_61 : memref<1x80xi32, #tpu.memory_space<vmem>> -> memref<80xi32, #tpu.memory_space<vmem>>
    %dma_start3A_63 = arith.constant 0 : i32
    %dma_start3A_64 = arith.constant 0 : i32
    %dma_start3A_65 = tpu.memref_slice %arg2[%dma_start3A_63, %dma_start3A_64] : memref<10000x64xf32, #tpu.memory_space<hbm>> -> memref<10000x64xf32, #tpu.memory_space<hbm>>
    %dma_start3A_66 = tpu.memref_slice %arg11[%dma_start3A_55] : memref<4x!tpu.dma_semaphore, #tpu.memory_space<semaphore_mem>> -> memref<1x!tpu.dma_semaphore, #tpu.memory_space<semaphore_mem>>
    %dma_start3A_67 = tpu.memref_squeeze %dma_start3A_66 : memref<1x!tpu.dma_semaphore, #tpu.memory_space<semaphore_mem>> -> memref<!tpu.dma_semaphore, #tpu.memory_space<semaphore_mem>>
    tpu.enqueue_indirect_dma source(%dma_start3A_65 : memref<10000x64xf32, #tpu.memory_space<hbm>>) target(%dma_start3A_59 : memref<80x64xf32, #tpu.memory_space<vmem>>) offsets(%dma_start3A_62 : memref<80xi32, #tpu.memory_space<vmem>>) semaphore(%dma_start3A_67 : memref<!tpu.dma_semaphore, #tpu.memory_space<semaphore_mem>>)
    %scan3A_68 = arith.constant 0 : i32
    %scan3A_69 = arith.constant 0 : i32
    %scan3A_70 = arith.constant 125 : i32
    %scan3A_71 = arith.addi %scan3A_69, %scan3A_70 : i32
    %scan3A_72 = arith.constant 1 : i32
    scf.for %scan3A_93 = %scan3A_69 to %scan3A_71 step %scan3A_72  : i32 {
      %rem3A = arith.constant 4 : i32
      %rem3A_94 = arith.remsi %scan3A_93, %rem3A : i32
      %add3A_95 = arith.constant 2 : i32
      %add3A_96 = arith.addi %scan3A_93, %add3A_95 : i32
      %rem3A_97 = arith.constant 4 : i32
      %rem3A_98 = arith.remsi %add3A_96, %rem3A_97 : i32
      %ge3A = arith.constant 1 : i32
      %ge3A_99 = arith.cmpi sge, %scan3A_93, %ge3A : i32
      %convert_element_type3A = arith.extui %ge3A_99 : i1 to i32
      %cond3A = arith.constant 0 : i32
      %cond3A_100 = arith.cmpi ne, %convert_element_type3A, %cond3A : i32
      scf.if %cond3A_100 {
        %sub3A = arith.constant 1 : i32
        %sub3A_131 = arith.subi %scan3A_93, %sub3A : i32
        %rem3A_132 = arith.constant 4 : i32
        %rem3A_133 = arith.remsi %sub3A_131, %rem3A_132 : i32
        %sub3A_134 = arith.constant 1 : i32
        %sub3A_135 = arith.subi %scan3A_93, %sub3A_134 : i32
        %sub3A_136 = arith.constant 1 : i32
        %sub3A_137 = arith.subi %scan3A_93, %sub3A_136 : i32
        %rem3A_138 = arith.constant 4 : i32
        %rem3A_139 = arith.remsi %sub3A_137, %rem3A_138 : i32
        %dma_wait3A_140 = arith.constant 0 : i32
        %dma_wait3A_141 = arith.constant 0 : i32
        %dma_wait3A_142 = tpu.memref_slice %arg8[%rem3A_133, %dma_wait3A_140, %dma_wait3A_141] : memref<4x80x64xf32, #tpu.memory_space<vmem>> -> memref<1x80x64xf32, #tpu.memory_space<vmem>>
        %dma_wait3A_143 = tpu.memref_squeeze %dma_wait3A_142 : memref<1x80x64xf32, #tpu.memory_space<vmem>> -> memref<80x64xf32, #tpu.memory_space<vmem>>
        %dma_wait3A_144 = arith.constant 0 : i32
        %dma_wait3A_145 = tpu.memref_slice %arg7[%sub3A_135, %dma_wait3A_144] : memref<125x80xi32, #tpu.memory_space<vmem>> -> memref<1x80xi32, #tpu.memory_space<vmem>>
        %dma_wait3A_146 = tpu.memref_squeeze %dma_wait3A_145 : memref<1x80xi32, #tpu.memory_space<vmem>> -> memref<80xi32, #tpu.memory_space<vmem>>
        %dma_wait3A_147 = arith.constant 0 : i32
        %dma_wait3A_148 = arith.constant 0 : i32
        %dma_wait3A_149 = tpu.memref_slice %arg10[%dma_wait3A_147, %dma_wait3A_148] : memref<10240x64xf32, #tpu.memory_space<vmem_shared>> -> memref<10240x64xf32, #tpu.memory_space<vmem_shared>>
        %dma_wait3A_150 = tpu.memref_slice %arg12[%rem3A_139] : memref<4x!tpu.dma_semaphore, #tpu.memory_space<semaphore_mem>> -> memref<1x!tpu.dma_semaphore, #tpu.memory_space<semaphore_mem>>
        %dma_wait3A_151 = tpu.memref_squeeze %dma_wait3A_150 : memref<1x!tpu.dma_semaphore, #tpu.memory_space<semaphore_mem>> -> memref<!tpu.dma_semaphore, #tpu.memory_space<semaphore_mem>>
        tpu.wait_indirect_dma semaphore(%dma_wait3A_151 : memref<!tpu.dma_semaphore, #tpu.memory_space<semaphore_mem>>) src(%dma_wait3A_143 : memref<80x64xf32, #tpu.memory_space<vmem>>) dst(%dma_wait3A_149 : memref<10240x64xf32, #tpu.memory_space<vmem_shared>>)
      } else {
      }
      %add3A_101 = arith.constant 2 : i32
      %add3A_102 = arith.addi %scan3A_93, %add3A_101 : i32
      %lt3A = arith.constant 125 : i32
      %lt3A_103 = arith.cmpi slt, %add3A_102, %lt3A : i32
      %convert_element_type3A_104 = arith.extui %lt3A_103 : i1 to i32
      %cond3A_105 = arith.constant 0 : i32
      %cond3A_106 = arith.cmpi ne, %convert_element_type3A_104, %cond3A_105 : i32
      scf.if %cond3A_106 {
        %add3A_131 = arith.constant 2 : i32
        %add3A_132 = arith.addi %scan3A_93, %add3A_131 : i32
        %dma_start3A_133 = arith.constant 0 : i32
        %dma_start3A_134 = arith.constant 0 : i32
        %dma_start3A_135 = tpu.memref_slice %arg8[%rem3A_98, %dma_start3A_133, %dma_start3A_134] : memref<4x80x64xf32, #tpu.memory_space<vmem>> -> memref<1x80x64xf32, #tpu.memory_space<vmem>>
        %dma_start3A_136 = tpu.memref_squeeze %dma_start3A_135 : memref<1x80x64xf32, #tpu.memory_space<vmem>> -> memref<80x64xf32, #tpu.memory_space<vmem>>
        %dma_start3A_137 = arith.constant 0 : i32
        %dma_start3A_138 = tpu.memref_slice %arg6[%add3A_132, %dma_start3A_137] : memref<125x80xi32, #tpu.memory_space<vmem>> -> memref<1x80xi32, #tpu.memory_space<vmem>>
        %dma_start3A_139 = tpu.memref_squeeze %dma_start3A_138 : memref<1x80xi32, #tpu.memory_space<vmem>> -> memref<80xi32, #tpu.memory_space<vmem>>
        %dma_start3A_140 = arith.constant 0 : i32
        %dma_start3A_141 = arith.constant 0 : i32
        %dma_start3A_142 = tpu.memref_slice %arg2[%dma_start3A_140, %dma_start3A_141] : memref<10000x64xf32, #tpu.memory_space<hbm>> -> memref<10000x64xf32, #tpu.memory_space<hbm>>
        %dma_start3A_143 = tpu.memref_slice %arg11[%rem3A_98] : memref<4x!tpu.dma_semaphore, #tpu.memory_space<semaphore_mem>> -> memref<1x!tpu.dma_semaphore, #tpu.memory_space<semaphore_mem>>
        %dma_start3A_144 = tpu.memref_squeeze %dma_start3A_143 : memref<1x!tpu.dma_semaphore, #tpu.memory_space<semaphore_mem>> -> memref<!tpu.dma_semaphore, #tpu.memory_space<semaphore_mem>>
        tpu.enqueue_indirect_dma source(%dma_start3A_142 : memref<10000x64xf32, #tpu.memory_space<hbm>>) target(%dma_start3A_136 : memref<80x64xf32, #tpu.memory_space<vmem>>) offsets(%dma_start3A_139 : memref<80xi32, #tpu.memory_space<vmem>>) semaphore(%dma_start3A_144 : memref<!tpu.dma_semaphore, #tpu.memory_space<semaphore_mem>>)
      } else {
      }
      %dma_wait3A_107 = arith.constant 0 : i32
      %dma_wait3A_108 = arith.constant 0 : i32
      %dma_wait3A_109 = tpu.memref_slice %arg8[%rem3A_94, %dma_wait3A_107, %dma_wait3A_108] : memref<4x80x64xf32, #tpu.memory_space<vmem>> -> memref<1x80x64xf32, #tpu.memory_space<vmem>>
      %dma_wait3A_110 = tpu.memref_squeeze %dma_wait3A_109 : memref<1x80x64xf32, #tpu.memory_space<vmem>> -> memref<80x64xf32, #tpu.memory_space<vmem>>
      %dma_wait3A_111 = arith.constant 0 : i32
      %dma_wait3A_112 = tpu.memref_slice %arg6[%scan3A_93, %dma_wait3A_111] : memref<125x80xi32, #tpu.memory_space<vmem>> -> memref<1x80xi32, #tpu.memory_space<vmem>>
      %dma_wait3A_113 = tpu.memref_squeeze %dma_wait3A_112 : memref<1x80xi32, #tpu.memory_space<vmem>> -> memref<80xi32, #tpu.memory_space<vmem>>
      %dma_wait3A_114 = arith.constant 0 : i32
      %dma_wait3A_115 = arith.constant 0 : i32
      %dma_wait3A_116 = tpu.memref_slice %arg2[%dma_wait3A_114, %dma_wait3A_115] : memref<10000x64xf32, #tpu.memory_space<hbm>> -> memref<10000x64xf32, #tpu.memory_space<hbm>>
      %dma_wait3A_117 = tpu.memref_slice %arg11[%rem3A_94] : memref<4x!tpu.dma_semaphore, #tpu.memory_space<semaphore_mem>> -> memref<1x!tpu.dma_semaphore, #tpu.memory_space<semaphore_mem>>
      %dma_wait3A_118 = tpu.memref_squeeze %dma_wait3A_117 : memref<1x!tpu.dma_semaphore, #tpu.memory_space<semaphore_mem>> -> memref<!tpu.dma_semaphore, #tpu.memory_space<semaphore_mem>>
      tpu.wait_indirect_dma semaphore(%dma_wait3A_118 : memref<!tpu.dma_semaphore, #tpu.memory_space<semaphore_mem>>) src(%dma_wait3A_116 : memref<10000x64xf32, #tpu.memory_space<hbm>>) dst(%dma_wait3A_110 : memref<80x64xf32, #tpu.memory_space<vmem>>)
      %dma_start3A_119 = arith.constant 0 : i32
      %dma_start3A_120 = arith.constant 0 : i32
      %dma_start3A_121 = tpu.memref_slice %arg8[%rem3A_94, %dma_start3A_119, %dma_start3A_120] : memref<4x80x64xf32, #tpu.memory_space<vmem>> -> memref<1x80x64xf32, #tpu.memory_space<vmem>>
      %dma_start3A_122 = tpu.memref_squeeze %dma_start3A_121 : memref<1x80x64xf32, #tpu.memory_space<vmem>> -> memref<80x64xf32, #tpu.memory_space<vmem>>
      %dma_start3A_123 = arith.constant 0 : i32
      %dma_start3A_124 = tpu.memref_slice %arg7[%scan3A_93, %dma_start3A_123] : memref<125x80xi32, #tpu.memory_space<vmem>> -> memref<1x80xi32, #tpu.memory_space<vmem>>
      %dma_start3A_125 = tpu.memref_squeeze %dma_start3A_124 : memref<1x80xi32, #tpu.memory_space<vmem>> -> memref<80xi32, #tpu.memory_space<vmem>>
      %dma_start3A_126 = arith.constant 0 : i32
      %dma_start3A_127 = arith.constant 0 : i32
      %dma_start3A_128 = tpu.memref_slice %arg10[%dma_start3A_126, %dma_start3A_127] : memref<10240x64xf32, #tpu.memory_space<vmem_shared>> -> memref<10240x64xf32, #tpu.memory_space<vmem_shared>>
      %dma_start3A_129 = tpu.memref_slice %arg12[%rem3A_94] : memref<4x!tpu.dma_semaphore, #tpu.memory_space<semaphore_mem>> -> memref<1x!tpu.dma_semaphore, #tpu.memory_space<semaphore_mem>>
      %dma_start3A_130 = tpu.memref_squeeze %dma_start3A_129 : memref<1x!tpu.dma_semaphore, #tpu.memory_space<semaphore_mem>> -> memref<!tpu.dma_semaphore, #tpu.memory_space<semaphore_mem>>
      tpu.enqueue_indirect_dma source(%dma_start3A_122 : memref<80x64xf32, #tpu.memory_space<vmem>>) target(%dma_start3A_128 : memref<10240x64xf32, #tpu.memory_space<vmem_shared>>) offsets(%dma_start3A_125 : memref<80xi32, #tpu.memory_space<vmem>>) semaphore(%dma_start3A_130 : memref<!tpu.dma_semaphore, #tpu.memory_space<semaphore_mem>>) {add = true}
    }
    %scan3A_73 = arith.constant 125 : i32
    %dma_wait3A = arith.constant 0 : i32
    %dma_wait3A_74 = arith.constant 124 : i32
    %dma_wait3A_75 = arith.constant 0 : i32
    %dma_wait3A_76 = arith.constant 0 : i32
    %dma_wait3A_77 = arith.constant 0 : i32
    %dma_wait3A_78 = tpu.memref_slice %arg8[%dma_wait3A, %dma_wait3A_76, %dma_wait3A_77] : memref<4x80x64xf32, #tpu.memory_space<vmem>> -> memref<1x80x64xf32, #tpu.memory_space<vmem>>
    %dma_wait3A_79 = tpu.memref_squeeze %dma_wait3A_78 : memref<1x80x64xf32, #tpu.memory_space<vmem>> -> memref<80x64xf32, #tpu.memory_space<vmem>>
    %dma_wait3A_80 = arith.constant 0 : i32
    %dma_wait3A_81 = tpu.memref_slice %arg7[%dma_wait3A_74, %dma_wait3A_80] : memref<125x80xi32, #tpu.memory_space<vmem>> -> memref<1x80xi32, #tpu.memory_space<vmem>>
    %dma_wait3A_82 = tpu.memref_squeeze %dma_wait3A_81 : memref<1x80xi32, #tpu.memory_space<vmem>> -> memref<80xi32, #tpu.memory_space<vmem>>
    %dma_wait3A_83 = arith.constant 0 : i32
    %dma_wait3A_84 = arith.constant 0 : i32
    %dma_wait3A_85 = tpu.memref_slice %arg10[%dma_wait3A_83, %dma_wait3A_84] : memref<10240x64xf32, #tpu.memory_space<vmem_shared>> -> memref<10240x64xf32, #tpu.memory_space<vmem_shared>>
    %dma_wait3A_86 = tpu.memref_slice %arg12[%dma_wait3A_75] : memref<4x!tpu.dma_semaphore, #tpu.memory_space<semaphore_mem>> -> memref<1x!tpu.dma_semaphore, #tpu.memory_space<semaphore_mem>>
    %dma_wait3A_87 = tpu.memref_squeeze %dma_wait3A_86 : memref<1x!tpu.dma_semaphore, #tpu.memory_space<semaphore_mem>> -> memref<!tpu.dma_semaphore, #tpu.memory_space<semaphore_mem>>
    tpu.wait_indirect_dma semaphore(%dma_wait3A_87 : memref<!tpu.dma_semaphore, #tpu.memory_space<semaphore_mem>>) src(%dma_wait3A_79 : memref<80x64xf32, #tpu.memory_space<vmem>>) dst(%dma_wait3A_85 : memref<10240x64xf32, #tpu.memory_space<vmem_shared>>)
    %barrier3A_88 = arith.constant 0 : index
    tpu.barrier barrier_id(%barrier3A_88)
    %mul3A_89 = arith.constant 640 : i32
    %mul3A_90 = arith.muli %arg1, %mul3A_89 : i32
    %mul3A_91 = arith.constant 640 : i32
    %mul3A_92 = arith.muli %arg1, %mul3A_91 : i32
    "tpu.region"() ({
      %run_scoped3A = tpu.sem_alloc : memref<!tpu.dma_semaphore, #tpu.memory_space<semaphore_mem>>
      %dma_start3A_93 = arith.constant 0 : i32
      %dma_start3A_94 = tpu.memref_slice %arg5[%arg0, %mul3A_92, %dma_start3A_93] : memref<2x10240x64xf32, #tpu.memory_space<hbm>> -> memref<1x640x64xf32, #tpu.memory_space<hbm>>
      %dma_start3A_95 = tpu.memref_squeeze %dma_start3A_94 : memref<1x640x64xf32, #tpu.memory_space<hbm>> -> memref<640x64xf32, #tpu.memory_space<hbm>>
      %dma_start3A_96 = arith.constant 0 : i32
      %dma_start3A_97 = tpu.memref_slice %arg10[%mul3A_90, %dma_start3A_96] : memref<10240x64xf32, #tpu.memory_space<vmem_shared>> -> memref<640x64xf32, #tpu.memory_space<vmem_shared>>
      tpu.enqueue_dma source(%dma_start3A_97 : memref<640x64xf32, #tpu.memory_space<vmem_shared>>) target(%dma_start3A_95 : memref<640x64xf32, #tpu.memory_space<hbm>>) target_semaphore(%run_scoped3A : memref<!tpu.dma_semaphore, #tpu.memory_space<semaphore_mem>>)
      %dma_wait3A_98 = arith.constant 0 : i32
      %dma_wait3A_99 = tpu.memref_slice %arg5[%arg0, %mul3A_92, %dma_wait3A_98] : memref<2x10240x64xf32, #tpu.memory_space<hbm>> -> memref<1x640x64xf32, #tpu.memory_space<hbm>>
      %dma_wait3A_100 = tpu.memref_squeeze %dma_wait3A_99 : memref<1x640x64xf32, #tpu.memory_space<hbm>> -> memref<640x64xf32, #tpu.memory_space<hbm>>
      %dma_wait3A_101 = arith.constant 0 : i32
      %dma_wait3A_102 = tpu.memref_slice %arg10[%mul3A_90, %dma_wait3A_101] : memref<10240x64xf32, #tpu.memory_space<vmem_shared>> -> memref<640x64xf32, #tpu.memory_space<vmem_shared>>
      tpu.wait_dma2 semaphore(%run_scoped3A : memref<!tpu.dma_semaphore, #tpu.memory_space<semaphore_mem>>) src(%dma_wait3A_102 : memref<640x64xf32, #tpu.memory_space<vmem_shared>>) dst(%dma_wait3A_100 : memref<640x64xf32, #tpu.memory_space<hbm>>)
      tpu.yield
    }) : () -> ()
    return
  }
}

#map = affine_map<(d0, d1) -> (0, 0, 0)>
module attributes {stable_mosaic.version = 14 : i64} {
  func.func @count(%arg0: i32, %arg1: i32, %arg2: memref<32x125x80xi32, #tpu.memory_space<hbm>>, %arg3: memref<2x10240x16xf32, #tpu.memory_space<hbm>>, %arg4: memref<125x80xi32, #tpu.memory_space<vmem>>, %arg5: memref<80x16xf32, #tpu.memory_space<vmem>>, %arg6: memref<80x16xf32, #tpu.memory_space<vmem>>, %arg7: memref<10240x16xf32, #tpu.memory_space<vmem_shared>>, %arg8: memref<!tpu.dma_semaphore, #tpu.memory_space<semaphore_mem>>) attributes {dimension_semantics = [#tpu.dimension_semantics<core_parallel>, #tpu.dimension_semantics<subcore_parallel>], iteration_bounds = array<i64: 2, 16>, scalar_prefetch = 0 : i64, scratch_operands = 5 : i64, tpu.core_type = #tpu.core_type<sc_vector_subcore>, window_params = [{transform_indices = #map}, {transform_indices = #map}]} {
    %mul3A = arith.constant 16 : i32
    %mul3A_0 = arith.muli %arg0, %mul3A : i32
    %add3A = arith.addi %mul3A_0, %arg1 : i32
    %broadcast_in_dim3A = arith.constant 0.000000e+00 : f32
    %broadcast_in_dim3A_1 = vector.broadcast %broadcast_in_dim3A : f32 to vector<16xf32>
    %broadcast_in_dim3A_2 = arith.constant 1.000000e+00 : f32
    %broadcast_in_dim3A_3 = vector.broadcast %broadcast_in_dim3A_2 : f32 to vector<16xf32>
    %scan3A = arith.constant 0 : i32
    %scan3A_4 = arith.constant 0 : i32
    %scan3A_5 = arith.constant 80 : i32
    %scan3A_6 = arith.addi %scan3A_4, %scan3A_5 : i32
    %scan3A_7 = arith.constant 1 : i32
    scf.for %scan3A_64 = %scan3A_4 to %scan3A_6 step %scan3A_7  : i32 {
      %swap3A = arith.index_cast %scan3A_64 : i32 to index
      %swap3A_65 = arith.constant 0 : index
      %swap3A_66 = tpu.vector_load %arg6[%swap3A, %swap3A_65] {strides = array<i32>} : memref<80x16xf32, #tpu.memory_space<vmem>>, vector<1x16xf32>,
      %swap3A_67 = vector.shape_cast %swap3A_66 : vector<1x16xf32> to vector<16xf32>
      %swap3A_68 = vector.shape_cast %broadcast_in_dim3A_1 : vector<16xf32> to vector<1x16xf32>
      tpu.vector_store %arg6[%swap3A, %swap3A_65], %swap3A_68 {strides = array<i32>} : memref<80x16xf32, #tpu.memory_space<vmem>>, vector<1x16xf32>,
    }
    %scan3A_8 = arith.constant 80 : i32
    %scan3A_9 = arith.constant 0 : i32
    %scan3A_10 = arith.constant 0 : i32
    %scan3A_11 = arith.constant 80 : i32
    %scan3A_12 = arith.addi %scan3A_10, %scan3A_11 : i32
    %scan3A_13 = arith.constant 1 : i32
    scf.for %scan3A_64 = %scan3A_10 to %scan3A_12 step %scan3A_13  : i32 {
      %swap3A = arith.index_cast %scan3A_64 : i32 to index
      %swap3A_65 = arith.constant 0 : index
      %swap3A_66 = tpu.vector_load %arg5[%swap3A, %swap3A_65] {strides = array<i32>} : memref<80x16xf32, #tpu.memory_space<vmem>>, vector<1x16xf32>,
      %swap3A_67 = vector.shape_cast %swap3A_66 : vector<1x16xf32> to vector<16xf32>
      %swap3A_68 = vector.shape_cast %broadcast_in_dim3A_3 : vector<16xf32> to vector<1x16xf32>
      tpu.vector_store %arg5[%swap3A, %swap3A_65], %swap3A_68 {strides = array<i32>} : memref<80x16xf32, #tpu.memory_space<vmem>>, vector<1x16xf32>,
    }
    %scan3A_14 = arith.constant 80 : i32
    %mul3A_15 = arith.constant 640 : i32
    %mul3A_16 = arith.muli %arg1, %mul3A_15 : i32
    %add3A_17 = arith.constant 0 : i32
    %add3A_18 = arith.addi %mul3A_16, %add3A_17 : i32
    "tpu.region"() ({
      %run_scoped3A = tpu.sem_alloc : memref<!tpu.dma_semaphore, #tpu.memory_space<semaphore_mem>>
      %dma_start3A = arith.constant 0 : i32
      %dma_start3A_64 = tpu.memref_slice %arg7[%add3A_18, %dma_start3A] : memref<10240x16xf32, #tpu.memory_space<vmem_shared>> -> memref<80x16xf32, #tpu.memory_space<vmem_shared>>
      %dma_start3A_65 = arith.constant 0 : i32
      %dma_start3A_66 = tpu.memref_slice %arg7[%add3A_18, %dma_start3A_65] : memref<10240x16xf32, #tpu.memory_space<vmem_shared>> -> memref<80x16xf32, #tpu.memory_space<vmem_shared>>
      tpu.enqueue_dma source(%arg6 : memref<80x16xf32, #tpu.memory_space<vmem>>) target(%dma_start3A_66 : memref<80x16xf32, #tpu.memory_space<vmem_shared>>) target_semaphore(%run_scoped3A : memref<!tpu.dma_semaphore, #tpu.memory_space<semaphore_mem>>)
      %dma_wait3A_67 = arith.constant 0 : i32
      %dma_wait3A_68 = tpu.memref_slice %arg7[%add3A_18, %dma_wait3A_67] : memref<10240x16xf32, #tpu.memory_space<vmem_shared>> -> memref<80x16xf32, #tpu.memory_space<vmem_shared>>
      %dma_wait3A_69 = arith.constant 0 : i32
      %dma_wait3A_70 = tpu.memref_slice %arg7[%add3A_18, %dma_wait3A_69] : memref<10240x16xf32, #tpu.memory_space<vmem_shared>> -> memref<80x16xf32, #tpu.memory_space<vmem_shared>>
      tpu.wait_dma2 semaphore(%run_scoped3A : memref<!tpu.dma_semaphore, #tpu.memory_space<semaphore_mem>>) src(%arg6 : memref<80x16xf32, #tpu.memory_space<vmem>>) dst(%dma_wait3A_70 : memref<80x16xf32, #tpu.memory_space<vmem_shared>>)
      tpu.yield
    }) : () -> ()
    %mul3A_19 = arith.constant 640 : i32
    %mul3A_20 = arith.muli %arg1, %mul3A_19 : i32
    %add3A_21 = arith.constant 80 : i32
    %add3A_22 = arith.addi %mul3A_20, %add3A_21 : i32
    "tpu.region"() ({
      %run_scoped3A = tpu.sem_alloc : memref<!tpu.dma_semaphore, #tpu.memory_space<semaphore_mem>>
      %dma_start3A = arith.constant 0 : i32
      %dma_start3A_64 = tpu.memref_slice %arg7[%add3A_22, %dma_start3A] : memref<10240x16xf32, #tpu.memory_space<vmem_shared>> -> memref<80x16xf32, #tpu.memory_space<vmem_shared>>
      %dma_start3A_65 = arith.constant 0 : i32
      %dma_start3A_66 = tpu.memref_slice %arg7[%add3A_22, %dma_start3A_65] : memref<10240x16xf32, #tpu.memory_space<vmem_shared>> -> memref<80x16xf32, #tpu.memory_space<vmem_shared>>
      tpu.enqueue_dma source(%arg6 : memref<80x16xf32, #tpu.memory_space<vmem>>) target(%dma_start3A_66 : memref<80x16xf32, #tpu.memory_space<vmem_shared>>) target_semaphore(%run_scoped3A : memref<!tpu.dma_semaphore, #tpu.memory_space<semaphore_mem>>)
      %dma_wait3A_67 = arith.constant 0 : i32
      %dma_wait3A_68 = tpu.memref_slice %arg7[%add3A_22, %dma_wait3A_67] : memref<10240x16xf32, #tpu.memory_space<vmem_shared>> -> memref<80x16xf32, #tpu.memory_space<vmem_shared>>
      %dma_wait3A_69 = arith.constant 0 : i32
      %dma_wait3A_70 = tpu.memref_slice %arg7[%add3A_22, %dma_wait3A_69] : memref<10240x16xf32, #tpu.memory_space<vmem_shared>> -> memref<80x16xf32, #tpu.memory_space<vmem_shared>>
      tpu.wait_dma2 semaphore(%run_scoped3A : memref<!tpu.dma_semaphore, #tpu.memory_space<semaphore_mem>>) src(%arg6 : memref<80x16xf32, #tpu.memory_space<vmem>>) dst(%dma_wait3A_70 : memref<80x16xf32, #tpu.memory_space<vmem_shared>>)
      tpu.yield
    }) : () -> ()
    %mul3A_23 = arith.constant 640 : i32
    %mul3A_24 = arith.muli %arg1, %mul3A_23 : i32
    %add3A_25 = arith.constant 160 : i32
    %add3A_26 = arith.addi %mul3A_24, %add3A_25 : i32
    "tpu.region"() ({
      %run_scoped3A = tpu.sem_alloc : memref<!tpu.dma_semaphore, #tpu.memory_space<semaphore_mem>>
      %dma_start3A = arith.constant 0 : i32
      %dma_start3A_64 = tpu.memref_slice %arg7[%add3A_26, %dma_start3A] : memref<10240x16xf32, #tpu.memory_space<vmem_shared>> -> memref<80x16xf32, #tpu.memory_space<vmem_shared>>
      %dma_start3A_65 = arith.constant 0 : i32
      %dma_start3A_66 = tpu.memref_slice %arg7[%add3A_26, %dma_start3A_65] : memref<10240x16xf32, #tpu.memory_space<vmem_shared>> -> memref<80x16xf32, #tpu.memory_space<vmem_shared>>
      tpu.enqueue_dma source(%arg6 : memref<80x16xf32, #tpu.memory_space<vmem>>) target(%dma_start3A_66 : memref<80x16xf32, #tpu.memory_space<vmem_shared>>) target_semaphore(%run_scoped3A : memref<!tpu.dma_semaphore, #tpu.memory_space<semaphore_mem>>)
      %dma_wait3A_67 = arith.constant 0 : i32
      %dma_wait3A_68 = tpu.memref_slice %arg7[%add3A_26, %dma_wait3A_67] : memref<10240x16xf32, #tpu.memory_space<vmem_shared>> -> memref<80x16xf32, #tpu.memory_space<vmem_shared>>
      %dma_wait3A_69 = arith.constant 0 : i32
      %dma_wait3A_70 = tpu.memref_slice %arg7[%add3A_26, %dma_wait3A_69] : memref<10240x16xf32, #tpu.memory_space<vmem_shared>> -> memref<80x16xf32, #tpu.memory_space<vmem_shared>>
      tpu.wait_dma2 semaphore(%run_scoped3A : memref<!tpu.dma_semaphore, #tpu.memory_space<semaphore_mem>>) src(%arg6 : memref<80x16xf32, #tpu.memory_space<vmem>>) dst(%dma_wait3A_70 : memref<80x16xf32, #tpu.memory_space<vmem_shared>>)
      tpu.yield
    }) : () -> ()
    %mul3A_27 = arith.constant 640 : i32
    %mul3A_28 = arith.muli %arg1, %mul3A_27 : i32
    %add3A_29 = arith.constant 240 : i32
    %add3A_30 = arith.addi %mul3A_28, %add3A_29 : i32
    "tpu.region"() ({
      %run_scoped3A = tpu.sem_alloc : memref<!tpu.dma_semaphore, #tpu.memory_space<semaphore_mem>>
      %dma_start3A = arith.constant 0 : i32
      %dma_start3A_64 = tpu.memref_slice %arg7[%add3A_30, %dma_start3A] : memref<10240x16xf32, #tpu.memory_space<vmem_shared>> -> memref<80x16xf32, #tpu.memory_space<vmem_shared>>
      %dma_start3A_65 = arith.constant 0 : i32
      %dma_start3A_66 = tpu.memref_slice %arg7[%add3A_30, %dma_start3A_65] : memref<10240x16xf32, #tpu.memory_space<vmem_shared>> -> memref<80x16xf32, #tpu.memory_space<vmem_shared>>
      tpu.enqueue_dma source(%arg6 : memref<80x16xf32, #tpu.memory_space<vmem>>) target(%dma_start3A_66 : memref<80x16xf32, #tpu.memory_space<vmem_shared>>) target_semaphore(%run_scoped3A : memref<!tpu.dma_semaphore, #tpu.memory_space<semaphore_mem>>)
      %dma_wait3A_67 = arith.constant 0 : i32
      %dma_wait3A_68 = tpu.memref_slice %arg7[%add3A_30, %dma_wait3A_67] : memref<10240x16xf32, #tpu.memory_space<vmem_shared>> -> memref<80x16xf32, #tpu.memory_space<vmem_shared>>
      %dma_wait3A_69 = arith.constant 0 : i32
      %dma_wait3A_70 = tpu.memref_slice %arg7[%add3A_30, %dma_wait3A_69] : memref<10240x16xf32, #tpu.memory_space<vmem_shared>> -> memref<80x16xf32, #tpu.memory_space<vmem_shared>>
      tpu.wait_dma2 semaphore(%run_scoped3A : memref<!tpu.dma_semaphore, #tpu.memory_space<semaphore_mem>>) src(%arg6 : memref<80x16xf32, #tpu.memory_space<vmem>>) dst(%dma_wait3A_70 : memref<80x16xf32, #tpu.memory_space<vmem_shared>>)
      tpu.yield
    }) : () -> ()
    %mul3A_31 = arith.constant 640 : i32
    %mul3A_32 = arith.muli %arg1, %mul3A_31 : i32
    %add3A_33 = arith.constant 320 : i32
    %add3A_34 = arith.addi %mul3A_32, %add3A_33 : i32
    "tpu.region"() ({
      %run_scoped3A = tpu.sem_alloc : memref<!tpu.dma_semaphore, #tpu.memory_space<semaphore_mem>>
      %dma_start3A = arith.constant 0 : i32
      %dma_start3A_64 = tpu.memref_slice %arg7[%add3A_34, %dma_start3A] : memref<10240x16xf32, #tpu.memory_space<vmem_shared>> -> memref<80x16xf32, #tpu.memory_space<vmem_shared>>
      %dma_start3A_65 = arith.constant 0 : i32
      %dma_start3A_66 = tpu.memref_slice %arg7[%add3A_34, %dma_start3A_65] : memref<10240x16xf32, #tpu.memory_space<vmem_shared>> -> memref<80x16xf32, #tpu.memory_space<vmem_shared>>
      tpu.enqueue_dma source(%arg6 : memref<80x16xf32, #tpu.memory_space<vmem>>) target(%dma_start3A_66 : memref<80x16xf32, #tpu.memory_space<vmem_shared>>) target_semaphore(%run_scoped3A : memref<!tpu.dma_semaphore, #tpu.memory_space<semaphore_mem>>)
      %dma_wait3A_67 = arith.constant 0 : i32
      %dma_wait3A_68 = tpu.memref_slice %arg7[%add3A_34, %dma_wait3A_67] : memref<10240x16xf32, #tpu.memory_space<vmem_shared>> -> memref<80x16xf32, #tpu.memory_space<vmem_shared>>
      %dma_wait3A_69 = arith.constant 0 : i32
      %dma_wait3A_70 = tpu.memref_slice %arg7[%add3A_34, %dma_wait3A_69] : memref<10240x16xf32, #tpu.memory_space<vmem_shared>> -> memref<80x16xf32, #tpu.memory_space<vmem_shared>>
      tpu.wait_dma2 semaphore(%run_scoped3A : memref<!tpu.dma_semaphore, #tpu.memory_space<semaphore_mem>>) src(%arg6 : memref<80x16xf32, #tpu.memory_space<vmem>>) dst(%dma_wait3A_70 : memref<80x16xf32, #tpu.memory_space<vmem_shared>>)
      tpu.yield
    }) : () -> ()
    %mul3A_35 = arith.constant 640 : i32
    %mul3A_36 = arith.muli %arg1, %mul3A_35 : i32
    %add3A_37 = arith.constant 400 : i32
    %add3A_38 = arith.addi %mul3A_36, %add3A_37 : i32
    "tpu.region"() ({
      %run_scoped3A = tpu.sem_alloc : memref<!tpu.dma_semaphore, #tpu.memory_space<semaphore_mem>>
      %dma_start3A = arith.constant 0 : i32
      %dma_start3A_64 = tpu.memref_slice %arg7[%add3A_38, %dma_start3A] : memref<10240x16xf32, #tpu.memory_space<vmem_shared>> -> memref<80x16xf32, #tpu.memory_space<vmem_shared>>
      %dma_start3A_65 = arith.constant 0 : i32
      %dma_start3A_66 = tpu.memref_slice %arg7[%add3A_38, %dma_start3A_65] : memref<10240x16xf32, #tpu.memory_space<vmem_shared>> -> memref<80x16xf32, #tpu.memory_space<vmem_shared>>
      tpu.enqueue_dma source(%arg6 : memref<80x16xf32, #tpu.memory_space<vmem>>) target(%dma_start3A_66 : memref<80x16xf32, #tpu.memory_space<vmem_shared>>) target_semaphore(%run_scoped3A : memref<!tpu.dma_semaphore, #tpu.memory_space<semaphore_mem>>)
      %dma_wait3A_67 = arith.constant 0 : i32
      %dma_wait3A_68 = tpu.memref_slice %arg7[%add3A_38, %dma_wait3A_67] : memref<10240x16xf32, #tpu.memory_space<vmem_shared>> -> memref<80x16xf32, #tpu.memory_space<vmem_shared>>
      %dma_wait3A_69 = arith.constant 0 : i32
      %dma_wait3A_70 = tpu.memref_slice %arg7[%add3A_38, %dma_wait3A_69] : memref<10240x16xf32, #tpu.memory_space<vmem_shared>> -> memref<80x16xf32, #tpu.memory_space<vmem_shared>>
      tpu.wait_dma2 semaphore(%run_scoped3A : memref<!tpu.dma_semaphore, #tpu.memory_space<semaphore_mem>>) src(%arg6 : memref<80x16xf32, #tpu.memory_space<vmem>>) dst(%dma_wait3A_70 : memref<80x16xf32, #tpu.memory_space<vmem_shared>>)
      tpu.yield
    }) : () -> ()
    %mul3A_39 = arith.constant 640 : i32
    %mul3A_40 = arith.muli %arg1, %mul3A_39 : i32
    %add3A_41 = arith.constant 480 : i32
    %add3A_42 = arith.addi %mul3A_40, %add3A_41 : i32
    "tpu.region"() ({
      %run_scoped3A = tpu.sem_alloc : memref<!tpu.dma_semaphore, #tpu.memory_space<semaphore_mem>>
      %dma_start3A = arith.constant 0 : i32
      %dma_start3A_64 = tpu.memref_slice %arg7[%add3A_42, %dma_start3A] : memref<10240x16xf32, #tpu.memory_space<vmem_shared>> -> memref<80x16xf32, #tpu.memory_space<vmem_shared>>
      %dma_start3A_65 = arith.constant 0 : i32
      %dma_start3A_66 = tpu.memref_slice %arg7[%add3A_42, %dma_start3A_65] : memref<10240x16xf32, #tpu.memory_space<vmem_shared>> -> memref<80x16xf32, #tpu.memory_space<vmem_shared>>
      tpu.enqueue_dma source(%arg6 : memref<80x16xf32, #tpu.memory_space<vmem>>) target(%dma_start3A_66 : memref<80x16xf32, #tpu.memory_space<vmem_shared>>) target_semaphore(%run_scoped3A : memref<!tpu.dma_semaphore, #tpu.memory_space<semaphore_mem>>)
      %dma_wait3A_67 = arith.constant 0 : i32
      %dma_wait3A_68 = tpu.memref_slice %arg7[%add3A_42, %dma_wait3A_67] : memref<10240x16xf32, #tpu.memory_space<vmem_shared>> -> memref<80x16xf32, #tpu.memory_space<vmem_shared>>
      %dma_wait3A_69 = arith.constant 0 : i32
      %dma_wait3A_70 = tpu.memref_slice %arg7[%add3A_42, %dma_wait3A_69] : memref<10240x16xf32, #tpu.memory_space<vmem_shared>> -> memref<80x16xf32, #tpu.memory_space<vmem_shared>>
      tpu.wait_dma2 semaphore(%run_scoped3A : memref<!tpu.dma_semaphore, #tpu.memory_space<semaphore_mem>>) src(%arg6 : memref<80x16xf32, #tpu.memory_space<vmem>>) dst(%dma_wait3A_70 : memref<80x16xf32, #tpu.memory_space<vmem_shared>>)
      tpu.yield
    }) : () -> ()
    %mul3A_43 = arith.constant 640 : i32
    %mul3A_44 = arith.muli %arg1, %mul3A_43 : i32
    %add3A_45 = arith.constant 560 : i32
    %add3A_46 = arith.addi %mul3A_44, %add3A_45 : i32
    "tpu.region"() ({
      %run_scoped3A = tpu.sem_alloc : memref<!tpu.dma_semaphore, #tpu.memory_space<semaphore_mem>>
      %dma_start3A = arith.constant 0 : i32
      %dma_start3A_64 = tpu.memref_slice %arg7[%add3A_46, %dma_start3A] : memref<10240x16xf32, #tpu.memory_space<vmem_shared>> -> memref<80x16xf32, #tpu.memory_space<vmem_shared>>
      %dma_start3A_65 = arith.constant 0 : i32
      %dma_start3A_66 = tpu.memref_slice %arg7[%add3A_46, %dma_start3A_65] : memref<10240x16xf32, #tpu.memory_space<vmem_shared>> -> memref<80x16xf32, #tpu.memory_space<vmem_shared>>
      tpu.enqueue_dma source(%arg6 : memref<80x16xf32, #tpu.memory_space<vmem>>) target(%dma_start3A_66 : memref<80x16xf32, #tpu.memory_space<vmem_shared>>) target_semaphore(%run_scoped3A : memref<!tpu.dma_semaphore, #tpu.memory_space<semaphore_mem>>)
      %dma_wait3A_67 = arith.constant 0 : i32
      %dma_wait3A_68 = tpu.memref_slice %arg7[%add3A_46, %dma_wait3A_67] : memref<10240x16xf32, #tpu.memory_space<vmem_shared>> -> memref<80x16xf32, #tpu.memory_space<vmem_shared>>
      %dma_wait3A_69 = arith.constant 0 : i32
      %dma_wait3A_70 = tpu.memref_slice %arg7[%add3A_46, %dma_wait3A_69] : memref<10240x16xf32, #tpu.memory_space<vmem_shared>> -> memref<80x16xf32, #tpu.memory_space<vmem_shared>>
      tpu.wait_dma2 semaphore(%run_scoped3A : memref<!tpu.dma_semaphore, #tpu.memory_space<semaphore_mem>>) src(%arg6 : memref<80x16xf32, #tpu.memory_space<vmem>>) dst(%dma_wait3A_70 : memref<80x16xf32, #tpu.memory_space<vmem_shared>>)
      tpu.yield
    }) : () -> ()
    "tpu.region"() ({
      %run_scoped3A = tpu.sem_alloc : memref<!tpu.dma_semaphore, #tpu.memory_space<semaphore_mem>>
      %dma_start3A = arith.constant 0 : i32
      %dma_start3A_64 = arith.constant 0 : i32
      %dma_start3A_65 = tpu.memref_slice %arg2[%add3A, %dma_start3A, %dma_start3A_64] : memref<32x125x80xi32, #tpu.memory_space<hbm>> -> memref<1x125x80xi32, #tpu.memory_space<hbm>>
      %dma_start3A_66 = tpu.memref_squeeze %dma_start3A_65 : memref<1x125x80xi32, #tpu.memory_space<hbm>> -> memref<125x80xi32, #tpu.memory_space<hbm>>
      %dma_start3A_67 = arith.constant 0 : i32
      %dma_start3A_68 = arith.constant 0 : i32
      %dma_start3A_69 = tpu.memref_slice %arg2[%add3A, %dma_start3A_67, %dma_start3A_68] : memref<32x125x80xi32, #tpu.memory_space<hbm>> -> memref<1x125x80xi32, #tpu.memory_space<hbm>>
      %dma_start3A_70 = tpu.memref_squeeze %dma_start3A_69 : memref<1x125x80xi32, #tpu.memory_space<hbm>> -> memref<125x80xi32, #tpu.memory_space<hbm>>
      tpu.enqueue_dma source(%dma_start3A_70 : memref<125x80xi32, #tpu.memory_space<hbm>>) target(%arg4 : memref<125x80xi32, #tpu.memory_space<vmem>>) target_semaphore(%run_scoped3A : memref<!tpu.dma_semaphore, #tpu.memory_space<semaphore_mem>>)
      %dma_wait3A_71 = arith.constant 0 : i32
      %dma_wait3A_72 = arith.constant 0 : i32
      %dma_wait3A_73 = tpu.memref_slice %arg2[%add3A, %dma_wait3A_71, %dma_wait3A_72] : memref<32x125x80xi32, #tpu.memory_space<hbm>> -> memref<1x125x80xi32, #tpu.memory_space<hbm>>
      %dma_wait3A_74 = tpu.memref_squeeze %dma_wait3A_73 : memref<1x125x80xi32, #tpu.memory_space<hbm>> -> memref<125x80xi32, #tpu.memory_space<hbm>>
      %dma_wait3A_75 = arith.constant 0 : i32
      %dma_wait3A_76 = arith.constant 0 : i32
      %dma_wait3A_77 = tpu.memref_slice %arg2[%add3A, %dma_wait3A_75, %dma_wait3A_76] : memref<32x125x80xi32, #tpu.memory_space<hbm>> -> memref<1x125x80xi32, #tpu.memory_space<hbm>>
      %dma_wait3A_78 = tpu.memref_squeeze %dma_wait3A_77 : memref<1x125x80xi32, #tpu.memory_space<hbm>> -> memref<125x80xi32, #tpu.memory_space<hbm>>
      tpu.wait_dma2 semaphore(%run_scoped3A : memref<!tpu.dma_semaphore, #tpu.memory_space<semaphore_mem>>) src(%dma_wait3A_78 : memref<125x80xi32, #tpu.memory_space<hbm>>) dst(%arg4 : memref<125x80xi32, #tpu.memory_space<vmem>>)
      tpu.yield
    }) : () -> ()
    %barrier3A = arith.constant 0 : index
    tpu.barrier barrier_id(%barrier3A)
    %scan3A_47 = arith.constant 0 : i32
    %scan3A_48 = arith.constant 0 : i32
    %scan3A_49 = arith.constant 125 : i32
    %scan3A_50 = arith.addi %scan3A_48, %scan3A_49 : i32
    %scan3A_51 = arith.constant 1 : i32
    scf.for %scan3A_64 = %scan3A_48 to %scan3A_50 step %scan3A_51  : i32 {
      %ge3A = arith.constant 1 : i32
      %ge3A_65 = arith.cmpi sge, %scan3A_64, %ge3A : i32
      %convert_element_type3A = arith.extui %ge3A_65 : i1 to i32
      %cond3A = arith.constant 0 : i32
      %cond3A_66 = arith.cmpi ne, %convert_element_type3A, %cond3A : i32
      scf.if %cond3A_66 {
        %sub3A = arith.constant 1 : i32
        %sub3A_72 = arith.subi %scan3A_64, %sub3A : i32
        %dma_wait3A_73 = arith.constant 0 : i32
        %dma_wait3A_74 = tpu.memref_slice %arg4[%sub3A_72, %dma_wait3A_73] : memref<125x80xi32, #tpu.memory_space<vmem>> -> memref<1x80xi32, #tpu.memory_space<vmem>>
        %dma_wait3A_75 = tpu.memref_squeeze %dma_wait3A_74 : memref<1x80xi32, #tpu.memory_space<vmem>> -> memref<80xi32, #tpu.memory_space<vmem>>
        %dma_wait3A_76 = arith.constant 0 : i32
        %dma_wait3A_77 = arith.constant 0 : i32
        %dma_wait3A_78 = tpu.memref_slice %arg7[%dma_wait3A_76, %dma_wait3A_77] : memref<10240x16xf32, #tpu.memory_space<vmem_shared>> -> memref<10240x16xf32, #tpu.memory_space<vmem_shared>>
        tpu.wait_indirect_dma semaphore(%arg8 : memref<!tpu.dma_semaphore, #tpu.memory_space<semaphore_mem>>) src(%arg5 : memref<80x16xf32, #tpu.memory_space<vmem>>) dst(%dma_wait3A_78 : memref<10240x16xf32, #tpu.memory_space<vmem_shared>>)
      } else {
      }
      %dma_start3A = arith.constant 0 : i32
      %dma_start3A_67 = tpu.memref_slice %arg4[%scan3A_64, %dma_start3A] : memref<125x80xi32, #tpu.memory_space<vmem>> -> memref<1x80xi32, #tpu.memory_space<vmem>>
      %dma_start3A_68 = tpu.memref_squeeze %dma_start3A_67 : memref<1x80xi32, #tpu.memory_space<vmem>> -> memref<80xi32, #tpu.memory_space<vmem>>
      %dma_start3A_69 = arith.constant 0 : i32
      %dma_start3A_70 = arith.constant 0 : i32
      %dma_start3A_71 = tpu.memref_slice %arg7[%dma_start3A_69, %dma_start3A_70] : memref<10240x16xf32, #tpu.memory_space<vmem_shared>> -> memref<10240x16xf32, #tpu.memory_space<vmem_shared>>
      tpu.enqueue_indirect_dma source(%arg5 : memref<80x16xf32, #tpu.memory_space<vmem>>) target(%dma_start3A_71 : memref<10240x16xf32, #tpu.memory_space<vmem_shared>>) offsets(%dma_start3A_68 : memref<80xi32, #tpu.memory_space<vmem>>) semaphore(%arg8 : memref<!tpu.dma_semaphore, #tpu.memory_space<semaphore_mem>>) {add = true}
    }
    %scan3A_52 = arith.constant 125 : i32
    %dma_wait3A = arith.constant 124 : i32
    %dma_wait3A_53 = arith.constant 0 : i32
    %dma_wait3A_54 = tpu.memref_slice %arg4[%dma_wait3A, %dma_wait3A_53] : memref<125x80xi32, #tpu.memory_space<vmem>> -> memref<1x80xi32, #tpu.memory_space<vmem>>
    %dma_wait3A_55 = tpu.memref_squeeze %dma_wait3A_54 : memref<1x80xi32, #tpu.memory_space<vmem>> -> memref<80xi32, #tpu.memory_space<vmem>>
    %dma_wait3A_56 = arith.constant 0 : i32
    %dma_wait3A_57 = arith.constant 0 : i32
    %dma_wait3A_58 = tpu.memref_slice %arg7[%dma_wait3A_56, %dma_wait3A_57] : memref<10240x16xf32, #tpu.memory_space<vmem_shared>> -> memref<10240x16xf32, #tpu.memory_space<vmem_shared>>
    tpu.wait_indirect_dma semaphore(%arg8 : memref<!tpu.dma_semaphore, #tpu.memory_space<semaphore_mem>>) src(%arg5 : memref<80x16xf32, #tpu.memory_space<vmem>>) dst(%dma_wait3A_58 : memref<10240x16xf32, #tpu.memory_space<vmem_shared>>)
    %barrier3A_59 = arith.constant 0 : index
    tpu.barrier barrier_id(%barrier3A_59)
    %mul3A_60 = arith.constant 640 : i32
    %mul3A_61 = arith.muli %arg1, %mul3A_60 : i32
    %mul3A_62 = arith.constant 640 : i32
    %mul3A_63 = arith.muli %arg1, %mul3A_62 : i32
    "tpu.region"() ({
      %run_scoped3A = tpu.sem_alloc : memref<!tpu.dma_semaphore, #tpu.memory_space<semaphore_mem>>
      %dma_start3A = arith.constant 0 : i32
      %dma_start3A_64 = tpu.memref_slice %arg3[%arg0, %mul3A_63, %dma_start3A] : memref<2x10240x16xf32, #tpu.memory_space<hbm>> -> memref<1x640x16xf32, #tpu.memory_space<hbm>>
      %dma_start3A_65 = tpu.memref_squeeze %dma_start3A_64 : memref<1x640x16xf32, #tpu.memory_space<hbm>> -> memref<640x16xf32, #tpu.memory_space<hbm>>
      %dma_start3A_66 = arith.constant 0 : i32
      %dma_start3A_67 = tpu.memref_slice %arg7[%mul3A_61, %dma_start3A_66] : memref<10240x16xf32, #tpu.memory_space<vmem_shared>> -> memref<640x16xf32, #tpu.memory_space<vmem_shared>>
      tpu.enqueue_dma source(%dma_start3A_67 : memref<640x16xf32, #tpu.memory_space<vmem_shared>>) target(%dma_start3A_65 : memref<640x16xf32, #tpu.memory_space<hbm>>) target_semaphore(%run_scoped3A : memref<!tpu.dma_semaphore, #tpu.memory_space<semaphore_mem>>)
      %dma_wait3A_68 = arith.constant 0 : i32
      %dma_wait3A_69 = tpu.memref_slice %arg3[%arg0, %mul3A_63, %dma_wait3A_68] : memref<2x10240x16xf32, #tpu.memory_space<hbm>> -> memref<1x640x16xf32, #tpu.memory_space<hbm>>
      %dma_wait3A_70 = tpu.memref_squeeze %dma_wait3A_69 : memref<1x640x16xf32, #tpu.memory_space<hbm>> -> memref<640x16xf32, #tpu.memory_space<hbm>>
      %dma_wait3A_71 = arith.constant 0 : i32
      %dma_wait3A_72 = tpu.memref_slice %arg7[%mul3A_61, %dma_wait3A_71] : memref<10240x16xf32, #tpu.memory_space<vmem_shared>> -> memref<640x16xf32, #tpu.memory_space<vmem_shared>>
      tpu.wait_dma2 semaphore(%run_scoped3A : memref<!tpu.dma_semaphore, #tpu.memory_space<semaphore_mem>>) src(%dma_wait3A_72 : memref<640x16xf32, #tpu.memory_space<vmem_shared>>) dst(%dma_wait3A_70 : memref<640x16xf32, #tpu.memory_space<hbm>>)
      tpu.yield
    }) : () -> ()
    return
  }
}

#map = affine_map<(d0, d1) -> (0, 0)>
#map1 = affine_map<(d0, d1) -> (0, 0, 0)>
module attributes {stable_mosaic.version = 14 : i64} {
  func.func @prop(%arg0: i32, %arg1: i32, %arg2: memref<10000x16xf32, #tpu.memory_space<hbm>>, %arg3: memref<32x125x80xi32, #tpu.memory_space<hbm>>, %arg4: memref<32x125x80xi32, #tpu.memory_space<hbm>>, %arg5: memref<2x10240x16xf32, #tpu.memory_space<hbm>>, %arg6: memref<125x80xi32, #tpu.memory_space<vmem>>, %arg7: memref<125x80xi32, #tpu.memory_space<vmem>>, %arg8: memref<4x80x16xf32, #tpu.memory_space<vmem>>, %arg9: memref<80x16xf32, #tpu.memory_space<vmem>>, %arg10: memref<10240x16xf32, #tpu.memory_space<vmem_shared>>, %arg11: memref<4x!tpu.dma_semaphore, #tpu.memory_space<semaphore_mem>>, %arg12: memref<4x!tpu.dma_semaphore, #tpu.memory_space<semaphore_mem>>) attributes {dimension_semantics = [#tpu.dimension_semantics<core_parallel>, #tpu.dimension_semantics<subcore_parallel>], iteration_bounds = array<i64: 2, 16>, scalar_prefetch = 0 : i64, scratch_operands = 7 : i64, tpu.core_type = #tpu.core_type<sc_vector_subcore>, window_params = [{transform_indices = #map}, {transform_indices = #map1}, {transform_indices = #map1}, {transform_indices = #map1}]} {
    %mul3A = arith.constant 16 : i32
    %mul3A_0 = arith.muli %arg0, %mul3A : i32
    %add3A = arith.addi %mul3A_0, %arg1 : i32
    %broadcast_in_dim3A = arith.constant 0.000000e+00 : f32
    %broadcast_in_dim3A_1 = vector.broadcast %broadcast_in_dim3A : f32 to vector<16xf32>
    %scan3A = arith.constant 0 : i32
    %scan3A_2 = arith.constant 0 : i32
    %scan3A_3 = arith.constant 80 : i32
    %scan3A_4 = arith.addi %scan3A_2, %scan3A_3 : i32
    %scan3A_5 = arith.constant 1 : i32
    scf.for %scan3A_93 = %scan3A_2 to %scan3A_4 step %scan3A_5  : i32 {
      %swap3A = arith.index_cast %scan3A_93 : i32 to index
      %swap3A_94 = arith.constant 0 : index
      %swap3A_95 = tpu.vector_load %arg9[%swap3A, %swap3A_94] {strides = array<i32>} : memref<80x16xf32, #tpu.memory_space<vmem>>, vector<1x16xf32>,
      %swap3A_96 = vector.shape_cast %swap3A_95 : vector<1x16xf32> to vector<16xf32>
      %swap3A_97 = vector.shape_cast %broadcast_in_dim3A_1 : vector<16xf32> to vector<1x16xf32>
      tpu.vector_store %arg9[%swap3A, %swap3A_94], %swap3A_97 {strides = array<i32>} : memref<80x16xf32, #tpu.memory_space<vmem>>, vector<1x16xf32>,
    }
    %scan3A_6 = arith.constant 80 : i32
    %mul3A_7 = arith.constant 640 : i32
    %mul3A_8 = arith.muli %arg1, %mul3A_7 : i32
    %add3A_9 = arith.constant 0 : i32
    %add3A_10 = arith.addi %mul3A_8, %add3A_9 : i32
    "tpu.region"() ({
      %run_scoped3A = tpu.sem_alloc : memref<!tpu.dma_semaphore, #tpu.memory_space<semaphore_mem>>
      %dma_start3A_93 = arith.constant 0 : i32
      %dma_start3A_94 = tpu.memref_slice %arg10[%add3A_10, %dma_start3A_93] : memref<10240x16xf32, #tpu.memory_space<vmem_shared>> -> memref<80x16xf32, #tpu.memory_space<vmem_shared>>
      %dma_start3A_95 = arith.constant 0 : i32
      %dma_start3A_96 = tpu.memref_slice %arg10[%add3A_10, %dma_start3A_95] : memref<10240x16xf32, #tpu.memory_space<vmem_shared>> -> memref<80x16xf32, #tpu.memory_space<vmem_shared>>
      tpu.enqueue_dma source(%arg9 : memref<80x16xf32, #tpu.memory_space<vmem>>) target(%dma_start3A_96 : memref<80x16xf32, #tpu.memory_space<vmem_shared>>) target_semaphore(%run_scoped3A : memref<!tpu.dma_semaphore, #tpu.memory_space<semaphore_mem>>)
      %dma_wait3A_97 = arith.constant 0 : i32
      %dma_wait3A_98 = tpu.memref_slice %arg10[%add3A_10, %dma_wait3A_97] : memref<10240x16xf32, #tpu.memory_space<vmem_shared>> -> memref<80x16xf32, #tpu.memory_space<vmem_shared>>
      %dma_wait3A_99 = arith.constant 0 : i32
      %dma_wait3A_100 = tpu.memref_slice %arg10[%add3A_10, %dma_wait3A_99] : memref<10240x16xf32, #tpu.memory_space<vmem_shared>> -> memref<80x16xf32, #tpu.memory_space<vmem_shared>>
      tpu.wait_dma2 semaphore(%run_scoped3A : memref<!tpu.dma_semaphore, #tpu.memory_space<semaphore_mem>>) src(%arg9 : memref<80x16xf32, #tpu.memory_space<vmem>>) dst(%dma_wait3A_100 : memref<80x16xf32, #tpu.memory_space<vmem_shared>>)
      tpu.yield
    }) : () -> ()
    %mul3A_11 = arith.constant 640 : i32
    %mul3A_12 = arith.muli %arg1, %mul3A_11 : i32
    %add3A_13 = arith.constant 80 : i32
    %add3A_14 = arith.addi %mul3A_12, %add3A_13 : i32
    "tpu.region"() ({
      %run_scoped3A = tpu.sem_alloc : memref<!tpu.dma_semaphore, #tpu.memory_space<semaphore_mem>>
      %dma_start3A_93 = arith.constant 0 : i32
      %dma_start3A_94 = tpu.memref_slice %arg10[%add3A_14, %dma_start3A_93] : memref<10240x16xf32, #tpu.memory_space<vmem_shared>> -> memref<80x16xf32, #tpu.memory_space<vmem_shared>>
      %dma_start3A_95 = arith.constant 0 : i32
      %dma_start3A_96 = tpu.memref_slice %arg10[%add3A_14, %dma_start3A_95] : memref<10240x16xf32, #tpu.memory_space<vmem_shared>> -> memref<80x16xf32, #tpu.memory_space<vmem_shared>>
      tpu.enqueue_dma source(%arg9 : memref<80x16xf32, #tpu.memory_space<vmem>>) target(%dma_start3A_96 : memref<80x16xf32, #tpu.memory_space<vmem_shared>>) target_semaphore(%run_scoped3A : memref<!tpu.dma_semaphore, #tpu.memory_space<semaphore_mem>>)
      %dma_wait3A_97 = arith.constant 0 : i32
      %dma_wait3A_98 = tpu.memref_slice %arg10[%add3A_14, %dma_wait3A_97] : memref<10240x16xf32, #tpu.memory_space<vmem_shared>> -> memref<80x16xf32, #tpu.memory_space<vmem_shared>>
      %dma_wait3A_99 = arith.constant 0 : i32
      %dma_wait3A_100 = tpu.memref_slice %arg10[%add3A_14, %dma_wait3A_99] : memref<10240x16xf32, #tpu.memory_space<vmem_shared>> -> memref<80x16xf32, #tpu.memory_space<vmem_shared>>
      tpu.wait_dma2 semaphore(%run_scoped3A : memref<!tpu.dma_semaphore, #tpu.memory_space<semaphore_mem>>) src(%arg9 : memref<80x16xf32, #tpu.memory_space<vmem>>) dst(%dma_wait3A_100 : memref<80x16xf32, #tpu.memory_space<vmem_shared>>)
      tpu.yield
    }) : () -> ()
    %mul3A_15 = arith.constant 640 : i32
    %mul3A_16 = arith.muli %arg1, %mul3A_15 : i32
    %add3A_17 = arith.constant 160 : i32
    %add3A_18 = arith.addi %mul3A_16, %add3A_17 : i32
    "tpu.region"() ({
      %run_scoped3A = tpu.sem_alloc : memref<!tpu.dma_semaphore, #tpu.memory_space<semaphore_mem>>
      %dma_start3A_93 = arith.constant 0 : i32
      %dma_start3A_94 = tpu.memref_slice %arg10[%add3A_18, %dma_start3A_93] : memref<10240x16xf32, #tpu.memory_space<vmem_shared>> -> memref<80x16xf32, #tpu.memory_space<vmem_shared>>
      %dma_start3A_95 = arith.constant 0 : i32
      %dma_start3A_96 = tpu.memref_slice %arg10[%add3A_18, %dma_start3A_95] : memref<10240x16xf32, #tpu.memory_space<vmem_shared>> -> memref<80x16xf32, #tpu.memory_space<vmem_shared>>
      tpu.enqueue_dma source(%arg9 : memref<80x16xf32, #tpu.memory_space<vmem>>) target(%dma_start3A_96 : memref<80x16xf32, #tpu.memory_space<vmem_shared>>) target_semaphore(%run_scoped3A : memref<!tpu.dma_semaphore, #tpu.memory_space<semaphore_mem>>)
      %dma_wait3A_97 = arith.constant 0 : i32
      %dma_wait3A_98 = tpu.memref_slice %arg10[%add3A_18, %dma_wait3A_97] : memref<10240x16xf32, #tpu.memory_space<vmem_shared>> -> memref<80x16xf32, #tpu.memory_space<vmem_shared>>
      %dma_wait3A_99 = arith.constant 0 : i32
      %dma_wait3A_100 = tpu.memref_slice %arg10[%add3A_18, %dma_wait3A_99] : memref<10240x16xf32, #tpu.memory_space<vmem_shared>> -> memref<80x16xf32, #tpu.memory_space<vmem_shared>>
      tpu.wait_dma2 semaphore(%run_scoped3A : memref<!tpu.dma_semaphore, #tpu.memory_space<semaphore_mem>>) src(%arg9 : memref<80x16xf32, #tpu.memory_space<vmem>>) dst(%dma_wait3A_100 : memref<80x16xf32, #tpu.memory_space<vmem_shared>>)
      tpu.yield
    }) : () -> ()
    %mul3A_19 = arith.constant 640 : i32
    %mul3A_20 = arith.muli %arg1, %mul3A_19 : i32
    %add3A_21 = arith.constant 240 : i32
    %add3A_22 = arith.addi %mul3A_20, %add3A_21 : i32
    "tpu.region"() ({
      %run_scoped3A = tpu.sem_alloc : memref<!tpu.dma_semaphore, #tpu.memory_space<semaphore_mem>>
      %dma_start3A_93 = arith.constant 0 : i32
      %dma_start3A_94 = tpu.memref_slice %arg10[%add3A_22, %dma_start3A_93] : memref<10240x16xf32, #tpu.memory_space<vmem_shared>> -> memref<80x16xf32, #tpu.memory_space<vmem_shared>>
      %dma_start3A_95 = arith.constant 0 : i32
      %dma_start3A_96 = tpu.memref_slice %arg10[%add3A_22, %dma_start3A_95] : memref<10240x16xf32, #tpu.memory_space<vmem_shared>> -> memref<80x16xf32, #tpu.memory_space<vmem_shared>>
      tpu.enqueue_dma source(%arg9 : memref<80x16xf32, #tpu.memory_space<vmem>>) target(%dma_start3A_96 : memref<80x16xf32, #tpu.memory_space<vmem_shared>>) target_semaphore(%run_scoped3A : memref<!tpu.dma_semaphore, #tpu.memory_space<semaphore_mem>>)
      %dma_wait3A_97 = arith.constant 0 : i32
      %dma_wait3A_98 = tpu.memref_slice %arg10[%add3A_22, %dma_wait3A_97] : memref<10240x16xf32, #tpu.memory_space<vmem_shared>> -> memref<80x16xf32, #tpu.memory_space<vmem_shared>>
      %dma_wait3A_99 = arith.constant 0 : i32
      %dma_wait3A_100 = tpu.memref_slice %arg10[%add3A_22, %dma_wait3A_99] : memref<10240x16xf32, #tpu.memory_space<vmem_shared>> -> memref<80x16xf32, #tpu.memory_space<vmem_shared>>
      tpu.wait_dma2 semaphore(%run_scoped3A : memref<!tpu.dma_semaphore, #tpu.memory_space<semaphore_mem>>) src(%arg9 : memref<80x16xf32, #tpu.memory_space<vmem>>) dst(%dma_wait3A_100 : memref<80x16xf32, #tpu.memory_space<vmem_shared>>)
      tpu.yield
    }) : () -> ()
    %mul3A_23 = arith.constant 640 : i32
    %mul3A_24 = arith.muli %arg1, %mul3A_23 : i32
    %add3A_25 = arith.constant 320 : i32
    %add3A_26 = arith.addi %mul3A_24, %add3A_25 : i32
    "tpu.region"() ({
      %run_scoped3A = tpu.sem_alloc : memref<!tpu.dma_semaphore, #tpu.memory_space<semaphore_mem>>
      %dma_start3A_93 = arith.constant 0 : i32
      %dma_start3A_94 = tpu.memref_slice %arg10[%add3A_26, %dma_start3A_93] : memref<10240x16xf32, #tpu.memory_space<vmem_shared>> -> memref<80x16xf32, #tpu.memory_space<vmem_shared>>
      %dma_start3A_95 = arith.constant 0 : i32
      %dma_start3A_96 = tpu.memref_slice %arg10[%add3A_26, %dma_start3A_95] : memref<10240x16xf32, #tpu.memory_space<vmem_shared>> -> memref<80x16xf32, #tpu.memory_space<vmem_shared>>
      tpu.enqueue_dma source(%arg9 : memref<80x16xf32, #tpu.memory_space<vmem>>) target(%dma_start3A_96 : memref<80x16xf32, #tpu.memory_space<vmem_shared>>) target_semaphore(%run_scoped3A : memref<!tpu.dma_semaphore, #tpu.memory_space<semaphore_mem>>)
      %dma_wait3A_97 = arith.constant 0 : i32
      %dma_wait3A_98 = tpu.memref_slice %arg10[%add3A_26, %dma_wait3A_97] : memref<10240x16xf32, #tpu.memory_space<vmem_shared>> -> memref<80x16xf32, #tpu.memory_space<vmem_shared>>
      %dma_wait3A_99 = arith.constant 0 : i32
      %dma_wait3A_100 = tpu.memref_slice %arg10[%add3A_26, %dma_wait3A_99] : memref<10240x16xf32, #tpu.memory_space<vmem_shared>> -> memref<80x16xf32, #tpu.memory_space<vmem_shared>>
      tpu.wait_dma2 semaphore(%run_scoped3A : memref<!tpu.dma_semaphore, #tpu.memory_space<semaphore_mem>>) src(%arg9 : memref<80x16xf32, #tpu.memory_space<vmem>>) dst(%dma_wait3A_100 : memref<80x16xf32, #tpu.memory_space<vmem_shared>>)
      tpu.yield
    }) : () -> ()
    %mul3A_27 = arith.constant 640 : i32
    %mul3A_28 = arith.muli %arg1, %mul3A_27 : i32
    %add3A_29 = arith.constant 400 : i32
    %add3A_30 = arith.addi %mul3A_28, %add3A_29 : i32
    "tpu.region"() ({
      %run_scoped3A = tpu.sem_alloc : memref<!tpu.dma_semaphore, #tpu.memory_space<semaphore_mem>>
      %dma_start3A_93 = arith.constant 0 : i32
      %dma_start3A_94 = tpu.memref_slice %arg10[%add3A_30, %dma_start3A_93] : memref<10240x16xf32, #tpu.memory_space<vmem_shared>> -> memref<80x16xf32, #tpu.memory_space<vmem_shared>>
      %dma_start3A_95 = arith.constant 0 : i32
      %dma_start3A_96 = tpu.memref_slice %arg10[%add3A_30, %dma_start3A_95] : memref<10240x16xf32, #tpu.memory_space<vmem_shared>> -> memref<80x16xf32, #tpu.memory_space<vmem_shared>>
      tpu.enqueue_dma source(%arg9 : memref<80x16xf32, #tpu.memory_space<vmem>>) target(%dma_start3A_96 : memref<80x16xf32, #tpu.memory_space<vmem_shared>>) target_semaphore(%run_scoped3A : memref<!tpu.dma_semaphore, #tpu.memory_space<semaphore_mem>>)
      %dma_wait3A_97 = arith.constant 0 : i32
      %dma_wait3A_98 = tpu.memref_slice %arg10[%add3A_30, %dma_wait3A_97] : memref<10240x16xf32, #tpu.memory_space<vmem_shared>> -> memref<80x16xf32, #tpu.memory_space<vmem_shared>>
      %dma_wait3A_99 = arith.constant 0 : i32
      %dma_wait3A_100 = tpu.memref_slice %arg10[%add3A_30, %dma_wait3A_99] : memref<10240x16xf32, #tpu.memory_space<vmem_shared>> -> memref<80x16xf32, #tpu.memory_space<vmem_shared>>
      tpu.wait_dma2 semaphore(%run_scoped3A : memref<!tpu.dma_semaphore, #tpu.memory_space<semaphore_mem>>) src(%arg9 : memref<80x16xf32, #tpu.memory_space<vmem>>) dst(%dma_wait3A_100 : memref<80x16xf32, #tpu.memory_space<vmem_shared>>)
      tpu.yield
    }) : () -> ()
    %mul3A_31 = arith.constant 640 : i32
    %mul3A_32 = arith.muli %arg1, %mul3A_31 : i32
    %add3A_33 = arith.constant 480 : i32
    %add3A_34 = arith.addi %mul3A_32, %add3A_33 : i32
    "tpu.region"() ({
      %run_scoped3A = tpu.sem_alloc : memref<!tpu.dma_semaphore, #tpu.memory_space<semaphore_mem>>
      %dma_start3A_93 = arith.constant 0 : i32
      %dma_start3A_94 = tpu.memref_slice %arg10[%add3A_34, %dma_start3A_93] : memref<10240x16xf32, #tpu.memory_space<vmem_shared>> -> memref<80x16xf32, #tpu.memory_space<vmem_shared>>
      %dma_start3A_95 = arith.constant 0 : i32
      %dma_start3A_96 = tpu.memref_slice %arg10[%add3A_34, %dma_start3A_95] : memref<10240x16xf32, #tpu.memory_space<vmem_shared>> -> memref<80x16xf32, #tpu.memory_space<vmem_shared>>
      tpu.enqueue_dma source(%arg9 : memref<80x16xf32, #tpu.memory_space<vmem>>) target(%dma_start3A_96 : memref<80x16xf32, #tpu.memory_space<vmem_shared>>) target_semaphore(%run_scoped3A : memref<!tpu.dma_semaphore, #tpu.memory_space<semaphore_mem>>)
      %dma_wait3A_97 = arith.constant 0 : i32
      %dma_wait3A_98 = tpu.memref_slice %arg10[%add3A_34, %dma_wait3A_97] : memref<10240x16xf32, #tpu.memory_space<vmem_shared>> -> memref<80x16xf32, #tpu.memory_space<vmem_shared>>
      %dma_wait3A_99 = arith.constant 0 : i32
      %dma_wait3A_100 = tpu.memref_slice %arg10[%add3A_34, %dma_wait3A_99] : memref<10240x16xf32, #tpu.memory_space<vmem_shared>> -> memref<80x16xf32, #tpu.memory_space<vmem_shared>>
      tpu.wait_dma2 semaphore(%run_scoped3A : memref<!tpu.dma_semaphore, #tpu.memory_space<semaphore_mem>>) src(%arg9 : memref<80x16xf32, #tpu.memory_space<vmem>>) dst(%dma_wait3A_100 : memref<80x16xf32, #tpu.memory_space<vmem_shared>>)
      tpu.yield
    }) : () -> ()
    %mul3A_35 = arith.constant 640 : i32
    %mul3A_36 = arith.muli %arg1, %mul3A_35 : i32
    %add3A_37 = arith.constant 560 : i32
    %add3A_38 = arith.addi %mul3A_36, %add3A_37 : i32
    "tpu.region"() ({
      %run_scoped3A = tpu.sem_alloc : memref<!tpu.dma_semaphore, #tpu.memory_space<semaphore_mem>>
      %dma_start3A_93 = arith.constant 0 : i32
      %dma_start3A_94 = tpu.memref_slice %arg10[%add3A_38, %dma_start3A_93] : memref<10240x16xf32, #tpu.memory_space<vmem_shared>> -> memref<80x16xf32, #tpu.memory_space<vmem_shared>>
      %dma_start3A_95 = arith.constant 0 : i32
      %dma_start3A_96 = tpu.memref_slice %arg10[%add3A_38, %dma_start3A_95] : memref<10240x16xf32, #tpu.memory_space<vmem_shared>> -> memref<80x16xf32, #tpu.memory_space<vmem_shared>>
      tpu.enqueue_dma source(%arg9 : memref<80x16xf32, #tpu.memory_space<vmem>>) target(%dma_start3A_96 : memref<80x16xf32, #tpu.memory_space<vmem_shared>>) target_semaphore(%run_scoped3A : memref<!tpu.dma_semaphore, #tpu.memory_space<semaphore_mem>>)
      %dma_wait3A_97 = arith.constant 0 : i32
      %dma_wait3A_98 = tpu.memref_slice %arg10[%add3A_38, %dma_wait3A_97] : memref<10240x16xf32, #tpu.memory_space<vmem_shared>> -> memref<80x16xf32, #tpu.memory_space<vmem_shared>>
      %dma_wait3A_99 = arith.constant 0 : i32
      %dma_wait3A_100 = tpu.memref_slice %arg10[%add3A_38, %dma_wait3A_99] : memref<10240x16xf32, #tpu.memory_space<vmem_shared>> -> memref<80x16xf32, #tpu.memory_space<vmem_shared>>
      tpu.wait_dma2 semaphore(%run_scoped3A : memref<!tpu.dma_semaphore, #tpu.memory_space<semaphore_mem>>) src(%arg9 : memref<80x16xf32, #tpu.memory_space<vmem>>) dst(%dma_wait3A_100 : memref<80x16xf32, #tpu.memory_space<vmem_shared>>)
      tpu.yield
    }) : () -> ()
    "tpu.region"() ({
      %run_scoped3A = tpu.sem_alloc : memref<!tpu.dma_semaphore, #tpu.memory_space<semaphore_mem>>
      %dma_start3A_93 = arith.constant 0 : i32
      %dma_start3A_94 = arith.constant 0 : i32
      %dma_start3A_95 = tpu.memref_slice %arg3[%add3A, %dma_start3A_93, %dma_start3A_94] : memref<32x125x80xi32, #tpu.memory_space<hbm>> -> memref<1x125x80xi32, #tpu.memory_space<hbm>>
      %dma_start3A_96 = tpu.memref_squeeze %dma_start3A_95 : memref<1x125x80xi32, #tpu.memory_space<hbm>> -> memref<125x80xi32, #tpu.memory_space<hbm>>
      %dma_start3A_97 = arith.constant 0 : i32
      %dma_start3A_98 = arith.constant 0 : i32
      %dma_start3A_99 = tpu.memref_slice %arg3[%add3A, %dma_start3A_97, %dma_start3A_98] : memref<32x125x80xi32, #tpu.memory_space<hbm>> -> memref<1x125x80xi32, #tpu.memory_space<hbm>>
      %dma_start3A_100 = tpu.memref_squeeze %dma_start3A_99 : memref<1x125x80xi32, #tpu.memory_space<hbm>> -> memref<125x80xi32, #tpu.memory_space<hbm>>
      tpu.enqueue_dma source(%dma_start3A_100 : memref<125x80xi32, #tpu.memory_space<hbm>>) target(%arg6 : memref<125x80xi32, #tpu.memory_space<vmem>>) target_semaphore(%run_scoped3A : memref<!tpu.dma_semaphore, #tpu.memory_space<semaphore_mem>>)
      %dma_wait3A_101 = arith.constant 0 : i32
      %dma_wait3A_102 = arith.constant 0 : i32
      %dma_wait3A_103 = tpu.memref_slice %arg3[%add3A, %dma_wait3A_101, %dma_wait3A_102] : memref<32x125x80xi32, #tpu.memory_space<hbm>> -> memref<1x125x80xi32, #tpu.memory_space<hbm>>
      %dma_wait3A_104 = tpu.memref_squeeze %dma_wait3A_103 : memref<1x125x80xi32, #tpu.memory_space<hbm>> -> memref<125x80xi32, #tpu.memory_space<hbm>>
      %dma_wait3A_105 = arith.constant 0 : i32
      %dma_wait3A_106 = arith.constant 0 : i32
      %dma_wait3A_107 = tpu.memref_slice %arg3[%add3A, %dma_wait3A_105, %dma_wait3A_106] : memref<32x125x80xi32, #tpu.memory_space<hbm>> -> memref<1x125x80xi32, #tpu.memory_space<hbm>>
      %dma_wait3A_108 = tpu.memref_squeeze %dma_wait3A_107 : memref<1x125x80xi32, #tpu.memory_space<hbm>> -> memref<125x80xi32, #tpu.memory_space<hbm>>
      tpu.wait_dma2 semaphore(%run_scoped3A : memref<!tpu.dma_semaphore, #tpu.memory_space<semaphore_mem>>) src(%dma_wait3A_108 : memref<125x80xi32, #tpu.memory_space<hbm>>) dst(%arg6 : memref<125x80xi32, #tpu.memory_space<vmem>>)
      tpu.yield
    }) : () -> ()
    "tpu.region"() ({
      %run_scoped3A = tpu.sem_alloc : memref<!tpu.dma_semaphore, #tpu.memory_space<semaphore_mem>>
      %dma_start3A_93 = arith.constant 0 : i32
      %dma_start3A_94 = arith.constant 0 : i32
      %dma_start3A_95 = tpu.memref_slice %arg4[%add3A, %dma_start3A_93, %dma_start3A_94] : memref<32x125x80xi32, #tpu.memory_space<hbm>> -> memref<1x125x80xi32, #tpu.memory_space<hbm>>
      %dma_start3A_96 = tpu.memref_squeeze %dma_start3A_95 : memref<1x125x80xi32, #tpu.memory_space<hbm>> -> memref<125x80xi32, #tpu.memory_space<hbm>>
      %dma_start3A_97 = arith.constant 0 : i32
      %dma_start3A_98 = arith.constant 0 : i32
      %dma_start3A_99 = tpu.memref_slice %arg4[%add3A, %dma_start3A_97, %dma_start3A_98] : memref<32x125x80xi32, #tpu.memory_space<hbm>> -> memref<1x125x80xi32, #tpu.memory_space<hbm>>
      %dma_start3A_100 = tpu.memref_squeeze %dma_start3A_99 : memref<1x125x80xi32, #tpu.memory_space<hbm>> -> memref<125x80xi32, #tpu.memory_space<hbm>>
      tpu.enqueue_dma source(%dma_start3A_100 : memref<125x80xi32, #tpu.memory_space<hbm>>) target(%arg7 : memref<125x80xi32, #tpu.memory_space<vmem>>) target_semaphore(%run_scoped3A : memref<!tpu.dma_semaphore, #tpu.memory_space<semaphore_mem>>)
      %dma_wait3A_101 = arith.constant 0 : i32
      %dma_wait3A_102 = arith.constant 0 : i32
      %dma_wait3A_103 = tpu.memref_slice %arg4[%add3A, %dma_wait3A_101, %dma_wait3A_102] : memref<32x125x80xi32, #tpu.memory_space<hbm>> -> memref<1x125x80xi32, #tpu.memory_space<hbm>>
      %dma_wait3A_104 = tpu.memref_squeeze %dma_wait3A_103 : memref<1x125x80xi32, #tpu.memory_space<hbm>> -> memref<125x80xi32, #tpu.memory_space<hbm>>
      %dma_wait3A_105 = arith.constant 0 : i32
      %dma_wait3A_106 = arith.constant 0 : i32
      %dma_wait3A_107 = tpu.memref_slice %arg4[%add3A, %dma_wait3A_105, %dma_wait3A_106] : memref<32x125x80xi32, #tpu.memory_space<hbm>> -> memref<1x125x80xi32, #tpu.memory_space<hbm>>
      %dma_wait3A_108 = tpu.memref_squeeze %dma_wait3A_107 : memref<1x125x80xi32, #tpu.memory_space<hbm>> -> memref<125x80xi32, #tpu.memory_space<hbm>>
      tpu.wait_dma2 semaphore(%run_scoped3A : memref<!tpu.dma_semaphore, #tpu.memory_space<semaphore_mem>>) src(%dma_wait3A_108 : memref<125x80xi32, #tpu.memory_space<hbm>>) dst(%arg7 : memref<125x80xi32, #tpu.memory_space<vmem>>)
      tpu.yield
    }) : () -> ()
    %barrier3A = arith.constant 0 : index
    tpu.barrier barrier_id(%barrier3A)
    %dma_start3A = arith.constant 0 : i32
    %dma_start3A_39 = arith.constant 0 : i32
    %dma_start3A_40 = arith.constant 0 : i32
    %dma_start3A_41 = arith.constant 0 : i32
    %dma_start3A_42 = arith.constant 0 : i32
    %dma_start3A_43 = tpu.memref_slice %arg8[%dma_start3A_39, %dma_start3A_41, %dma_start3A_42] : memref<4x80x16xf32, #tpu.memory_space<vmem>> -> memref<1x80x16xf32, #tpu.memory_space<vmem>>
    %dma_start3A_44 = tpu.memref_squeeze %dma_start3A_43 : memref<1x80x16xf32, #tpu.memory_space<vmem>> -> memref<80x16xf32, #tpu.memory_space<vmem>>
    %dma_start3A_45 = arith.constant 0 : i32
    %dma_start3A_46 = tpu.memref_slice %arg6[%dma_start3A, %dma_start3A_45] : memref<125x80xi32, #tpu.memory_space<vmem>> -> memref<1x80xi32, #tpu.memory_space<vmem>>
    %dma_start3A_47 = tpu.memref_squeeze %dma_start3A_46 : memref<1x80xi32, #tpu.memory_space<vmem>> -> memref<80xi32, #tpu.memory_space<vmem>>
    %dma_start3A_48 = arith.constant 0 : i32
    %dma_start3A_49 = arith.constant 0 : i32
    %dma_start3A_50 = tpu.memref_slice %arg2[%dma_start3A_48, %dma_start3A_49] : memref<10000x16xf32, #tpu.memory_space<hbm>> -> memref<10000x16xf32, #tpu.memory_space<hbm>>
    %dma_start3A_51 = tpu.memref_slice %arg11[%dma_start3A_40] : memref<4x!tpu.dma_semaphore, #tpu.memory_space<semaphore_mem>> -> memref<1x!tpu.dma_semaphore, #tpu.memory_space<semaphore_mem>>
    %dma_start3A_52 = tpu.memref_squeeze %dma_start3A_51 : memref<1x!tpu.dma_semaphore, #tpu.memory_space<semaphore_mem>> -> memref<!tpu.dma_semaphore, #tpu.memory_space<semaphore_mem>>
    tpu.enqueue_indirect_dma source(%dma_start3A_50 : memref<10000x16xf32, #tpu.memory_space<hbm>>) target(%dma_start3A_44 : memref<80x16xf32, #tpu.memory_space<vmem>>) offsets(%dma_start3A_47 : memref<80xi32, #tpu.memory_space<vmem>>) semaphore(%dma_start3A_52 : memref<!tpu.dma_semaphore, #tpu.memory_space<semaphore_mem>>)
    %dma_start3A_53 = arith.constant 1 : i32
    %dma_start3A_54 = arith.constant 1 : i32
    %dma_start3A_55 = arith.constant 1 : i32
    %dma_start3A_56 = arith.constant 0 : i32
    %dma_start3A_57 = arith.constant 0 : i32
    %dma_start3A_58 = tpu.memref_slice %arg8[%dma_start3A_54, %dma_start3A_56, %dma_start3A_57] : memref<4x80x16xf32, #tpu.memory_space<vmem>> -> memref<1x80x16xf32, #tpu.memory_space<vmem>>
    %dma_start3A_59 = tpu.memref_squeeze %dma_start3A_58 : memref<1x80x16xf32, #tpu.memory_space<vmem>> -> memref<80x16xf32, #tpu.memory_space<vmem>>
    %dma_start3A_60 = arith.constant 0 : i32
    %dma_start3A_61 = tpu.memref_slice %arg6[%dma_start3A_53, %dma_start3A_60] : memref<125x80xi32, #tpu.memory_space<vmem>> -> memref<1x80xi32, #tpu.memory_space<vmem>>
    %dma_start3A_62 = tpu.memref_squeeze %dma_start3A_61 : memref<1x80xi32, #tpu.memory_space<vmem>> -> memref<80xi32, #tpu.memory_space<vmem>>
    %dma_start3A_63 = arith.constant 0 : i32
    %dma_start3A_64 = arith.constant 0 : i32
    %dma_start3A_65 = tpu.memref_slice %arg2[%dma_start3A_63, %dma_start3A_64] : memref<10000x16xf32, #tpu.memory_space<hbm>> -> memref<10000x16xf32, #tpu.memory_space<hbm>>
    %dma_start3A_66 = tpu.memref_slice %arg11[%dma_start3A_55] : memref<4x!tpu.dma_semaphore, #tpu.memory_space<semaphore_mem>> -> memref<1x!tpu.dma_semaphore, #tpu.memory_space<semaphore_mem>>
    %dma_start3A_67 = tpu.memref_squeeze %dma_start3A_66 : memref<1x!tpu.dma_semaphore, #tpu.memory_space<semaphore_mem>> -> memref<!tpu.dma_semaphore, #tpu.memory_space<semaphore_mem>>
    tpu.enqueue_indirect_dma source(%dma_start3A_65 : memref<10000x16xf32, #tpu.memory_space<hbm>>) target(%dma_start3A_59 : memref<80x16xf32, #tpu.memory_space<vmem>>) offsets(%dma_start3A_62 : memref<80xi32, #tpu.memory_space<vmem>>) semaphore(%dma_start3A_67 : memref<!tpu.dma_semaphore, #tpu.memory_space<semaphore_mem>>)
    %scan3A_68 = arith.constant 0 : i32
    %scan3A_69 = arith.constant 0 : i32
    %scan3A_70 = arith.constant 125 : i32
    %scan3A_71 = arith.addi %scan3A_69, %scan3A_70 : i32
    %scan3A_72 = arith.constant 1 : i32
    scf.for %scan3A_93 = %scan3A_69 to %scan3A_71 step %scan3A_72  : i32 {
      %rem3A = arith.constant 4 : i32
      %rem3A_94 = arith.remsi %scan3A_93, %rem3A : i32
      %add3A_95 = arith.constant 2 : i32
      %add3A_96 = arith.addi %scan3A_93, %add3A_95 : i32
      %rem3A_97 = arith.constant 4 : i32
      %rem3A_98 = arith.remsi %add3A_96, %rem3A_97 : i32
      %ge3A = arith.constant 1 : i32
      %ge3A_99 = arith.cmpi sge, %scan3A_93, %ge3A : i32
      %convert_element_type3A = arith.extui %ge3A_99 : i1 to i32
      %cond3A = arith.constant 0 : i32
      %cond3A_100 = arith.cmpi ne, %convert_element_type3A, %cond3A : i32
      scf.if %cond3A_100 {
        %sub3A = arith.constant 1 : i32
        %sub3A_131 = arith.subi %scan3A_93, %sub3A : i32
        %rem3A_132 = arith.constant 4 : i32
        %rem3A_133 = arith.remsi %sub3A_131, %rem3A_132 : i32
        %sub3A_134 = arith.constant 1 : i32
        %sub3A_135 = arith.subi %scan3A_93, %sub3A_134 : i32
        %sub3A_136 = arith.constant 1 : i32
        %sub3A_137 = arith.subi %scan3A_93, %sub3A_136 : i32
        %rem3A_138 = arith.constant 4 : i32
        %rem3A_139 = arith.remsi %sub3A_137, %rem3A_138 : i32
        %dma_wait3A_140 = arith.constant 0 : i32
        %dma_wait3A_141 = arith.constant 0 : i32
        %dma_wait3A_142 = tpu.memref_slice %arg8[%rem3A_133, %dma_wait3A_140, %dma_wait3A_141] : memref<4x80x16xf32, #tpu.memory_space<vmem>> -> memref<1x80x16xf32, #tpu.memory_space<vmem>>
        %dma_wait3A_143 = tpu.memref_squeeze %dma_wait3A_142 : memref<1x80x16xf32, #tpu.memory_space<vmem>> -> memref<80x16xf32, #tpu.memory_space<vmem>>
        %dma_wait3A_144 = arith.constant 0 : i32
        %dma_wait3A_145 = tpu.memref_slice %arg7[%sub3A_135, %dma_wait3A_144] : memref<125x80xi32, #tpu.memory_space<vmem>> -> memref<1x80xi32, #tpu.memory_space<vmem>>
        %dma_wait3A_146 = tpu.memref_squeeze %dma_wait3A_145 : memref<1x80xi32, #tpu.memory_space<vmem>> -> memref<80xi32, #tpu.memory_space<vmem>>
        %dma_wait3A_147 = arith.constant 0 : i32
        %dma_wait3A_148 = arith.constant 0 : i32
        %dma_wait3A_149 = tpu.memref_slice %arg10[%dma_wait3A_147, %dma_wait3A_148] : memref<10240x16xf32, #tpu.memory_space<vmem_shared>> -> memref<10240x16xf32, #tpu.memory_space<vmem_shared>>
        %dma_wait3A_150 = tpu.memref_slice %arg12[%rem3A_139] : memref<4x!tpu.dma_semaphore, #tpu.memory_space<semaphore_mem>> -> memref<1x!tpu.dma_semaphore, #tpu.memory_space<semaphore_mem>>
        %dma_wait3A_151 = tpu.memref_squeeze %dma_wait3A_150 : memref<1x!tpu.dma_semaphore, #tpu.memory_space<semaphore_mem>> -> memref<!tpu.dma_semaphore, #tpu.memory_space<semaphore_mem>>
        tpu.wait_indirect_dma semaphore(%dma_wait3A_151 : memref<!tpu.dma_semaphore, #tpu.memory_space<semaphore_mem>>) src(%dma_wait3A_143 : memref<80x16xf32, #tpu.memory_space<vmem>>) dst(%dma_wait3A_149 : memref<10240x16xf32, #tpu.memory_space<vmem_shared>>)
      } else {
      }
      %add3A_101 = arith.constant 2 : i32
      %add3A_102 = arith.addi %scan3A_93, %add3A_101 : i32
      %lt3A = arith.constant 125 : i32
      %lt3A_103 = arith.cmpi slt, %add3A_102, %lt3A : i32
      %convert_element_type3A_104 = arith.extui %lt3A_103 : i1 to i32
      %cond3A_105 = arith.constant 0 : i32
      %cond3A_106 = arith.cmpi ne, %convert_element_type3A_104, %cond3A_105 : i32
      scf.if %cond3A_106 {
        %add3A_131 = arith.constant 2 : i32
        %add3A_132 = arith.addi %scan3A_93, %add3A_131 : i32
        %dma_start3A_133 = arith.constant 0 : i32
        %dma_start3A_134 = arith.constant 0 : i32
        %dma_start3A_135 = tpu.memref_slice %arg8[%rem3A_98, %dma_start3A_133, %dma_start3A_134] : memref<4x80x16xf32, #tpu.memory_space<vmem>> -> memref<1x80x16xf32, #tpu.memory_space<vmem>>
        %dma_start3A_136 = tpu.memref_squeeze %dma_start3A_135 : memref<1x80x16xf32, #tpu.memory_space<vmem>> -> memref<80x16xf32, #tpu.memory_space<vmem>>
        %dma_start3A_137 = arith.constant 0 : i32
        %dma_start3A_138 = tpu.memref_slice %arg6[%add3A_132, %dma_start3A_137] : memref<125x80xi32, #tpu.memory_space<vmem>> -> memref<1x80xi32, #tpu.memory_space<vmem>>
        %dma_start3A_139 = tpu.memref_squeeze %dma_start3A_138 : memref<1x80xi32, #tpu.memory_space<vmem>> -> memref<80xi32, #tpu.memory_space<vmem>>
        %dma_start3A_140 = arith.constant 0 : i32
        %dma_start3A_141 = arith.constant 0 : i32
        %dma_start3A_142 = tpu.memref_slice %arg2[%dma_start3A_140, %dma_start3A_141] : memref<10000x16xf32, #tpu.memory_space<hbm>> -> memref<10000x16xf32, #tpu.memory_space<hbm>>
        %dma_start3A_143 = tpu.memref_slice %arg11[%rem3A_98] : memref<4x!tpu.dma_semaphore, #tpu.memory_space<semaphore_mem>> -> memref<1x!tpu.dma_semaphore, #tpu.memory_space<semaphore_mem>>
        %dma_start3A_144 = tpu.memref_squeeze %dma_start3A_143 : memref<1x!tpu.dma_semaphore, #tpu.memory_space<semaphore_mem>> -> memref<!tpu.dma_semaphore, #tpu.memory_space<semaphore_mem>>
        tpu.enqueue_indirect_dma source(%dma_start3A_142 : memref<10000x16xf32, #tpu.memory_space<hbm>>) target(%dma_start3A_136 : memref<80x16xf32, #tpu.memory_space<vmem>>) offsets(%dma_start3A_139 : memref<80xi32, #tpu.memory_space<vmem>>) semaphore(%dma_start3A_144 : memref<!tpu.dma_semaphore, #tpu.memory_space<semaphore_mem>>)
      } else {
      }
      %dma_wait3A_107 = arith.constant 0 : i32
      %dma_wait3A_108 = arith.constant 0 : i32
      %dma_wait3A_109 = tpu.memref_slice %arg8[%rem3A_94, %dma_wait3A_107, %dma_wait3A_108] : memref<4x80x16xf32, #tpu.memory_space<vmem>> -> memref<1x80x16xf32, #tpu.memory_space<vmem>>
      %dma_wait3A_110 = tpu.memref_squeeze %dma_wait3A_109 : memref<1x80x16xf32, #tpu.memory_space<vmem>> -> memref<80x16xf32, #tpu.memory_space<vmem>>
      %dma_wait3A_111 = arith.constant 0 : i32
      %dma_wait3A_112 = tpu.memref_slice %arg6[%scan3A_93, %dma_wait3A_111] : memref<125x80xi32, #tpu.memory_space<vmem>> -> memref<1x80xi32, #tpu.memory_space<vmem>>
      %dma_wait3A_113 = tpu.memref_squeeze %dma_wait3A_112 : memref<1x80xi32, #tpu.memory_space<vmem>> -> memref<80xi32, #tpu.memory_space<vmem>>
      %dma_wait3A_114 = arith.constant 0 : i32
      %dma_wait3A_115 = arith.constant 0 : i32
      %dma_wait3A_116 = tpu.memref_slice %arg2[%dma_wait3A_114, %dma_wait3A_115] : memref<10000x16xf32, #tpu.memory_space<hbm>> -> memref<10000x16xf32, #tpu.memory_space<hbm>>
      %dma_wait3A_117 = tpu.memref_slice %arg11[%rem3A_94] : memref<4x!tpu.dma_semaphore, #tpu.memory_space<semaphore_mem>> -> memref<1x!tpu.dma_semaphore, #tpu.memory_space<semaphore_mem>>
      %dma_wait3A_118 = tpu.memref_squeeze %dma_wait3A_117 : memref<1x!tpu.dma_semaphore, #tpu.memory_space<semaphore_mem>> -> memref<!tpu.dma_semaphore, #tpu.memory_space<semaphore_mem>>
      tpu.wait_indirect_dma semaphore(%dma_wait3A_118 : memref<!tpu.dma_semaphore, #tpu.memory_space<semaphore_mem>>) src(%dma_wait3A_116 : memref<10000x16xf32, #tpu.memory_space<hbm>>) dst(%dma_wait3A_110 : memref<80x16xf32, #tpu.memory_space<vmem>>)
      %dma_start3A_119 = arith.constant 0 : i32
      %dma_start3A_120 = arith.constant 0 : i32
      %dma_start3A_121 = tpu.memref_slice %arg8[%rem3A_94, %dma_start3A_119, %dma_start3A_120] : memref<4x80x16xf32, #tpu.memory_space<vmem>> -> memref<1x80x16xf32, #tpu.memory_space<vmem>>
      %dma_start3A_122 = tpu.memref_squeeze %dma_start3A_121 : memref<1x80x16xf32, #tpu.memory_space<vmem>> -> memref<80x16xf32, #tpu.memory_space<vmem>>
      %dma_start3A_123 = arith.constant 0 : i32
      %dma_start3A_124 = tpu.memref_slice %arg7[%scan3A_93, %dma_start3A_123] : memref<125x80xi32, #tpu.memory_space<vmem>> -> memref<1x80xi32, #tpu.memory_space<vmem>>
      %dma_start3A_125 = tpu.memref_squeeze %dma_start3A_124 : memref<1x80xi32, #tpu.memory_space<vmem>> -> memref<80xi32, #tpu.memory_space<vmem>>
      %dma_start3A_126 = arith.constant 0 : i32
      %dma_start3A_127 = arith.constant 0 : i32
      %dma_start3A_128 = tpu.memref_slice %arg10[%dma_start3A_126, %dma_start3A_127] : memref<10240x16xf32, #tpu.memory_space<vmem_shared>> -> memref<10240x16xf32, #tpu.memory_space<vmem_shared>>
      %dma_start3A_129 = tpu.memref_slice %arg12[%rem3A_94] : memref<4x!tpu.dma_semaphore, #tpu.memory_space<semaphore_mem>> -> memref<1x!tpu.dma_semaphore, #tpu.memory_space<semaphore_mem>>
      %dma_start3A_130 = tpu.memref_squeeze %dma_start3A_129 : memref<1x!tpu.dma_semaphore, #tpu.memory_space<semaphore_mem>> -> memref<!tpu.dma_semaphore, #tpu.memory_space<semaphore_mem>>
      tpu.enqueue_indirect_dma source(%dma_start3A_122 : memref<80x16xf32, #tpu.memory_space<vmem>>) target(%dma_start3A_128 : memref<10240x16xf32, #tpu.memory_space<vmem_shared>>) offsets(%dma_start3A_125 : memref<80xi32, #tpu.memory_space<vmem>>) semaphore(%dma_start3A_130 : memref<!tpu.dma_semaphore, #tpu.memory_space<semaphore_mem>>) {add = true}
    }
    %scan3A_73 = arith.constant 125 : i32
    %dma_wait3A = arith.constant 0 : i32
    %dma_wait3A_74 = arith.constant 124 : i32
    %dma_wait3A_75 = arith.constant 0 : i32
    %dma_wait3A_76 = arith.constant 0 : i32
    %dma_wait3A_77 = arith.constant 0 : i32
    %dma_wait3A_78 = tpu.memref_slice %arg8[%dma_wait3A, %dma_wait3A_76, %dma_wait3A_77] : memref<4x80x16xf32, #tpu.memory_space<vmem>> -> memref<1x80x16xf32, #tpu.memory_space<vmem>>
    %dma_wait3A_79 = tpu.memref_squeeze %dma_wait3A_78 : memref<1x80x16xf32, #tpu.memory_space<vmem>> -> memref<80x16xf32, #tpu.memory_space<vmem>>
    %dma_wait3A_80 = arith.constant 0 : i32
    %dma_wait3A_81 = tpu.memref_slice %arg7[%dma_wait3A_74, %dma_wait3A_80] : memref<125x80xi32, #tpu.memory_space<vmem>> -> memref<1x80xi32, #tpu.memory_space<vmem>>
    %dma_wait3A_82 = tpu.memref_squeeze %dma_wait3A_81 : memref<1x80xi32, #tpu.memory_space<vmem>> -> memref<80xi32, #tpu.memory_space<vmem>>
    %dma_wait3A_83 = arith.constant 0 : i32
    %dma_wait3A_84 = arith.constant 0 : i32
    %dma_wait3A_85 = tpu.memref_slice %arg10[%dma_wait3A_83, %dma_wait3A_84] : memref<10240x16xf32, #tpu.memory_space<vmem_shared>> -> memref<10240x16xf32, #tpu.memory_space<vmem_shared>>
    %dma_wait3A_86 = tpu.memref_slice %arg12[%dma_wait3A_75] : memref<4x!tpu.dma_semaphore, #tpu.memory_space<semaphore_mem>> -> memref<1x!tpu.dma_semaphore, #tpu.memory_space<semaphore_mem>>
    %dma_wait3A_87 = tpu.memref_squeeze %dma_wait3A_86 : memref<1x!tpu.dma_semaphore, #tpu.memory_space<semaphore_mem>> -> memref<!tpu.dma_semaphore, #tpu.memory_space<semaphore_mem>>
    tpu.wait_indirect_dma semaphore(%dma_wait3A_87 : memref<!tpu.dma_semaphore, #tpu.memory_space<semaphore_mem>>) src(%dma_wait3A_79 : memref<80x16xf32, #tpu.memory_space<vmem>>) dst(%dma_wait3A_85 : memref<10240x16xf32, #tpu.memory_space<vmem_shared>>)
    %barrier3A_88 = arith.constant 0 : index
    tpu.barrier barrier_id(%barrier3A_88)
    %mul3A_89 = arith.constant 640 : i32
    %mul3A_90 = arith.muli %arg1, %mul3A_89 : i32
    %mul3A_91 = arith.constant 640 : i32
    %mul3A_92 = arith.muli %arg1, %mul3A_91 : i32
    "tpu.region"() ({
      %run_scoped3A = tpu.sem_alloc : memref<!tpu.dma_semaphore, #tpu.memory_space<semaphore_mem>>
      %dma_start3A_93 = arith.constant 0 : i32
      %dma_start3A_94 = tpu.memref_slice %arg5[%arg0, %mul3A_92, %dma_start3A_93] : memref<2x10240x16xf32, #tpu.memory_space<hbm>> -> memref<1x640x16xf32, #tpu.memory_space<hbm>>
      %dma_start3A_95 = tpu.memref_squeeze %dma_start3A_94 : memref<1x640x16xf32, #tpu.memory_space<hbm>> -> memref<640x16xf32, #tpu.memory_space<hbm>>
      %dma_start3A_96 = arith.constant 0 : i32
      %dma_start3A_97 = tpu.memref_slice %arg10[%mul3A_90, %dma_start3A_96] : memref<10240x16xf32, #tpu.memory_space<vmem_shared>> -> memref<640x16xf32, #tpu.memory_space<vmem_shared>>
      tpu.enqueue_dma source(%dma_start3A_97 : memref<640x16xf32, #tpu.memory_space<vmem_shared>>) target(%dma_start3A_95 : memref<640x16xf32, #tpu.memory_space<hbm>>) target_semaphore(%run_scoped3A : memref<!tpu.dma_semaphore, #tpu.memory_space<semaphore_mem>>)
      %dma_wait3A_98 = arith.constant 0 : i32
      %dma_wait3A_99 = tpu.memref_slice %arg5[%arg0, %mul3A_92, %dma_wait3A_98] : memref<2x10240x16xf32, #tpu.memory_space<hbm>> -> memref<1x640x16xf32, #tpu.memory_space<hbm>>
      %dma_wait3A_100 = tpu.memref_squeeze %dma_wait3A_99 : memref<1x640x16xf32, #tpu.memory_space<hbm>> -> memref<640x16xf32, #tpu.memory_space<hbm>>
      %dma_wait3A_101 = arith.constant 0 : i32
      %dma_wait3A_102 = tpu.memref_slice %arg10[%mul3A_90, %dma_wait3A_101] : memref<10240x16xf32, #tpu.memory_space<vmem_shared>> -> memref<640x16xf32, #tpu.memory_space<vmem_shared>>
      tpu.wait_dma2 semaphore(%run_scoped3A : memref<!tpu.dma_semaphore, #tpu.memory_space<semaphore_mem>>) src(%dma_wait3A_102 : memref<640x16xf32, #tpu.memory_space<vmem_shared>>) dst(%dma_wait3A_100 : memref<640x16xf32, #tpu.memory_space<hbm>>)
      tpu.yield
    }) : () -> ()
    return
  }
}

#map = affine_map<(d0, d1) -> (0, 0)>
#map1 = affine_map<(d0, d1) -> (0, 0, 0)>
module attributes {stable_mosaic.version = 14 : i64} {
  func.func @prop(%arg0: i32, %arg1: i32, %arg2: memref<10000x16xf32, #tpu.memory_space<hbm>>, %arg3: memref<32x125x80xi32, #tpu.memory_space<hbm>>, %arg4: memref<32x125x80xi32, #tpu.memory_space<hbm>>, %arg5: memref<2x10240x16xf32, #tpu.memory_space<hbm>>, %arg6: memref<125x80xi32, #tpu.memory_space<vmem>>, %arg7: memref<125x80xi32, #tpu.memory_space<vmem>>, %arg8: memref<4x80x16xf32, #tpu.memory_space<vmem>>, %arg9: memref<80x16xf32, #tpu.memory_space<vmem>>, %arg10: memref<10240x16xf32, #tpu.memory_space<vmem_shared>>, %arg11: memref<4x!tpu.dma_semaphore, #tpu.memory_space<semaphore_mem>>, %arg12: memref<4x!tpu.dma_semaphore, #tpu.memory_space<semaphore_mem>>) attributes {dimension_semantics = [#tpu.dimension_semantics<core_parallel>, #tpu.dimension_semantics<subcore_parallel>], iteration_bounds = array<i64: 2, 16>, scalar_prefetch = 0 : i64, scratch_operands = 7 : i64, tpu.core_type = #tpu.core_type<sc_vector_subcore>, window_params = [{transform_indices = #map}, {transform_indices = #map1}, {transform_indices = #map1}, {transform_indices = #map1}]} {
    %mul3A = arith.constant 16 : i32
    %mul3A_0 = arith.muli %arg0, %mul3A : i32
    %add3A = arith.addi %mul3A_0, %arg1 : i32
    %broadcast_in_dim3A = arith.constant 0.000000e+00 : f32
    %broadcast_in_dim3A_1 = vector.broadcast %broadcast_in_dim3A : f32 to vector<16xf32>
    %scan3A = arith.constant 0 : i32
    %scan3A_2 = arith.constant 0 : i32
    %scan3A_3 = arith.constant 80 : i32
    %scan3A_4 = arith.addi %scan3A_2, %scan3A_3 : i32
    %scan3A_5 = arith.constant 1 : i32
    scf.for %scan3A_93 = %scan3A_2 to %scan3A_4 step %scan3A_5  : i32 {
      %swap3A = arith.index_cast %scan3A_93 : i32 to index
      %swap3A_94 = arith.constant 0 : index
      %swap3A_95 = tpu.vector_load %arg9[%swap3A, %swap3A_94] {strides = array<i32>} : memref<80x16xf32, #tpu.memory_space<vmem>>, vector<1x16xf32>,
      %swap3A_96 = vector.shape_cast %swap3A_95 : vector<1x16xf32> to vector<16xf32>
      %swap3A_97 = vector.shape_cast %broadcast_in_dim3A_1 : vector<16xf32> to vector<1x16xf32>
      tpu.vector_store %arg9[%swap3A, %swap3A_94], %swap3A_97 {strides = array<i32>} : memref<80x16xf32, #tpu.memory_space<vmem>>, vector<1x16xf32>,
    }
    %scan3A_6 = arith.constant 80 : i32
    %mul3A_7 = arith.constant 640 : i32
    %mul3A_8 = arith.muli %arg1, %mul3A_7 : i32
    %add3A_9 = arith.constant 0 : i32
    %add3A_10 = arith.addi %mul3A_8, %add3A_9 : i32
    "tpu.region"() ({
      %run_scoped3A = tpu.sem_alloc : memref<!tpu.dma_semaphore, #tpu.memory_space<semaphore_mem>>
      %dma_start3A_93 = arith.constant 0 : i32
      %dma_start3A_94 = tpu.memref_slice %arg10[%add3A_10, %dma_start3A_93] : memref<10240x16xf32, #tpu.memory_space<vmem_shared>> -> memref<80x16xf32, #tpu.memory_space<vmem_shared>>
      %dma_start3A_95 = arith.constant 0 : i32
      %dma_start3A_96 = tpu.memref_slice %arg10[%add3A_10, %dma_start3A_95] : memref<10240x16xf32, #tpu.memory_space<vmem_shared>> -> memref<80x16xf32, #tpu.memory_space<vmem_shared>>
      tpu.enqueue_dma source(%arg9 : memref<80x16xf32, #tpu.memory_space<vmem>>) target(%dma_start3A_96 : memref<80x16xf32, #tpu.memory_space<vmem_shared>>) target_semaphore(%run_scoped3A : memref<!tpu.dma_semaphore, #tpu.memory_space<semaphore_mem>>)
      %dma_wait3A_97 = arith.constant 0 : i32
      %dma_wait3A_98 = tpu.memref_slice %arg10[%add3A_10, %dma_wait3A_97] : memref<10240x16xf32, #tpu.memory_space<vmem_shared>> -> memref<80x16xf32, #tpu.memory_space<vmem_shared>>
      %dma_wait3A_99 = arith.constant 0 : i32
      %dma_wait3A_100 = tpu.memref_slice %arg10[%add3A_10, %dma_wait3A_99] : memref<10240x16xf32, #tpu.memory_space<vmem_shared>> -> memref<80x16xf32, #tpu.memory_space<vmem_shared>>
      tpu.wait_dma2 semaphore(%run_scoped3A : memref<!tpu.dma_semaphore, #tpu.memory_space<semaphore_mem>>) src(%arg9 : memref<80x16xf32, #tpu.memory_space<vmem>>) dst(%dma_wait3A_100 : memref<80x16xf32, #tpu.memory_space<vmem_shared>>)
      tpu.yield
    }) : () -> ()
    %mul3A_11 = arith.constant 640 : i32
    %mul3A_12 = arith.muli %arg1, %mul3A_11 : i32
    %add3A_13 = arith.constant 80 : i32
    %add3A_14 = arith.addi %mul3A_12, %add3A_13 : i32
    "tpu.region"() ({
      %run_scoped3A = tpu.sem_alloc : memref<!tpu.dma_semaphore, #tpu.memory_space<semaphore_mem>>
      %dma_start3A_93 = arith.constant 0 : i32
      %dma_start3A_94 = tpu.memref_slice %arg10[%add3A_14, %dma_start3A_93] : memref<10240x16xf32, #tpu.memory_space<vmem_shared>> -> memref<80x16xf32, #tpu.memory_space<vmem_shared>>
      %dma_start3A_95 = arith.constant 0 : i32
      %dma_start3A_96 = tpu.memref_slice %arg10[%add3A_14, %dma_start3A_95] : memref<10240x16xf32, #tpu.memory_space<vmem_shared>> -> memref<80x16xf32, #tpu.memory_space<vmem_shared>>
      tpu.enqueue_dma source(%arg9 : memref<80x16xf32, #tpu.memory_space<vmem>>) target(%dma_start3A_96 : memref<80x16xf32, #tpu.memory_space<vmem_shared>>) target_semaphore(%run_scoped3A : memref<!tpu.dma_semaphore, #tpu.memory_space<semaphore_mem>>)
      %dma_wait3A_97 = arith.constant 0 : i32
      %dma_wait3A_98 = tpu.memref_slice %arg10[%add3A_14, %dma_wait3A_97] : memref<10240x16xf32, #tpu.memory_space<vmem_shared>> -> memref<80x16xf32, #tpu.memory_space<vmem_shared>>
      %dma_wait3A_99 = arith.constant 0 : i32
      %dma_wait3A_100 = tpu.memref_slice %arg10[%add3A_14, %dma_wait3A_99] : memref<10240x16xf32, #tpu.memory_space<vmem_shared>> -> memref<80x16xf32, #tpu.memory_space<vmem_shared>>
      tpu.wait_dma2 semaphore(%run_scoped3A : memref<!tpu.dma_semaphore, #tpu.memory_space<semaphore_mem>>) src(%arg9 : memref<80x16xf32, #tpu.memory_space<vmem>>) dst(%dma_wait3A_100 : memref<80x16xf32, #tpu.memory_space<vmem_shared>>)
      tpu.yield
    }) : () -> ()
    %mul3A_15 = arith.constant 640 : i32
    %mul3A_16 = arith.muli %arg1, %mul3A_15 : i32
    %add3A_17 = arith.constant 160 : i32
    %add3A_18 = arith.addi %mul3A_16, %add3A_17 : i32
    "tpu.region"() ({
      %run_scoped3A = tpu.sem_alloc : memref<!tpu.dma_semaphore, #tpu.memory_space<semaphore_mem>>
      %dma_start3A_93 = arith.constant 0 : i32
      %dma_start3A_94 = tpu.memref_slice %arg10[%add3A_18, %dma_start3A_93] : memref<10240x16xf32, #tpu.memory_space<vmem_shared>> -> memref<80x16xf32, #tpu.memory_space<vmem_shared>>
      %dma_start3A_95 = arith.constant 0 : i32
      %dma_start3A_96 = tpu.memref_slice %arg10[%add3A_18, %dma_start3A_95] : memref<10240x16xf32, #tpu.memory_space<vmem_shared>> -> memref<80x16xf32, #tpu.memory_space<vmem_shared>>
      tpu.enqueue_dma source(%arg9 : memref<80x16xf32, #tpu.memory_space<vmem>>) target(%dma_start3A_96 : memref<80x16xf32, #tpu.memory_space<vmem_shared>>) target_semaphore(%run_scoped3A : memref<!tpu.dma_semaphore, #tpu.memory_space<semaphore_mem>>)
      %dma_wait3A_97 = arith.constant 0 : i32
      %dma_wait3A_98 = tpu.memref_slice %arg10[%add3A_18, %dma_wait3A_97] : memref<10240x16xf32, #tpu.memory_space<vmem_shared>> -> memref<80x16xf32, #tpu.memory_space<vmem_shared>>
      %dma_wait3A_99 = arith.constant 0 : i32
      %dma_wait3A_100 = tpu.memref_slice %arg10[%add3A_18, %dma_wait3A_99] : memref<10240x16xf32, #tpu.memory_space<vmem_shared>> -> memref<80x16xf32, #tpu.memory_space<vmem_shared>>
      tpu.wait_dma2 semaphore(%run_scoped3A : memref<!tpu.dma_semaphore, #tpu.memory_space<semaphore_mem>>) src(%arg9 : memref<80x16xf32, #tpu.memory_space<vmem>>) dst(%dma_wait3A_100 : memref<80x16xf32, #tpu.memory_space<vmem_shared>>)
      tpu.yield
    }) : () -> ()
    %mul3A_19 = arith.constant 640 : i32
    %mul3A_20 = arith.muli %arg1, %mul3A_19 : i32
    %add3A_21 = arith.constant 240 : i32
    %add3A_22 = arith.addi %mul3A_20, %add3A_21 : i32
    "tpu.region"() ({
      %run_scoped3A = tpu.sem_alloc : memref<!tpu.dma_semaphore, #tpu.memory_space<semaphore_mem>>
      %dma_start3A_93 = arith.constant 0 : i32
      %dma_start3A_94 = tpu.memref_slice %arg10[%add3A_22, %dma_start3A_93] : memref<10240x16xf32, #tpu.memory_space<vmem_shared>> -> memref<80x16xf32, #tpu.memory_space<vmem_shared>>
      %dma_start3A_95 = arith.constant 0 : i32
      %dma_start3A_96 = tpu.memref_slice %arg10[%add3A_22, %dma_start3A_95] : memref<10240x16xf32, #tpu.memory_space<vmem_shared>> -> memref<80x16xf32, #tpu.memory_space<vmem_shared>>
      tpu.enqueue_dma source(%arg9 : memref<80x16xf32, #tpu.memory_space<vmem>>) target(%dma_start3A_96 : memref<80x16xf32, #tpu.memory_space<vmem_shared>>) target_semaphore(%run_scoped3A : memref<!tpu.dma_semaphore, #tpu.memory_space<semaphore_mem>>)
      %dma_wait3A_97 = arith.constant 0 : i32
      %dma_wait3A_98 = tpu.memref_slice %arg10[%add3A_22, %dma_wait3A_97] : memref<10240x16xf32, #tpu.memory_space<vmem_shared>> -> memref<80x16xf32, #tpu.memory_space<vmem_shared>>
      %dma_wait3A_99 = arith.constant 0 : i32
      %dma_wait3A_100 = tpu.memref_slice %arg10[%add3A_22, %dma_wait3A_99] : memref<10240x16xf32, #tpu.memory_space<vmem_shared>> -> memref<80x16xf32, #tpu.memory_space<vmem_shared>>
      tpu.wait_dma2 semaphore(%run_scoped3A : memref<!tpu.dma_semaphore, #tpu.memory_space<semaphore_mem>>) src(%arg9 : memref<80x16xf32, #tpu.memory_space<vmem>>) dst(%dma_wait3A_100 : memref<80x16xf32, #tpu.memory_space<vmem_shared>>)
      tpu.yield
    }) : () -> ()
    %mul3A_23 = arith.constant 640 : i32
    %mul3A_24 = arith.muli %arg1, %mul3A_23 : i32
    %add3A_25 = arith.constant 320 : i32
    %add3A_26 = arith.addi %mul3A_24, %add3A_25 : i32
    "tpu.region"() ({
      %run_scoped3A = tpu.sem_alloc : memref<!tpu.dma_semaphore, #tpu.memory_space<semaphore_mem>>
      %dma_start3A_93 = arith.constant 0 : i32
      %dma_start3A_94 = tpu.memref_slice %arg10[%add3A_26, %dma_start3A_93] : memref<10240x16xf32, #tpu.memory_space<vmem_shared>> -> memref<80x16xf32, #tpu.memory_space<vmem_shared>>
      %dma_start3A_95 = arith.constant 0 : i32
      %dma_start3A_96 = tpu.memref_slice %arg10[%add3A_26, %dma_start3A_95] : memref<10240x16xf32, #tpu.memory_space<vmem_shared>> -> memref<80x16xf32, #tpu.memory_space<vmem_shared>>
      tpu.enqueue_dma source(%arg9 : memref<80x16xf32, #tpu.memory_space<vmem>>) target(%dma_start3A_96 : memref<80x16xf32, #tpu.memory_space<vmem_shared>>) target_semaphore(%run_scoped3A : memref<!tpu.dma_semaphore, #tpu.memory_space<semaphore_mem>>)
      %dma_wait3A_97 = arith.constant 0 : i32
      %dma_wait3A_98 = tpu.memref_slice %arg10[%add3A_26, %dma_wait3A_97] : memref<10240x16xf32, #tpu.memory_space<vmem_shared>> -> memref<80x16xf32, #tpu.memory_space<vmem_shared>>
      %dma_wait3A_99 = arith.constant 0 : i32
      %dma_wait3A_100 = tpu.memref_slice %arg10[%add3A_26, %dma_wait3A_99] : memref<10240x16xf32, #tpu.memory_space<vmem_shared>> -> memref<80x16xf32, #tpu.memory_space<vmem_shared>>
      tpu.wait_dma2 semaphore(%run_scoped3A : memref<!tpu.dma_semaphore, #tpu.memory_space<semaphore_mem>>) src(%arg9 : memref<80x16xf32, #tpu.memory_space<vmem>>) dst(%dma_wait3A_100 : memref<80x16xf32, #tpu.memory_space<vmem_shared>>)
      tpu.yield
    }) : () -> ()
    %mul3A_27 = arith.constant 640 : i32
    %mul3A_28 = arith.muli %arg1, %mul3A_27 : i32
    %add3A_29 = arith.constant 400 : i32
    %add3A_30 = arith.addi %mul3A_28, %add3A_29 : i32
    "tpu.region"() ({
      %run_scoped3A = tpu.sem_alloc : memref<!tpu.dma_semaphore, #tpu.memory_space<semaphore_mem>>
      %dma_start3A_93 = arith.constant 0 : i32
      %dma_start3A_94 = tpu.memref_slice %arg10[%add3A_30, %dma_start3A_93] : memref<10240x16xf32, #tpu.memory_space<vmem_shared>> -> memref<80x16xf32, #tpu.memory_space<vmem_shared>>
      %dma_start3A_95 = arith.constant 0 : i32
      %dma_start3A_96 = tpu.memref_slice %arg10[%add3A_30, %dma_start3A_95] : memref<10240x16xf32, #tpu.memory_space<vmem_shared>> -> memref<80x16xf32, #tpu.memory_space<vmem_shared>>
      tpu.enqueue_dma source(%arg9 : memref<80x16xf32, #tpu.memory_space<vmem>>) target(%dma_start3A_96 : memref<80x16xf32, #tpu.memory_space<vmem_shared>>) target_semaphore(%run_scoped3A : memref<!tpu.dma_semaphore, #tpu.memory_space<semaphore_mem>>)
      %dma_wait3A_97 = arith.constant 0 : i32
      %dma_wait3A_98 = tpu.memref_slice %arg10[%add3A_30, %dma_wait3A_97] : memref<10240x16xf32, #tpu.memory_space<vmem_shared>> -> memref<80x16xf32, #tpu.memory_space<vmem_shared>>
      %dma_wait3A_99 = arith.constant 0 : i32
      %dma_wait3A_100 = tpu.memref_slice %arg10[%add3A_30, %dma_wait3A_99] : memref<10240x16xf32, #tpu.memory_space<vmem_shared>> -> memref<80x16xf32, #tpu.memory_space<vmem_shared>>
      tpu.wait_dma2 semaphore(%run_scoped3A : memref<!tpu.dma_semaphore, #tpu.memory_space<semaphore_mem>>) src(%arg9 : memref<80x16xf32, #tpu.memory_space<vmem>>) dst(%dma_wait3A_100 : memref<80x16xf32, #tpu.memory_space<vmem_shared>>)
      tpu.yield
    }) : () -> ()
    %mul3A_31 = arith.constant 640 : i32
    %mul3A_32 = arith.muli %arg1, %mul3A_31 : i32
    %add3A_33 = arith.constant 480 : i32
    %add3A_34 = arith.addi %mul3A_32, %add3A_33 : i32
    "tpu.region"() ({
      %run_scoped3A = tpu.sem_alloc : memref<!tpu.dma_semaphore, #tpu.memory_space<semaphore_mem>>
      %dma_start3A_93 = arith.constant 0 : i32
      %dma_start3A_94 = tpu.memref_slice %arg10[%add3A_34, %dma_start3A_93] : memref<10240x16xf32, #tpu.memory_space<vmem_shared>> -> memref<80x16xf32, #tpu.memory_space<vmem_shared>>
      %dma_start3A_95 = arith.constant 0 : i32
      %dma_start3A_96 = tpu.memref_slice %arg10[%add3A_34, %dma_start3A_95] : memref<10240x16xf32, #tpu.memory_space<vmem_shared>> -> memref<80x16xf32, #tpu.memory_space<vmem_shared>>
      tpu.enqueue_dma source(%arg9 : memref<80x16xf32, #tpu.memory_space<vmem>>) target(%dma_start3A_96 : memref<80x16xf32, #tpu.memory_space<vmem_shared>>) target_semaphore(%run_scoped3A : memref<!tpu.dma_semaphore, #tpu.memory_space<semaphore_mem>>)
      %dma_wait3A_97 = arith.constant 0 : i32
      %dma_wait3A_98 = tpu.memref_slice %arg10[%add3A_34, %dma_wait3A_97] : memref<10240x16xf32, #tpu.memory_space<vmem_shared>> -> memref<80x16xf32, #tpu.memory_space<vmem_shared>>
      %dma_wait3A_99 = arith.constant 0 : i32
      %dma_wait3A_100 = tpu.memref_slice %arg10[%add3A_34, %dma_wait3A_99] : memref<10240x16xf32, #tpu.memory_space<vmem_shared>> -> memref<80x16xf32, #tpu.memory_space<vmem_shared>>
      tpu.wait_dma2 semaphore(%run_scoped3A : memref<!tpu.dma_semaphore, #tpu.memory_space<semaphore_mem>>) src(%arg9 : memref<80x16xf32, #tpu.memory_space<vmem>>) dst(%dma_wait3A_100 : memref<80x16xf32, #tpu.memory_space<vmem_shared>>)
      tpu.yield
    }) : () -> ()
    %mul3A_35 = arith.constant 640 : i32
    %mul3A_36 = arith.muli %arg1, %mul3A_35 : i32
    %add3A_37 = arith.constant 560 : i32
    %add3A_38 = arith.addi %mul3A_36, %add3A_37 : i32
    "tpu.region"() ({
      %run_scoped3A = tpu.sem_alloc : memref<!tpu.dma_semaphore, #tpu.memory_space<semaphore_mem>>
      %dma_start3A_93 = arith.constant 0 : i32
      %dma_start3A_94 = tpu.memref_slice %arg10[%add3A_38, %dma_start3A_93] : memref<10240x16xf32, #tpu.memory_space<vmem_shared>> -> memref<80x16xf32, #tpu.memory_space<vmem_shared>>
      %dma_start3A_95 = arith.constant 0 : i32
      %dma_start3A_96 = tpu.memref_slice %arg10[%add3A_38, %dma_start3A_95] : memref<10240x16xf32, #tpu.memory_space<vmem_shared>> -> memref<80x16xf32, #tpu.memory_space<vmem_shared>>
      tpu.enqueue_dma source(%arg9 : memref<80x16xf32, #tpu.memory_space<vmem>>) target(%dma_start3A_96 : memref<80x16xf32, #tpu.memory_space<vmem_shared>>) target_semaphore(%run_scoped3A : memref<!tpu.dma_semaphore, #tpu.memory_space<semaphore_mem>>)
      %dma_wait3A_97 = arith.constant 0 : i32
      %dma_wait3A_98 = tpu.memref_slice %arg10[%add3A_38, %dma_wait3A_97] : memref<10240x16xf32, #tpu.memory_space<vmem_shared>> -> memref<80x16xf32, #tpu.memory_space<vmem_shared>>
      %dma_wait3A_99 = arith.constant 0 : i32
      %dma_wait3A_100 = tpu.memref_slice %arg10[%add3A_38, %dma_wait3A_99] : memref<10240x16xf32, #tpu.memory_space<vmem_shared>> -> memref<80x16xf32, #tpu.memory_space<vmem_shared>>
      tpu.wait_dma2 semaphore(%run_scoped3A : memref<!tpu.dma_semaphore, #tpu.memory_space<semaphore_mem>>) src(%arg9 : memref<80x16xf32, #tpu.memory_space<vmem>>) dst(%dma_wait3A_100 : memref<80x16xf32, #tpu.memory_space<vmem_shared>>)
      tpu.yield
    }) : () -> ()
    "tpu.region"() ({
      %run_scoped3A = tpu.sem_alloc : memref<!tpu.dma_semaphore, #tpu.memory_space<semaphore_mem>>
      %dma_start3A_93 = arith.constant 0 : i32
      %dma_start3A_94 = arith.constant 0 : i32
      %dma_start3A_95 = tpu.memref_slice %arg3[%add3A, %dma_start3A_93, %dma_start3A_94] : memref<32x125x80xi32, #tpu.memory_space<hbm>> -> memref<1x125x80xi32, #tpu.memory_space<hbm>>
      %dma_start3A_96 = tpu.memref_squeeze %dma_start3A_95 : memref<1x125x80xi32, #tpu.memory_space<hbm>> -> memref<125x80xi32, #tpu.memory_space<hbm>>
      %dma_start3A_97 = arith.constant 0 : i32
      %dma_start3A_98 = arith.constant 0 : i32
      %dma_start3A_99 = tpu.memref_slice %arg3[%add3A, %dma_start3A_97, %dma_start3A_98] : memref<32x125x80xi32, #tpu.memory_space<hbm>> -> memref<1x125x80xi32, #tpu.memory_space<hbm>>
      %dma_start3A_100 = tpu.memref_squeeze %dma_start3A_99 : memref<1x125x80xi32, #tpu.memory_space<hbm>> -> memref<125x80xi32, #tpu.memory_space<hbm>>
      tpu.enqueue_dma source(%dma_start3A_100 : memref<125x80xi32, #tpu.memory_space<hbm>>) target(%arg6 : memref<125x80xi32, #tpu.memory_space<vmem>>) target_semaphore(%run_scoped3A : memref<!tpu.dma_semaphore, #tpu.memory_space<semaphore_mem>>)
      %dma_wait3A_101 = arith.constant 0 : i32
      %dma_wait3A_102 = arith.constant 0 : i32
      %dma_wait3A_103 = tpu.memref_slice %arg3[%add3A, %dma_wait3A_101, %dma_wait3A_102] : memref<32x125x80xi32, #tpu.memory_space<hbm>> -> memref<1x125x80xi32, #tpu.memory_space<hbm>>
      %dma_wait3A_104 = tpu.memref_squeeze %dma_wait3A_103 : memref<1x125x80xi32, #tpu.memory_space<hbm>> -> memref<125x80xi32, #tpu.memory_space<hbm>>
      %dma_wait3A_105 = arith.constant 0 : i32
      %dma_wait3A_106 = arith.constant 0 : i32
      %dma_wait3A_107 = tpu.memref_slice %arg3[%add3A, %dma_wait3A_105, %dma_wait3A_106] : memref<32x125x80xi32, #tpu.memory_space<hbm>> -> memref<1x125x80xi32, #tpu.memory_space<hbm>>
      %dma_wait3A_108 = tpu.memref_squeeze %dma_wait3A_107 : memref<1x125x80xi32, #tpu.memory_space<hbm>> -> memref<125x80xi32, #tpu.memory_space<hbm>>
      tpu.wait_dma2 semaphore(%run_scoped3A : memref<!tpu.dma_semaphore, #tpu.memory_space<semaphore_mem>>) src(%dma_wait3A_108 : memref<125x80xi32, #tpu.memory_space<hbm>>) dst(%arg6 : memref<125x80xi32, #tpu.memory_space<vmem>>)
      tpu.yield
    }) : () -> ()
    "tpu.region"() ({
      %run_scoped3A = tpu.sem_alloc : memref<!tpu.dma_semaphore, #tpu.memory_space<semaphore_mem>>
      %dma_start3A_93 = arith.constant 0 : i32
      %dma_start3A_94 = arith.constant 0 : i32
      %dma_start3A_95 = tpu.memref_slice %arg4[%add3A, %dma_start3A_93, %dma_start3A_94] : memref<32x125x80xi32, #tpu.memory_space<hbm>> -> memref<1x125x80xi32, #tpu.memory_space<hbm>>
      %dma_start3A_96 = tpu.memref_squeeze %dma_start3A_95 : memref<1x125x80xi32, #tpu.memory_space<hbm>> -> memref<125x80xi32, #tpu.memory_space<hbm>>
      %dma_start3A_97 = arith.constant 0 : i32
      %dma_start3A_98 = arith.constant 0 : i32
      %dma_start3A_99 = tpu.memref_slice %arg4[%add3A, %dma_start3A_97, %dma_start3A_98] : memref<32x125x80xi32, #tpu.memory_space<hbm>> -> memref<1x125x80xi32, #tpu.memory_space<hbm>>
      %dma_start3A_100 = tpu.memref_squeeze %dma_start3A_99 : memref<1x125x80xi32, #tpu.memory_space<hbm>> -> memref<125x80xi32, #tpu.memory_space<hbm>>
      tpu.enqueue_dma source(%dma_start3A_100 : memref<125x80xi32, #tpu.memory_space<hbm>>) target(%arg7 : memref<125x80xi32, #tpu.memory_space<vmem>>) target_semaphore(%run_scoped3A : memref<!tpu.dma_semaphore, #tpu.memory_space<semaphore_mem>>)
      %dma_wait3A_101 = arith.constant 0 : i32
      %dma_wait3A_102 = arith.constant 0 : i32
      %dma_wait3A_103 = tpu.memref_slice %arg4[%add3A, %dma_wait3A_101, %dma_wait3A_102] : memref<32x125x80xi32, #tpu.memory_space<hbm>> -> memref<1x125x80xi32, #tpu.memory_space<hbm>>
      %dma_wait3A_104 = tpu.memref_squeeze %dma_wait3A_103 : memref<1x125x80xi32, #tpu.memory_space<hbm>> -> memref<125x80xi32, #tpu.memory_space<hbm>>
      %dma_wait3A_105 = arith.constant 0 : i32
      %dma_wait3A_106 = arith.constant 0 : i32
      %dma_wait3A_107 = tpu.memref_slice %arg4[%add3A, %dma_wait3A_105, %dma_wait3A_106] : memref<32x125x80xi32, #tpu.memory_space<hbm>> -> memref<1x125x80xi32, #tpu.memory_space<hbm>>
      %dma_wait3A_108 = tpu.memref_squeeze %dma_wait3A_107 : memref<1x125x80xi32, #tpu.memory_space<hbm>> -> memref<125x80xi32, #tpu.memory_space<hbm>>
      tpu.wait_dma2 semaphore(%run_scoped3A : memref<!tpu.dma_semaphore, #tpu.memory_space<semaphore_mem>>) src(%dma_wait3A_108 : memref<125x80xi32, #tpu.memory_space<hbm>>) dst(%arg7 : memref<125x80xi32, #tpu.memory_space<vmem>>)
      tpu.yield
    }) : () -> ()
    %barrier3A = arith.constant 0 : index
    tpu.barrier barrier_id(%barrier3A)
    %dma_start3A = arith.constant 0 : i32
    %dma_start3A_39 = arith.constant 0 : i32
    %dma_start3A_40 = arith.constant 0 : i32
    %dma_start3A_41 = arith.constant 0 : i32
    %dma_start3A_42 = arith.constant 0 : i32
    %dma_start3A_43 = tpu.memref_slice %arg8[%dma_start3A_39, %dma_start3A_41, %dma_start3A_42] : memref<4x80x16xf32, #tpu.memory_space<vmem>> -> memref<1x80x16xf32, #tpu.memory_space<vmem>>
    %dma_start3A_44 = tpu.memref_squeeze %dma_start3A_43 : memref<1x80x16xf32, #tpu.memory_space<vmem>> -> memref<80x16xf32, #tpu.memory_space<vmem>>
    %dma_start3A_45 = arith.constant 0 : i32
    %dma_start3A_46 = tpu.memref_slice %arg6[%dma_start3A, %dma_start3A_45] : memref<125x80xi32, #tpu.memory_space<vmem>> -> memref<1x80xi32, #tpu.memory_space<vmem>>
    %dma_start3A_47 = tpu.memref_squeeze %dma_start3A_46 : memref<1x80xi32, #tpu.memory_space<vmem>> -> memref<80xi32, #tpu.memory_space<vmem>>
    %dma_start3A_48 = arith.constant 0 : i32
    %dma_start3A_49 = arith.constant 0 : i32
    %dma_start3A_50 = tpu.memref_slice %arg2[%dma_start3A_48, %dma_start3A_49] : memref<10000x16xf32, #tpu.memory_space<hbm>> -> memref<10000x16xf32, #tpu.memory_space<hbm>>
    %dma_start3A_51 = tpu.memref_slice %arg11[%dma_start3A_40] : memref<4x!tpu.dma_semaphore, #tpu.memory_space<semaphore_mem>> -> memref<1x!tpu.dma_semaphore, #tpu.memory_space<semaphore_mem>>
    %dma_start3A_52 = tpu.memref_squeeze %dma_start3A_51 : memref<1x!tpu.dma_semaphore, #tpu.memory_space<semaphore_mem>> -> memref<!tpu.dma_semaphore, #tpu.memory_space<semaphore_mem>>
    tpu.enqueue_indirect_dma source(%dma_start3A_50 : memref<10000x16xf32, #tpu.memory_space<hbm>>) target(%dma_start3A_44 : memref<80x16xf32, #tpu.memory_space<vmem>>) offsets(%dma_start3A_47 : memref<80xi32, #tpu.memory_space<vmem>>) semaphore(%dma_start3A_52 : memref<!tpu.dma_semaphore, #tpu.memory_space<semaphore_mem>>)
    %dma_start3A_53 = arith.constant 1 : i32
    %dma_start3A_54 = arith.constant 1 : i32
    %dma_start3A_55 = arith.constant 1 : i32
    %dma_start3A_56 = arith.constant 0 : i32
    %dma_start3A_57 = arith.constant 0 : i32
    %dma_start3A_58 = tpu.memref_slice %arg8[%dma_start3A_54, %dma_start3A_56, %dma_start3A_57] : memref<4x80x16xf32, #tpu.memory_space<vmem>> -> memref<1x80x16xf32, #tpu.memory_space<vmem>>
    %dma_start3A_59 = tpu.memref_squeeze %dma_start3A_58 : memref<1x80x16xf32, #tpu.memory_space<vmem>> -> memref<80x16xf32, #tpu.memory_space<vmem>>
    %dma_start3A_60 = arith.constant 0 : i32
    %dma_start3A_61 = tpu.memref_slice %arg6[%dma_start3A_53, %dma_start3A_60] : memref<125x80xi32, #tpu.memory_space<vmem>> -> memref<1x80xi32, #tpu.memory_space<vmem>>
    %dma_start3A_62 = tpu.memref_squeeze %dma_start3A_61 : memref<1x80xi32, #tpu.memory_space<vmem>> -> memref<80xi32, #tpu.memory_space<vmem>>
    %dma_start3A_63 = arith.constant 0 : i32
    %dma_start3A_64 = arith.constant 0 : i32
    %dma_start3A_65 = tpu.memref_slice %arg2[%dma_start3A_63, %dma_start3A_64] : memref<10000x16xf32, #tpu.memory_space<hbm>> -> memref<10000x16xf32, #tpu.memory_space<hbm>>
    %dma_start3A_66 = tpu.memref_slice %arg11[%dma_start3A_55] : memref<4x!tpu.dma_semaphore, #tpu.memory_space<semaphore_mem>> -> memref<1x!tpu.dma_semaphore, #tpu.memory_space<semaphore_mem>>
    %dma_start3A_67 = tpu.memref_squeeze %dma_start3A_66 : memref<1x!tpu.dma_semaphore, #tpu.memory_space<semaphore_mem>> -> memref<!tpu.dma_semaphore, #tpu.memory_space<semaphore_mem>>
    tpu.enqueue_indirect_dma source(%dma_start3A_65 : memref<10000x16xf32, #tpu.memory_space<hbm>>) target(%dma_start3A_59 : memref<80x16xf32, #tpu.memory_space<vmem>>) offsets(%dma_start3A_62 : memref<80xi32, #tpu.memory_space<vmem>>) semaphore(%dma_start3A_67 : memref<!tpu.dma_semaphore, #tpu.memory_space<semaphore_mem>>)
    %scan3A_68 = arith.constant 0 : i32
    %scan3A_69 = arith.constant 0 : i32
    %scan3A_70 = arith.constant 125 : i32
    %scan3A_71 = arith.addi %scan3A_69, %scan3A_70 : i32
    %scan3A_72 = arith.constant 1 : i32
    scf.for %scan3A_93 = %scan3A_69 to %scan3A_71 step %scan3A_72  : i32 {
      %rem3A = arith.constant 4 : i32
      %rem3A_94 = arith.remsi %scan3A_93, %rem3A : i32
      %add3A_95 = arith.constant 2 : i32
      %add3A_96 = arith.addi %scan3A_93, %add3A_95 : i32
      %rem3A_97 = arith.constant 4 : i32
      %rem3A_98 = arith.remsi %add3A_96, %rem3A_97 : i32
      %ge3A = arith.constant 1 : i32
      %ge3A_99 = arith.cmpi sge, %scan3A_93, %ge3A : i32
      %convert_element_type3A = arith.extui %ge3A_99 : i1 to i32
      %cond3A = arith.constant 0 : i32
      %cond3A_100 = arith.cmpi ne, %convert_element_type3A, %cond3A : i32
      scf.if %cond3A_100 {
        %sub3A = arith.constant 1 : i32
        %sub3A_131 = arith.subi %scan3A_93, %sub3A : i32
        %rem3A_132 = arith.constant 4 : i32
        %rem3A_133 = arith.remsi %sub3A_131, %rem3A_132 : i32
        %sub3A_134 = arith.constant 1 : i32
        %sub3A_135 = arith.subi %scan3A_93, %sub3A_134 : i32
        %sub3A_136 = arith.constant 1 : i32
        %sub3A_137 = arith.subi %scan3A_93, %sub3A_136 : i32
        %rem3A_138 = arith.constant 4 : i32
        %rem3A_139 = arith.remsi %sub3A_137, %rem3A_138 : i32
        %dma_wait3A_140 = arith.constant 0 : i32
        %dma_wait3A_141 = arith.constant 0 : i32
        %dma_wait3A_142 = tpu.memref_slice %arg8[%rem3A_133, %dma_wait3A_140, %dma_wait3A_141] : memref<4x80x16xf32, #tpu.memory_space<vmem>> -> memref<1x80x16xf32, #tpu.memory_space<vmem>>
        %dma_wait3A_143 = tpu.memref_squeeze %dma_wait3A_142 : memref<1x80x16xf32, #tpu.memory_space<vmem>> -> memref<80x16xf32, #tpu.memory_space<vmem>>
        %dma_wait3A_144 = arith.constant 0 : i32
        %dma_wait3A_145 = tpu.memref_slice %arg7[%sub3A_135, %dma_wait3A_144] : memref<125x80xi32, #tpu.memory_space<vmem>> -> memref<1x80xi32, #tpu.memory_space<vmem>>
        %dma_wait3A_146 = tpu.memref_squeeze %dma_wait3A_145 : memref<1x80xi32, #tpu.memory_space<vmem>> -> memref<80xi32, #tpu.memory_space<vmem>>
        %dma_wait3A_147 = arith.constant 0 : i32
        %dma_wait3A_148 = arith.constant 0 : i32
        %dma_wait3A_149 = tpu.memref_slice %arg10[%dma_wait3A_147, %dma_wait3A_148] : memref<10240x16xf32, #tpu.memory_space<vmem_shared>> -> memref<10240x16xf32, #tpu.memory_space<vmem_shared>>
        %dma_wait3A_150 = tpu.memref_slice %arg12[%rem3A_139] : memref<4x!tpu.dma_semaphore, #tpu.memory_space<semaphore_mem>> -> memref<1x!tpu.dma_semaphore, #tpu.memory_space<semaphore_mem>>
        %dma_wait3A_151 = tpu.memref_squeeze %dma_wait3A_150 : memref<1x!tpu.dma_semaphore, #tpu.memory_space<semaphore_mem>> -> memref<!tpu.dma_semaphore, #tpu.memory_space<semaphore_mem>>
        tpu.wait_indirect_dma semaphore(%dma_wait3A_151 : memref<!tpu.dma_semaphore, #tpu.memory_space<semaphore_mem>>) src(%dma_wait3A_143 : memref<80x16xf32, #tpu.memory_space<vmem>>) dst(%dma_wait3A_149 : memref<10240x16xf32, #tpu.memory_space<vmem_shared>>)
      } else {
      }
      %add3A_101 = arith.constant 2 : i32
      %add3A_102 = arith.addi %scan3A_93, %add3A_101 : i32
      %lt3A = arith.constant 125 : i32
      %lt3A_103 = arith.cmpi slt, %add3A_102, %lt3A : i32
      %convert_element_type3A_104 = arith.extui %lt3A_103 : i1 to i32
      %cond3A_105 = arith.constant 0 : i32
      %cond3A_106 = arith.cmpi ne, %convert_element_type3A_104, %cond3A_105 : i32
      scf.if %cond3A_106 {
        %add3A_131 = arith.constant 2 : i32
        %add3A_132 = arith.addi %scan3A_93, %add3A_131 : i32
        %dma_start3A_133 = arith.constant 0 : i32
        %dma_start3A_134 = arith.constant 0 : i32
        %dma_start3A_135 = tpu.memref_slice %arg8[%rem3A_98, %dma_start3A_133, %dma_start3A_134] : memref<4x80x16xf32, #tpu.memory_space<vmem>> -> memref<1x80x16xf32, #tpu.memory_space<vmem>>
        %dma_start3A_136 = tpu.memref_squeeze %dma_start3A_135 : memref<1x80x16xf32, #tpu.memory_space<vmem>> -> memref<80x16xf32, #tpu.memory_space<vmem>>
        %dma_start3A_137 = arith.constant 0 : i32
        %dma_start3A_138 = tpu.memref_slice %arg6[%add3A_132, %dma_start3A_137] : memref<125x80xi32, #tpu.memory_space<vmem>> -> memref<1x80xi32, #tpu.memory_space<vmem>>
        %dma_start3A_139 = tpu.memref_squeeze %dma_start3A_138 : memref<1x80xi32, #tpu.memory_space<vmem>> -> memref<80xi32, #tpu.memory_space<vmem>>
        %dma_start3A_140 = arith.constant 0 : i32
        %dma_start3A_141 = arith.constant 0 : i32
        %dma_start3A_142 = tpu.memref_slice %arg2[%dma_start3A_140, %dma_start3A_141] : memref<10000x16xf32, #tpu.memory_space<hbm>> -> memref<10000x16xf32, #tpu.memory_space<hbm>>
        %dma_start3A_143 = tpu.memref_slice %arg11[%rem3A_98] : memref<4x!tpu.dma_semaphore, #tpu.memory_space<semaphore_mem>> -> memref<1x!tpu.dma_semaphore, #tpu.memory_space<semaphore_mem>>
        %dma_start3A_144 = tpu.memref_squeeze %dma_start3A_143 : memref<1x!tpu.dma_semaphore, #tpu.memory_space<semaphore_mem>> -> memref<!tpu.dma_semaphore, #tpu.memory_space<semaphore_mem>>
        tpu.enqueue_indirect_dma source(%dma_start3A_142 : memref<10000x16xf32, #tpu.memory_space<hbm>>) target(%dma_start3A_136 : memref<80x16xf32, #tpu.memory_space<vmem>>) offsets(%dma_start3A_139 : memref<80xi32, #tpu.memory_space<vmem>>) semaphore(%dma_start3A_144 : memref<!tpu.dma_semaphore, #tpu.memory_space<semaphore_mem>>)
      } else {
      }
      %dma_wait3A_107 = arith.constant 0 : i32
      %dma_wait3A_108 = arith.constant 0 : i32
      %dma_wait3A_109 = tpu.memref_slice %arg8[%rem3A_94, %dma_wait3A_107, %dma_wait3A_108] : memref<4x80x16xf32, #tpu.memory_space<vmem>> -> memref<1x80x16xf32, #tpu.memory_space<vmem>>
      %dma_wait3A_110 = tpu.memref_squeeze %dma_wait3A_109 : memref<1x80x16xf32, #tpu.memory_space<vmem>> -> memref<80x16xf32, #tpu.memory_space<vmem>>
      %dma_wait3A_111 = arith.constant 0 : i32
      %dma_wait3A_112 = tpu.memref_slice %arg6[%scan3A_93, %dma_wait3A_111] : memref<125x80xi32, #tpu.memory_space<vmem>> -> memref<1x80xi32, #tpu.memory_space<vmem>>
      %dma_wait3A_113 = tpu.memref_squeeze %dma_wait3A_112 : memref<1x80xi32, #tpu.memory_space<vmem>> -> memref<80xi32, #tpu.memory_space<vmem>>
      %dma_wait3A_114 = arith.constant 0 : i32
      %dma_wait3A_115 = arith.constant 0 : i32
      %dma_wait3A_116 = tpu.memref_slice %arg2[%dma_wait3A_114, %dma_wait3A_115] : memref<10000x16xf32, #tpu.memory_space<hbm>> -> memref<10000x16xf32, #tpu.memory_space<hbm>>
      %dma_wait3A_117 = tpu.memref_slice %arg11[%rem3A_94] : memref<4x!tpu.dma_semaphore, #tpu.memory_space<semaphore_mem>> -> memref<1x!tpu.dma_semaphore, #tpu.memory_space<semaphore_mem>>
      %dma_wait3A_118 = tpu.memref_squeeze %dma_wait3A_117 : memref<1x!tpu.dma_semaphore, #tpu.memory_space<semaphore_mem>> -> memref<!tpu.dma_semaphore, #tpu.memory_space<semaphore_mem>>
      tpu.wait_indirect_dma semaphore(%dma_wait3A_118 : memref<!tpu.dma_semaphore, #tpu.memory_space<semaphore_mem>>) src(%dma_wait3A_116 : memref<10000x16xf32, #tpu.memory_space<hbm>>) dst(%dma_wait3A_110 : memref<80x16xf32, #tpu.memory_space<vmem>>)
      %dma_start3A_119 = arith.constant 0 : i32
      %dma_start3A_120 = arith.constant 0 : i32
      %dma_start3A_121 = tpu.memref_slice %arg8[%rem3A_94, %dma_start3A_119, %dma_start3A_120] : memref<4x80x16xf32, #tpu.memory_space<vmem>> -> memref<1x80x16xf32, #tpu.memory_space<vmem>>
      %dma_start3A_122 = tpu.memref_squeeze %dma_start3A_121 : memref<1x80x16xf32, #tpu.memory_space<vmem>> -> memref<80x16xf32, #tpu.memory_space<vmem>>
      %dma_start3A_123 = arith.constant 0 : i32
      %dma_start3A_124 = tpu.memref_slice %arg7[%scan3A_93, %dma_start3A_123] : memref<125x80xi32, #tpu.memory_space<vmem>> -> memref<1x80xi32, #tpu.memory_space<vmem>>
      %dma_start3A_125 = tpu.memref_squeeze %dma_start3A_124 : memref<1x80xi32, #tpu.memory_space<vmem>> -> memref<80xi32, #tpu.memory_space<vmem>>
      %dma_start3A_126 = arith.constant 0 : i32
      %dma_start3A_127 = arith.constant 0 : i32
      %dma_start3A_128 = tpu.memref_slice %arg10[%dma_start3A_126, %dma_start3A_127] : memref<10240x16xf32, #tpu.memory_space<vmem_shared>> -> memref<10240x16xf32, #tpu.memory_space<vmem_shared>>
      %dma_start3A_129 = tpu.memref_slice %arg12[%rem3A_94] : memref<4x!tpu.dma_semaphore, #tpu.memory_space<semaphore_mem>> -> memref<1x!tpu.dma_semaphore, #tpu.memory_space<semaphore_mem>>
      %dma_start3A_130 = tpu.memref_squeeze %dma_start3A_129 : memref<1x!tpu.dma_semaphore, #tpu.memory_space<semaphore_mem>> -> memref<!tpu.dma_semaphore, #tpu.memory_space<semaphore_mem>>
      tpu.enqueue_indirect_dma source(%dma_start3A_122 : memref<80x16xf32, #tpu.memory_space<vmem>>) target(%dma_start3A_128 : memref<10240x16xf32, #tpu.memory_space<vmem_shared>>) offsets(%dma_start3A_125 : memref<80xi32, #tpu.memory_space<vmem>>) semaphore(%dma_start3A_130 : memref<!tpu.dma_semaphore, #tpu.memory_space<semaphore_mem>>) {add = true}
    }
    %scan3A_73 = arith.constant 125 : i32
    %dma_wait3A = arith.constant 0 : i32
    %dma_wait3A_74 = arith.constant 124 : i32
    %dma_wait3A_75 = arith.constant 0 : i32
    %dma_wait3A_76 = arith.constant 0 : i32
    %dma_wait3A_77 = arith.constant 0 : i32
    %dma_wait3A_78 = tpu.memref_slice %arg8[%dma_wait3A, %dma_wait3A_76, %dma_wait3A_77] : memref<4x80x16xf32, #tpu.memory_space<vmem>> -> memref<1x80x16xf32, #tpu.memory_space<vmem>>
    %dma_wait3A_79 = tpu.memref_squeeze %dma_wait3A_78 : memref<1x80x16xf32, #tpu.memory_space<vmem>> -> memref<80x16xf32, #tpu.memory_space<vmem>>
    %dma_wait3A_80 = arith.constant 0 : i32
    %dma_wait3A_81 = tpu.memref_slice %arg7[%dma_wait3A_74, %dma_wait3A_80] : memref<125x80xi32, #tpu.memory_space<vmem>> -> memref<1x80xi32, #tpu.memory_space<vmem>>
    %dma_wait3A_82 = tpu.memref_squeeze %dma_wait3A_81 : memref<1x80xi32, #tpu.memory_space<vmem>> -> memref<80xi32, #tpu.memory_space<vmem>>
    %dma_wait3A_83 = arith.constant 0 : i32
    %dma_wait3A_84 = arith.constant 0 : i32
    %dma_wait3A_85 = tpu.memref_slice %arg10[%dma_wait3A_83, %dma_wait3A_84] : memref<10240x16xf32, #tpu.memory_space<vmem_shared>> -> memref<10240x16xf32, #tpu.memory_space<vmem_shared>>
    %dma_wait3A_86 = tpu.memref_slice %arg12[%dma_wait3A_75] : memref<4x!tpu.dma_semaphore, #tpu.memory_space<semaphore_mem>> -> memref<1x!tpu.dma_semaphore, #tpu.memory_space<semaphore_mem>>
    %dma_wait3A_87 = tpu.memref_squeeze %dma_wait3A_86 : memref<1x!tpu.dma_semaphore, #tpu.memory_space<semaphore_mem>> -> memref<!tpu.dma_semaphore, #tpu.memory_space<semaphore_mem>>
    tpu.wait_indirect_dma semaphore(%dma_wait3A_87 : memref<!tpu.dma_semaphore, #tpu.memory_space<semaphore_mem>>) src(%dma_wait3A_79 : memref<80x16xf32, #tpu.memory_space<vmem>>) dst(%dma_wait3A_85 : memref<10240x16xf32, #tpu.memory_space<vmem_shared>>)
    %barrier3A_88 = arith.constant 0 : index
    tpu.barrier barrier_id(%barrier3A_88)
    %mul3A_89 = arith.constant 640 : i32
    %mul3A_90 = arith.muli %arg1, %mul3A_89 : i32
    %mul3A_91 = arith.constant 640 : i32
    %mul3A_92 = arith.muli %arg1, %mul3A_91 : i32
    "tpu.region"() ({
      %run_scoped3A = tpu.sem_alloc : memref<!tpu.dma_semaphore, #tpu.memory_space<semaphore_mem>>
      %dma_start3A_93 = arith.constant 0 : i32
      %dma_start3A_94 = tpu.memref_slice %arg5[%arg0, %mul3A_92, %dma_start3A_93] : memref<2x10240x16xf32, #tpu.memory_space<hbm>> -> memref<1x640x16xf32, #tpu.memory_space<hbm>>
      %dma_start3A_95 = tpu.memref_squeeze %dma_start3A_94 : memref<1x640x16xf32, #tpu.memory_space<hbm>> -> memref<640x16xf32, #tpu.memory_space<hbm>>
      %dma_start3A_96 = arith.constant 0 : i32
      %dma_start3A_97 = tpu.memref_slice %arg10[%mul3A_90, %dma_start3A_96] : memref<10240x16xf32, #tpu.memory_space<vmem_shared>> -> memref<640x16xf32, #tpu.memory_space<vmem_shared>>
      tpu.enqueue_dma source(%dma_start3A_97 : memref<640x16xf32, #tpu.memory_space<vmem_shared>>) target(%dma_start3A_95 : memref<640x16xf32, #tpu.memory_space<hbm>>) target_semaphore(%run_scoped3A : memref<!tpu.dma_semaphore, #tpu.memory_space<semaphore_mem>>)
      %dma_wait3A_98 = arith.constant 0 : i32
      %dma_wait3A_99 = tpu.memref_slice %arg5[%arg0, %mul3A_92, %dma_wait3A_98] : memref<2x10240x16xf32, #tpu.memory_space<hbm>> -> memref<1x640x16xf32, #tpu.memory_space<hbm>>
      %dma_wait3A_100 = tpu.memref_squeeze %dma_wait3A_99 : memref<1x640x16xf32, #tpu.memory_space<hbm>> -> memref<640x16xf32, #tpu.memory_space<hbm>>
      %dma_wait3A_101 = arith.constant 0 : i32
      %dma_wait3A_102 = tpu.memref_slice %arg10[%mul3A_90, %dma_wait3A_101] : memref<10240x16xf32, #tpu.memory_space<vmem_shared>> -> memref<640x16xf32, #tpu.memory_space<vmem_shared>>
      tpu.wait_dma2 semaphore(%run_scoped3A : memref<!tpu.dma_semaphore, #tpu.memory_space<semaphore_mem>>) src(%dma_wait3A_102 : memref<640x16xf32, #tpu.memory_space<vmem_shared>>) dst(%dma_wait3A_100 : memref<640x16xf32, #tpu.memory_space<hbm>>)
      tpu.yield
    }) : () -> ()
    return
  }
}

module attributes {stable_mosaic.version = 14 : i64} {
  func.func @_tc1_body(%arg0: memref<2x10240x16xf32, #tpu.memory_space<vmem>>, %arg1: memref<10000x128xf32, #tpu.memory_space<vmem>>, %arg2: memref<128x16xf32, #tpu.memory_space<vmem>>, %arg3: memref<10000x16xf32, #tpu.memory_space<vmem>>, %arg4: memref<10000x1xf32, #tpu.memory_space<vmem>>) attributes {dimension_semantics = [], scalar_prefetch = 0 : i64, scratch_operands = 0 : i64, tpu.core_type = #tpu.core_type<tc>} {
    %get3A = arith.constant 0 : index
    %get3A_0 = arith.constant 0 : index
    %get3A_1 = arith.constant 0 : index
    %get3A_2 = vector.load %arg0[%get3A, %get3A_0, %get3A_1] : memref<2x10240x16xf32, #tpu.memory_space<vmem>>, vector<1x10000x1xf32>
    %get3A_3 = vector.shape_cast %get3A_2 : vector<1x10000x1xf32> to vector<10000x1xf32>
    %get3A_4 = arith.constant 1 : index
    %get3A_5 = arith.constant 0 : index
    %get3A_6 = arith.constant 0 : index
    %get3A_7 = vector.load %arg0[%get3A_4, %get3A_5, %get3A_6] : memref<2x10240x16xf32, #tpu.memory_space<vmem>>, vector<1x10000x1xf32>
    %get3A_8 = vector.shape_cast %get3A_7 : vector<1x10000x1xf32> to vector<10000x1xf32>
    %add3A = arith.addf %get3A_3, %get3A_8 : vector<10000x1xf32>
    %add3A_9 = arith.constant 1.000000e+00 : f32
    %add3A_10 = vector.broadcast %add3A_9 : f32 to vector<10000x1xf32>
    %add3A_11 = arith.addf %add3A, %add3A_10 : vector<10000x1xf32>
    %max3A = arith.constant 9.99999996E-13 : f32
    %max3A_12 = vector.broadcast %max3A : f32 to vector<10000x1xf32>
    %max3A_13 = arith.maximumf %add3A_11, %max3A_12 : vector<10000x1xf32>
    %rsqrt3A = math.rsqrt %max3A_13 : vector<10000x1xf32>
    %get3A_14 = arith.constant 0 : index
    %get3A_15 = arith.constant 0 : index
    %get3A_16 = vector.load %arg1[%get3A_14, %get3A_15] : memref<10000x128xf32, #tpu.memory_space<vmem>>, vector<10000x128xf32>
    %get3A_17 = arith.constant 0 : index
    %get3A_18 = arith.constant 0 : index
    %get3A_19 = vector.load %arg2[%get3A_17, %get3A_18] : memref<128x16xf32, #tpu.memory_space<vmem>>, vector<128x16xf32>
    %dot_general3A = arith.constant dense<0.000000e+00> : vector<10000x16xf32>
    %dot_general3A_20 = tpu.matmul %get3A_16, %get3A_19, %dot_general3A {dimension_numbers = #tpu.dot_dimension_numbers<[1], [0], [0], [1], [0, 0, 1, 1], [], []>, transpose_lhs_hint = false} : vector<10000x128xf32>, vector<128x16xf32>, vector<10000x16xf32> -> vector<10000x16xf32>
    %mul3A = vector.broadcast %rsqrt3A : vector<10000x1xf32> to vector<10000x16xf32>
    %mul3A_21 = arith.mulf %mul3A, %dot_general3A_20 : vector<10000x16xf32>
    %swap3A = arith.constant 0 : index
    %swap3A_22 = arith.constant 0 : index
    %swap3A_23 = vector.load %arg3[%swap3A, %swap3A_22] : memref<10000x16xf32, #tpu.memory_space<vmem>>, vector<10000x16xf32>
    tpu.vector_store %arg3[%swap3A, %swap3A_22], %mul3A_21 {strides = array<i32>} : memref<10000x16xf32, #tpu.memory_space<vmem>>, vector<10000x16xf32>,
    %swap3A_24 = arith.constant 0 : index
    %swap3A_25 = arith.constant 0 : index
    %swap3A_26 = vector.load %arg4[%swap3A_24, %swap3A_25] : memref<10000x1xf32, #tpu.memory_space<vmem>>, vector<10000x1xf32>
    tpu.vector_store %arg4[%swap3A_24, %swap3A_25], %rsqrt3A {strides = array<i32>} : memref<10000x1xf32, #tpu.memory_space<vmem>>, vector<10000x1xf32>,
    return
  }
}

module attributes {stable_mosaic.version = 14 : i64} {
  func.func @_tc_mid_body(%arg0: memref<2x10240x16xf32, #tpu.memory_space<vmem>>, %arg1: memref<10000x16xf32, #tpu.memory_space<vmem>>, %arg2: memref<10000x1xf32, #tpu.memory_space<vmem>>, %arg3: memref<1x16xf32, #tpu.memory_space<vmem>>, %arg4: memref<16x16xf32, #tpu.memory_space<vmem>>, %arg5: memref<10000x16xf32, #tpu.memory_space<vmem>>) attributes {dimension_semantics = [], scalar_prefetch = 0 : i64, scratch_operands = 0 : i64, tpu.core_type = #tpu.core_type<tc>} {
    %get3A = arith.constant 0 : index
    %get3A_0 = arith.constant 0 : index
    %get3A_1 = vector.load %arg2[%get3A, %get3A_0] : memref<10000x1xf32, #tpu.memory_space<vmem>>, vector<10000x1xf32>
    %get3A_2 = arith.constant 0 : index
    %get3A_3 = arith.constant 0 : index
    %get3A_4 = arith.constant 0 : index
    %get3A_5 = vector.load %arg0[%get3A_2, %get3A_3, %get3A_4] : memref<2x10240x16xf32, #tpu.memory_space<vmem>>, vector<1x10000x16xf32>
    %get3A_6 = vector.shape_cast %get3A_5 : vector<1x10000x16xf32> to vector<10000x16xf32>
    %get3A_7 = arith.constant 1 : index
    %get3A_8 = arith.constant 0 : index
    %get3A_9 = arith.constant 0 : index
    %get3A_10 = vector.load %arg0[%get3A_7, %get3A_8, %get3A_9] : memref<2x10240x16xf32, #tpu.memory_space<vmem>>, vector<1x10000x16xf32>
    %get3A_11 = vector.shape_cast %get3A_10 : vector<1x10000x16xf32> to vector<10000x16xf32>
    %add3A = arith.addf %get3A_6, %get3A_11 : vector<10000x16xf32>
    %get3A_12 = arith.constant 0 : index
    %get3A_13 = arith.constant 0 : index
    %get3A_14 = vector.load %arg1[%get3A_12, %get3A_13] : memref<10000x16xf32, #tpu.memory_space<vmem>>, vector<10000x16xf32>
    %add3A_15 = arith.addf %add3A, %get3A_14 : vector<10000x16xf32>
    %mul3A = vector.broadcast %get3A_1 : vector<10000x1xf32> to vector<10000x16xf32>
    %mul3A_16 = arith.mulf %mul3A, %add3A_15 : vector<10000x16xf32>
    %get3A_17 = arith.constant 0 : index
    %get3A_18 = arith.constant 0 : index
    %get3A_19 = vector.load %arg3[%get3A_17, %get3A_18] : memref<1x16xf32, #tpu.memory_space<vmem>>, vector<1x16xf32>
    %add3A_20 = vector.broadcast %get3A_19 : vector<1x16xf32> to vector<10000x16xf32>
    %add3A_21 = arith.addf %mul3A_16, %add3A_20 : vector<10000x16xf32>
    %reduce_sum3A = arith.constant dense<0.000000e+00> : vector<16xf32>
    %reduce_sum3A_22 = vector.multi_reduction <add>, %add3A_21, %reduce_sum3A [0] : vector<10000x16xf32> to vector<16xf32>
    %broadcast_in_dim3A = vector.shape_cast %reduce_sum3A_22 : vector<16xf32> to vector<1x16xf32>
    %mul3A_23 = arith.constant 9.99999974E-5 : f32
    %mul3A_24 = vector.broadcast %mul3A_23 : f32 to vector<1x16xf32>
    %mul3A_25 = arith.mulf %broadcast_in_dim3A, %mul3A_24 : vector<1x16xf32>
    %sub3A = vector.broadcast %mul3A_25 : vector<1x16xf32> to vector<10000x16xf32>
    %sub3A_26 = arith.subf %add3A_21, %sub3A : vector<10000x16xf32>
    %mul3A_27 = arith.mulf %sub3A_26, %sub3A_26 : vector<10000x16xf32>
    %reduce_sum3A_28 = vector.shape_cast %mul3A_27 : vector<10000x16xf32> to vector<1x10000x16xf32>
    %reduce_sum3A_29 = arith.constant dense<0.000000e+00> : vector<1xf32>
    %reduce_sum3A_30 = vector.multi_reduction <add>, %reduce_sum3A_28, %reduce_sum3A_29 [1, 2] : vector<1x10000x16xf32> to vector<1xf32>
    %reduce_sum3A_31 = vector.shape_cast %reduce_sum3A_30 : vector<1xf32> to vector<1x1x1xf32>
    %reduce_sum3A_32 = vector.extract %reduce_sum3A_31[0, 0, 0] : f32 from vector<1x1x1xf32>
    %mul3A_33 = arith.constant 9.99999974E-5 : f32
    %mul3A_34 = arith.mulf %reduce_sum3A_32, %mul3A_33 : f32
    %add3A_35 = arith.constant 9.99999997E-7 : f32
    %add3A_36 = arith.addf %mul3A_34, %add3A_35 : f32
    %sqrt3A = math.sqrt %add3A_36 : f32
    %div3A = vector.broadcast %sqrt3A : f32 to vector<10000x16xf32>
    %div3A_37 = arith.divf %sub3A_26, %div3A : vector<10000x16xf32>
    %max3A = arith.constant 0.000000e+00 : f32
    %max3A_38 = vector.broadcast %max3A : f32 to vector<10000x16xf32>
    %max3A_39 = arith.maximumf %div3A_37, %max3A_38 : vector<10000x16xf32>
    %get3A_40 = arith.constant 0 : index
    %get3A_41 = arith.constant 0 : index
    %get3A_42 = vector.load %arg4[%get3A_40, %get3A_41] : memref<16x16xf32, #tpu.memory_space<vmem>>, vector<16x16xf32>
    %dot_general3A = arith.constant dense<0.000000e+00> : vector<10000x16xf32>
    %dot_general3A_43 = tpu.matmul %max3A_39, %get3A_42, %dot_general3A {dimension_numbers = #tpu.dot_dimension_numbers<[1], [0], [0], [1], [0, 0, 1, 1], [], []>, transpose_lhs_hint = false} : vector<10000x16xf32>, vector<16x16xf32>, vector<10000x16xf32> -> vector<10000x16xf32>
    %mul3A_44 = vector.broadcast %get3A_1 : vector<10000x1xf32> to vector<10000x16xf32>
    %mul3A_45 = arith.mulf %mul3A_44, %dot_general3A_43 : vector<10000x16xf32>
    %swap3A = arith.constant 0 : index
    %swap3A_46 = arith.constant 0 : index
    %swap3A_47 = vector.load %arg5[%swap3A, %swap3A_46] : memref<10000x16xf32, #tpu.memory_space<vmem>>, vector<10000x16xf32>
    tpu.vector_store %arg5[%swap3A, %swap3A_46], %mul3A_45 {strides = array<i32>} : memref<10000x16xf32, #tpu.memory_space<vmem>>, vector<10000x16xf32>,
    return
  }
}

module attributes {stable_mosaic.version = 14 : i64} {
  func.func @_tc_mid_body(%arg0: memref<2x10240x16xf32, #tpu.memory_space<vmem>>, %arg1: memref<10000x16xf32, #tpu.memory_space<vmem>>, %arg2: memref<10000x1xf32, #tpu.memory_space<vmem>>, %arg3: memref<1x16xf32, #tpu.memory_space<vmem>>, %arg4: memref<16x64xf32, #tpu.memory_space<vmem>>, %arg5: memref<10000x64xf32, #tpu.memory_space<vmem>>) attributes {dimension_semantics = [], scalar_prefetch = 0 : i64, scratch_operands = 0 : i64, tpu.core_type = #tpu.core_type<tc>} {
    %get3A = arith.constant 0 : index
    %get3A_0 = arith.constant 0 : index
    %get3A_1 = vector.load %arg2[%get3A, %get3A_0] : memref<10000x1xf32, #tpu.memory_space<vmem>>, vector<10000x1xf32>
    %get3A_2 = arith.constant 0 : index
    %get3A_3 = arith.constant 0 : index
    %get3A_4 = arith.constant 0 : index
    %get3A_5 = vector.load %arg0[%get3A_2, %get3A_3, %get3A_4] : memref<2x10240x16xf32, #tpu.memory_space<vmem>>, vector<1x10000x16xf32>
    %get3A_6 = vector.shape_cast %get3A_5 : vector<1x10000x16xf32> to vector<10000x16xf32>
    %get3A_7 = arith.constant 1 : index
    %get3A_8 = arith.constant 0 : index
    %get3A_9 = arith.constant 0 : index
    %get3A_10 = vector.load %arg0[%get3A_7, %get3A_8, %get3A_9] : memref<2x10240x16xf32, #tpu.memory_space<vmem>>, vector<1x10000x16xf32>
    %get3A_11 = vector.shape_cast %get3A_10 : vector<1x10000x16xf32> to vector<10000x16xf32>
    %add3A = arith.addf %get3A_6, %get3A_11 : vector<10000x16xf32>
    %get3A_12 = arith.constant 0 : index
    %get3A_13 = arith.constant 0 : index
    %get3A_14 = vector.load %arg1[%get3A_12, %get3A_13] : memref<10000x16xf32, #tpu.memory_space<vmem>>, vector<10000x16xf32>
    %add3A_15 = arith.addf %add3A, %get3A_14 : vector<10000x16xf32>
    %mul3A = vector.broadcast %get3A_1 : vector<10000x1xf32> to vector<10000x16xf32>
    %mul3A_16 = arith.mulf %mul3A, %add3A_15 : vector<10000x16xf32>
    %get3A_17 = arith.constant 0 : index
    %get3A_18 = arith.constant 0 : index
    %get3A_19 = vector.load %arg3[%get3A_17, %get3A_18] : memref<1x16xf32, #tpu.memory_space<vmem>>, vector<1x16xf32>
    %add3A_20 = vector.broadcast %get3A_19 : vector<1x16xf32> to vector<10000x16xf32>
    %add3A_21 = arith.addf %mul3A_16, %add3A_20 : vector<10000x16xf32>
    %reduce_sum3A = arith.constant dense<0.000000e+00> : vector<16xf32>
    %reduce_sum3A_22 = vector.multi_reduction <add>, %add3A_21, %reduce_sum3A [0] : vector<10000x16xf32> to vector<16xf32>
    %broadcast_in_dim3A = vector.shape_cast %reduce_sum3A_22 : vector<16xf32> to vector<1x16xf32>
    %mul3A_23 = arith.constant 9.99999974E-5 : f32
    %mul3A_24 = vector.broadcast %mul3A_23 : f32 to vector<1x16xf32>
    %mul3A_25 = arith.mulf %broadcast_in_dim3A, %mul3A_24 : vector<1x16xf32>
    %sub3A = vector.broadcast %mul3A_25 : vector<1x16xf32> to vector<10000x16xf32>
    %sub3A_26 = arith.subf %add3A_21, %sub3A : vector<10000x16xf32>
    %mul3A_27 = arith.mulf %sub3A_26, %sub3A_26 : vector<10000x16xf32>
    %reduce_sum3A_28 = vector.shape_cast %mul3A_27 : vector<10000x16xf32> to vector<1x10000x16xf32>
    %reduce_sum3A_29 = arith.constant dense<0.000000e+00> : vector<1xf32>
    %reduce_sum3A_30 = vector.multi_reduction <add>, %reduce_sum3A_28, %reduce_sum3A_29 [1, 2] : vector<1x10000x16xf32> to vector<1xf32>
    %reduce_sum3A_31 = vector.shape_cast %reduce_sum3A_30 : vector<1xf32> to vector<1x1x1xf32>
    %reduce_sum3A_32 = vector.extract %reduce_sum3A_31[0, 0, 0] : f32 from vector<1x1x1xf32>
    %mul3A_33 = arith.constant 9.99999974E-5 : f32
    %mul3A_34 = arith.mulf %reduce_sum3A_32, %mul3A_33 : f32
    %add3A_35 = arith.constant 9.99999997E-7 : f32
    %add3A_36 = arith.addf %mul3A_34, %add3A_35 : f32
    %sqrt3A = math.sqrt %add3A_36 : f32
    %div3A = vector.broadcast %sqrt3A : f32 to vector<10000x16xf32>
    %div3A_37 = arith.divf %sub3A_26, %div3A : vector<10000x16xf32>
    %max3A = arith.constant 0.000000e+00 : f32
    %max3A_38 = vector.broadcast %max3A : f32 to vector<10000x16xf32>
    %max3A_39 = arith.maximumf %div3A_37, %max3A_38 : vector<10000x16xf32>
    %get3A_40 = arith.constant 0 : index
    %get3A_41 = arith.constant 0 : index
    %get3A_42 = vector.load %arg4[%get3A_40, %get3A_41] : memref<16x64xf32, #tpu.memory_space<vmem>>, vector<16x64xf32>
    %dot_general3A = arith.constant dense<0.000000e+00> : vector<10000x64xf32>
    %dot_general3A_43 = tpu.matmul %max3A_39, %get3A_42, %dot_general3A {dimension_numbers = #tpu.dot_dimension_numbers<[1], [0], [0], [1], [0, 0, 1, 1], [], []>, transpose_lhs_hint = false} : vector<10000x16xf32>, vector<16x64xf32>, vector<10000x64xf32> -> vector<10000x64xf32>
    %mul3A_44 = vector.broadcast %get3A_1 : vector<10000x1xf32> to vector<10000x64xf32>
    %mul3A_45 = arith.mulf %mul3A_44, %dot_general3A_43 : vector<10000x64xf32>
    %swap3A = arith.constant 0 : index
    %swap3A_46 = arith.constant 0 : index
    %swap3A_47 = vector.load %arg5[%swap3A, %swap3A_46] : memref<10000x64xf32, #tpu.memory_space<vmem>>, vector<10000x64xf32>
    tpu.vector_store %arg5[%swap3A, %swap3A_46], %mul3A_45 {strides = array<i32>} : memref<10000x64xf32, #tpu.memory_space<vmem>>, vector<10000x64xf32>,
    return
  }
}

module attributes {stable_mosaic.version = 14 : i64} {
  func.func @_tc_out_body(%arg0: memref<2x10240x64xf32, #tpu.memory_space<vmem>>, %arg1: memref<10000x64xf32, #tpu.memory_space<vmem>>, %arg2: memref<10000x1xf32, #tpu.memory_space<vmem>>, %arg3: memref<1x64xf32, #tpu.memory_space<vmem>>, %arg4: memref<10000x64xf32, #tpu.memory_space<vmem>>) attributes {dimension_semantics = [], scalar_prefetch = 0 : i64, scratch_operands = 0 : i64, tpu.core_type = #tpu.core_type<tc>} {
    %get3A = arith.constant 0 : index
    %get3A_0 = arith.constant 0 : index
    %get3A_1 = vector.load %arg2[%get3A, %get3A_0] : memref<10000x1xf32, #tpu.memory_space<vmem>>, vector<10000x1xf32>
    %get3A_2 = arith.constant 0 : index
    %get3A_3 = arith.constant 0 : index
    %get3A_4 = arith.constant 0 : index
    %get3A_5 = vector.load %arg0[%get3A_2, %get3A_3, %get3A_4] : memref<2x10240x64xf32, #tpu.memory_space<vmem>>, vector<1x10000x64xf32>
    %get3A_6 = vector.shape_cast %get3A_5 : vector<1x10000x64xf32> to vector<10000x64xf32>
    %get3A_7 = arith.constant 1 : index
    %get3A_8 = arith.constant 0 : index
    %get3A_9 = arith.constant 0 : index
    %get3A_10 = vector.load %arg0[%get3A_7, %get3A_8, %get3A_9] : memref<2x10240x64xf32, #tpu.memory_space<vmem>>, vector<1x10000x64xf32>
    %get3A_11 = vector.shape_cast %get3A_10 : vector<1x10000x64xf32> to vector<10000x64xf32>
    %add3A = arith.addf %get3A_6, %get3A_11 : vector<10000x64xf32>
    %get3A_12 = arith.constant 0 : index
    %get3A_13 = arith.constant 0 : index
    %get3A_14 = vector.load %arg1[%get3A_12, %get3A_13] : memref<10000x64xf32, #tpu.memory_space<vmem>>, vector<10000x64xf32>
    %add3A_15 = arith.addf %add3A, %get3A_14 : vector<10000x64xf32>
    %mul3A = vector.broadcast %get3A_1 : vector<10000x1xf32> to vector<10000x64xf32>
    %mul3A_16 = arith.mulf %mul3A, %add3A_15 : vector<10000x64xf32>
    %get3A_17 = arith.constant 0 : index
    %get3A_18 = arith.constant 0 : index
    %get3A_19 = vector.load %arg3[%get3A_17, %get3A_18] : memref<1x64xf32, #tpu.memory_space<vmem>>, vector<1x64xf32>
    %add3A_20 = vector.broadcast %get3A_19 : vector<1x64xf32> to vector<10000x64xf32>
    %add3A_21 = arith.addf %mul3A_16, %add3A_20 : vector<10000x64xf32>
    %reduce_max3A = arith.constant dense<0xFF800000> : vector<10000xf32>
    %reduce_max3A_22 = vector.multi_reduction <maximumf>, %add3A_21, %reduce_max3A [1] : vector<10000x64xf32> to vector<10000xf32>
    %broadcast_in_dim3A = vector.shape_cast %reduce_max3A_22 : vector<10000xf32> to vector<10000x1xf32>
    %sub3A = vector.broadcast %broadcast_in_dim3A : vector<10000x1xf32> to vector<10000x64xf32>
    %sub3A_23 = arith.subf %add3A_21, %sub3A : vector<10000x64xf32>
    %exp3A = math.exp %sub3A_23 : vector<10000x64xf32>
    %reduce_sum3A = arith.constant dense<0.000000e+00> : vector<10000xf32>
    %reduce_sum3A_24 = vector.multi_reduction <add>, %exp3A, %reduce_sum3A [1] : vector<10000x64xf32> to vector<10000xf32>
    %broadcast_in_dim3A_25 = vector.shape_cast %reduce_sum3A_24 : vector<10000xf32> to vector<10000x1xf32>
    %log3A = math.log %broadcast_in_dim3A_25 : vector<10000x1xf32>
    %sub3A_26 = vector.broadcast %log3A : vector<10000x1xf32> to vector<10000x64xf32>
    %sub3A_27 = arith.subf %sub3A_23, %sub3A_26 : vector<10000x64xf32>
    %swap3A = arith.constant 0 : index
    %swap3A_28 = arith.constant 0 : index
    %swap3A_29 = vector.load %arg4[%swap3A, %swap3A_28] : memref<10000x64xf32, #tpu.memory_space<vmem>>, vector<10000x64xf32>
    tpu.vector_store %arg4[%swap3A, %swap3A_28], %sub3A_27 {strides = array<i32>} : memref<10000x64xf32, #tpu.memory_space<vmem>>, vector<10000x64xf32>,
    return
  }
}

</mosaic_0001>

<sc_bundles>
// kernel: kernel.10.cloned.1.call-start
scs
__scs_entry_jumppad:
0x0: {  	(pc) =	sbr.rel $0x88, $3  }
0x1: {  	(tag) =	ssettag $0x0;
	lr =	simm.s32 $0x1  }
0x2: {  	[smem:$0x3F99] =	sst lr;
	_ =	strace $0xD0000000  }
0x3: {  	_ = 	snop  }
0x4: {  	_ = 	snop  }
0x5: {  	_ = 	snop  }
0x6: {  	_ = 	snop  }
0x7: {  	_ = 	snop  }
__scs_overlays_trampoline_lowered:
0x8: {  	[smem:$0x3FA8] =	sst s0  }
0x9: {  	[smem:$0x3FA9] =	sst s1  }
0xa: {  	[smem:$0x3FAA] =	sst s2  }
0xb: {  	[smem:$0x3FAB] =	sst s3  }
0xc: {  	[smem:$0x3FAC] =	sst s4  }
0xd: {  	[smem:$0x3FAD] =	sst s5  }
0xe: {  	[smem:$0x3FAE] =	sst s6  }
0xf: {  	[smem:$0x3FAF] =	sst s7  }
0x10: {  	[smem:$0x3FB0] =	sst s8  }
0x11: {  	[smem:$0x3FB1] =	sst s9;
	s0 =	simm.s32 @!p0 $0x0  }
0x12: {  	s1 =	sld [smem:$0x3F97];
	s0 =	simm.s32 @p0 $0x1  }
0x13: {  	[smem:$0x3FB2] =	sst s0;
	s0 =	simm.s32 @!p1 $0x0  }
0x14: {  	s2 =	sld [smem:$0x3F96];
	s0 =	simm.s32 @p1 $0x1  }
0x15: {  	[smem:$0x3FB3] =	sst s0;
	s0 =	simm.s32 @!p2 $0x0  }
0x16: {  	s3 =	sld [smem:$0x3FDB];
	s0 =	simm.s32 @p2 $0x1  }
0x17: {  	s4 =	simm.s32 $0x1BF5;
	[smem:$0x3FB5] =	sst s0  }
0x18: {  	s0 =	sld [smem:$0x3F98];
	_ =	swait.ge [sflag:s4], $0x0  }
0x19: {  	s7 =	sld [smem:$0x3F99]  }
0x1a: {  	s8 =	sadd.s32 $0xFFFFE003, lr  }
0x1b: {  	s9 =	sadd.s32 $0xFFFFFEF7, lr;
	s5 =	simm.s32 $0xFFFFFFFF;
	p2 =	slt.u32 s8, $0xFFFFF086  }
0x1c: {  	p1 =	slt.u32 s9, $0xF7A;
	s5 =	simm.s32 @!p2 $0x0  }
0x1d: {  	s5 =	simm.s32 @p1 $0x1;
	p0 =	seq.s32 s7, s2  }
0x1e: {  	s7 =	smul.u32 @!p0 $0xF7A, s2;
	p2 =	seq.s32 @!p0 s5, $0x0  }
0x1f: {  	s9 =	smul.u32 $0xF7A, s1;
	s8 =	simm.s32 @!p0 $0x1BF5;
	p2 =	por !p2, p0  }
0x20: {  	[sflag:s8] =	ssyncset.s32 @!p0 $0xFFFFF086;
	s6 =	sadd.s32 @!p0 s3, s7;
	s7 =	simm.s32 @!p0 $0x108  }
0x21: {  	s3 =	sadd.s32 s3, s9;
	s6 =	sadd.s32 @!p0 $0x88, s6;
	s7 =	simm.s32 @p2 $0x1082  }
0x22: {  	[simem:s7], [sflag:s8] =	dma.local @!p0 [hbm:s6], $0xF7A  }
0x23: {  	s9 =	sor.u32 $0xD0000000, s2;
	s6 =	simm.s32 $0x108;
	_ =	swait.ge @!p0 [sflag:s8], $0x0  }
0x24: {  	s3 =	sadd.s32 $0x88, s3;
	s6 =	simm.s32 @!p1 $0x1082;
	[sflag:s4] =	ssyncset.s32 $0xFFFFF086  }
0x25: {  	[simem:s6], [sflag:s4] =	dma.local [hbm:s3], $0xF7A  }
0x26: {  	[smem:$0x3F99] =	sst s1;
	(tag) =	ssettag s2;
	_ =	strace s9  }
0x27: {  	s1 =	sld [smem:$0x3FA9]  }
0x28: {  	s2 =	sld [smem:$0x3FAA]  }
0x29: {  	s4 =	sld [smem:$0x3FAC]  }
0x2a: {  	p0 =	seq.s32 s5, $0x0;
	s5 =	sld [smem:$0x3FAD]  }
0x2b: {  	s6 =	sld [smem:$0x3FAE]  }
0x2c: {  	s7 =	sld [smem:$0x3FAF]  }
0x2d: {  	s3 =	simm.s32 $0x108;
	s8 =	sld [smem:$0x3FB0]  }
0x2e: {  	s3 =	simm.s32 @!p0 $0x1082;
	s9 =	sld [smem:$0x3FB1]  }
0x2f: {  	lr =	sadd.s32 s0, s3;
	s0 =	sld [smem:$0x3FA8]  }
0x30: {  	s3 =	sld [smem:$0x3FAB]  }
0x31: {  	[smem:$0x3FB4] =	sst s10  }
0x32: {  	s10 =	sld [smem:$0x3FB2];
	_ =	sdelay $0x3  }
0x33: {  	p0 =	seq.s32 s10, $0x1;
	s10 =	sld [smem:$0x3FB4];
	_ =	sdelay $0x3  }
0x34: {  	[smem:$0x3FB4] =	sst s10  }
0x35: {  	s10 =	sld [smem:$0x3FB3];
	_ =	sdelay $0x3  }
0x36: {  	p1 =	seq.s32 s10, $0x1;
	s10 =	sld [smem:$0x3FB4];
	_ =	sdelay $0x3  }
0x37: {  	[smem:$0x3FB4] =	sst s10  }
0x38: {  	s10 =	sld [smem:$0x3FB5]  }
0x39: {  	_ = 	snop;
	(pc) =	sbr.ind lr, $3  }
0x3a: {  	_ = 	snop  }
0x3b: {  	_ = 	snop  }
0x3c: {  	p2 =	seq.s32 s10, $0x1;
	s10 =	sld [smem:$0x3FB4]  }
0x3d: {  	_ =	shalt  }
0x3e: {  	_ =	shalt  }
0x3f: {  	_ =	shalt  }
0x40: {  	_ =	shalt  }
0x41: {  	_ =	shalt  }
0x42: {  	_ =	shalt  }
0x43: {  	_ =	shalt  }
0x44: {  	_ =	shalt  }
0x45: {  	_ =	shalt  }
0x46: {  	_ =	shalt  }
0x47: {  	_ =	shalt  }
0x48: {  	_ =	shalt  }
0x49: {  	_ =	shalt  }
0x4a: {  	_ =	shalt  }
0x4b: {  	_ =	shalt  }
0x4c: {  	_ =	shalt  }
0x4d: {  	_ =	shalt  }
0x4e: {  	_ =	shalt  }
0x4f: {  	_ =	shalt  }
0x50: {  	_ =	shalt  }
0x51: {  	_ =	shalt  }
0x52: {  	_ =	shalt  }
0x53: {  	_ =	shalt  }
0x54: {  	_ =	shalt  }
0x55: {  	_ =	shalt  }
0x56: {  	_ =	shalt  }
0x57: {  	_ =	shalt  }
0x58: {  	_ =	shalt  }
0x59: {  	_ =	shalt  }
0x5a: {  	_ =	shalt  }
0x5b: {  	_ =	shalt  }
0x5c: {  	_ =	shalt  }
0x5d: {  	_ =	shalt  }
0x5e: {  	_ =	shalt  }
0x5f: {  	_ =	shalt  }
0x60: {  	_ =	shalt  }
0x61: {  	_ =	shalt  }
0x62: {  	_ =	shalt  }
0x63: {  	_ =	shalt  }
0x64: {  	_ =	shalt  }
0x65: {  	_ =	shalt  }
0x66: {  	_ =	shalt  }
0x67: {  	_ =	shalt  }
0x68: {  	_ =	shalt  }
0x69: {  	_ =	shalt  }
0x6a: {  	_ =	shalt  }
0x6b: {  	_ =	shalt  }
0x6c: {  	_ =	shalt  }
0x6d: {  	_ =	shalt  }
0x6e: {  	_ =	shalt  }
0x6f: {  	_ =	shalt  }
0x70: {  	_ =	shalt  }
0x71: {  	_ =	shalt  }
0x72: {  	_ =	shalt  }
0x73: {  	_ =	shalt  }
0x74: {  	_ =	shalt  }
0x75: {  	_ =	shalt  }
0x76: {  	_ =	shalt  }
0x77: {  	_ =	shalt  }
0x78: {  	_ =	shalt  }
0x79: {  	_ =	shalt  }
0x7a: {  	_ =	shalt  }
0x7b: {  	_ =	shalt  }
0x7c: {  	_ =	shalt  }
0x7d: {  	_ =	shalt  }
0x7e: {  	_ =	shalt  }
0x7f: {  	_ =	shalt  }
0x80: {  	_ =	shalt  }
0x81: {  	_ =	shalt  }
0x82: {  	_ =	shalt  }
0x83: {  	_ =	shalt  }
0x84: {  	_ =	shalt  }
0x85: {  	_ =	shalt  }
0x86: {  	_ =	shalt  }
0x87: {  	_ =	shalt  }
.Lfunc_end0:
.L_simem_size_0:
called_computation_lowered:
.L_overlay_start_0:
0x88: {  	s2 =	sld [smem:$0x3FD9]  }
0x89: {  	s3 =	sld [smem:$0x3FFE];
	_ =	sdelay $0x1  }
0x8a: {  	s1 =	srdreg.scid  }
0x8b: {  	s0 =	sand.u32 $0x1, s1  }
0x8c: {  	s17 =	sshll.u32 s0, $0xA;
	s2 =	sadd.s32 s3, s2  }
0x8d: {  	s2 =	sadd.s32 s2, s17  }
0x8e: {  	[smem:$0x3FC0] =	sst s2  }
0x8f: {  	_ = 	snop  }
0x90: {  	s2 =	sld [smem:$0x3FD0];
	(tm) =	ssettm $0x1  }
0x91: {  	s18 =	sld [smem:$0x3FFB];
	_ =	sdelay $0x3  }
0x92: {  	_ =	strace s18  }
0x93: {  	s3 =	sld [smem:$0x3FFC];
	_ =	sdelay $0x3  }
0x94: {  	_ =	strace s3  }
0x95: {  	s3 =	sld [smem:$0x3FFD];
	_ =	sdelay $0x3  }
0x96: {  	_ =	strace s3  }
0x97: {  	_ =	strace $0x8FFFFFFF  }
0x98: {  	s19 =	sld [smem:$0x3FDB];
	_ =	sdelay $0x1  }
0x99: {  	s4 =	simm.s32 $_scs_section_size  }
0x9a: {  	s5 =	simm.s32 $_size__tile_overlayer_lowered;
	s6 =	simm.s32 $_tile_overlayer_lowered  }
0x9b: {  	s22 =	simm.s32 $0x1BFF;
	s21 =	sshll.u32 s6, $0x1;
	s3 =	sadd.s32 s4, s19  }
0x9c: {  	s7 =	simm.s32 $0x0;
	s20 =	sshll.u32 s5, $0x1;
	s5 =	sadd.s32 s21, s3  }
0x9d: {  	[timem:s7], [sflag:s22] =	dma.local [hbm:s5], s20  }
0x9e: {  	_ =	swait.ge [sflag:s22], s20  }
0x9f: {  	s4 =	ssub.s32 $0x0, s20;
	[sflag:s22] =	ssyncset.done $0x0  }
0xa0: {  	[sflag:s22] =	ssyncadd.s32 s4;
	_ =	sdelay $0x1  }
0xa1: {  	s23 =	simm.s32 $0x1B8B  }
0xa2: {  	_ =	swait.ge [sflag:s23], $0x1  }
0xa3: {  	[sflag:s23] =	ssyncset.done $0x0  }
0xa4: {  	s25 =	simm.s32 $0x1B8E;
	s24 =	sld [smem:$0x3FFE];
	[sflag:s23] =	ssyncadd.s32 $0xFFFFFFFF  }
0xa5: {  	s26 =	simm.s32 $execute0_lowered;
	[smem:$0x3FD2] =	sst s25  }
0xa6: {  	s5 =	sshll.u32 s26, $0x1;
	_ =	strace $0x80000046;
	[dreg:$0x1] =	wrdreg $0xFFFFFFFF  }
0xa7: {  	s28 =	simm.s32 $_size_execute0_lowered;
	s3 =	sadd.s32 s3, s5;
	[dreg:$0x0] =	wrdreg $0x0  }
0xa8: {  	s5 =	sshll.u32 s28, $0x1;
	[dreg:$0x2] =	wrdreg s3  }
0xa9: {  	[dreg:$0x3] =	wrdreg s5  }
0xaa: {  	[dreg:$0x4] =	wrdreg $0xC0  }
0xab: {  	_ =	task [dreg:s7], $0x5FFFF  }
0xac: {  	[dreg:$0x1] =	wrdreg $0xFFFFFFFF  }
0xad: {  	[dreg:$0x0] =	wrdreg $0x60  }
0xae: {  	[dreg:$0x2] =	wrdreg s24  }
0xaf: {  	[dreg:$0x3] =	wrdreg s2  }
0xb0: {  	[dreg:$0x4] =	wrdreg $0x31100  }
0xb1: {  	[dreg:$0x5] =	wrdreg $0x9  }
0xb2: {  	_ =	task.clear_ibuf [dreg:s7], $0x6FFFF;
	_ =	strace $0x90000046  }
0xb3: {  	s29 =	simm.s32 $0x9;
	_ =	strace $0x80000048  }
0xb4: {  	_ =	swait.ge [sflag:s29], $0x1  }
0xb5: {  	[sflag:s29] =	ssyncadd.s32 $0xFFFFFFFF  }
0xb6: {  	_ =	strace $0x90000048  }
0xb7: {  	_ =	sfence  }
0xb8: {  	s30 =	sld [smem:$0x0];
	_ =	sdelay $0x2  }
0xb9: {  	s31 =	sshll.u32 s1, $0xD;
	s1 =	sshrl.u32 s1, $0x2  }
0xba: {  	s3 =	sand.u32 $0x4000, s31;
	s1 =	sadd.s32 s1, s30  }
0xbb: {  	s0 =	sor.u32 s3, s0;
	s1 =	sshll.u32 s1, $0x11  }
0xbc: {  	s0 =	sor.u32 s1, s0  }
0xbd: {  	s0 =	sadd.s32 $0x8F2B, s0  }
0xbe: {  	[sflag:s0] =	ssyncadd.remote.s32 $0x1  }
0xbf: {  	_ =	sfence.sel $0xFFFF  }
0xc0: {  	[dreg:$0x0] =	wrdreg $0xFFFFFFFF;
	(pc) =	sbr.abs _section_cstart, $3  }
0xc1: {  	[dreg:$0x1] =	wrdreg $0xFFFFFFFF  }
0xc2: {  	_ =	task.clear_ibuf [dreg:s7], $0x2FFFF;
	_ =	strace $0x9FFFFFFF  }
0xc3: {  	(tm) =	ssettm $0x7FFFFFFF  }
tec
execute0_lowered:
.L_overlay_start_1:
0x0: {  	(tag) =	ssettag $0x1  }
0x1: {  	s4 =	rddreg [dreg:$0x0]  }
0x2: {  	s13 =	rddreg [dreg:$0x1]  }
0x3: {  	s0 =	srdreg.scid;
	s2 =	rddreg [dreg:$0x2];
	s3 =	simm.s32 $0x0  }
0x4: {  	s16 =	simm.s32 $0x2;
	s17 =	simm.s32 $0x50;
	s18 =	simm.s32 $0x2710  }
0x5: {  	s19 =	simm.s32 $0x1;
	s5 =	sand.u32 $0x1, s0;
	s0 =	stileid.u32  }
0x6: {  	s20 =	simm.s32 $0x0;
	[smem:$0x7FF] =	sst s3;
	s8 =	smul.u32 $0xA000, s0  }
0x7: {  	s1 =	sshll.u32 s5, $0x4;
	s7 =	ssub.s32 $0x2, s5;
	s10 =	smul.u32 $0x2800, s0  }
0x8: {  	s15 =	smul.u32 $0x28000, s5;
	s6 =	sor.u32 s0, s1;
	s1 =	rddreg [dreg:$0x3]  }
0x9: {  	_ =	strace $0x80000047;
	s9 =	sshrl.u32 s7, $0x1;
	s6 =	smul.u32 $0x4E2, s6  }
0xa: {  	s14 =	ssub.s32 s7, s9;
	s31 =	sshrl.u32 s8, $0x2;
	s15 =	sadd.s32 s10, s15  }
0xb: {  	s11 =	sadd.s32 s31, s2;
	s15 =	sshrl.u32 s15, $0x3;
	s14 =	smax.u32 s14, $0x1  }
0xc: {  	s12 =	sadd.s32 s6, s4;
	s4 =	sadd.s32 s10, s2;
	s5 =	sadd.s32 $0x500, s11  }
0xd: {  	s6 =	sadd.s32 $0xA00, s11;
	s7 =	sadd.s32 $0xF00, s11;
	s8 =	sadd.s32 $0x1400, s11  }
0xe: {  	s9 =	sadd.s32 $0x1900, s11;
	s10 =	sadd.s32 $0x1E00, s11;
	s11 =	sadd.s32 $0x2300, s11  }
0xf: {  	v0 =	vimm.f32 $0.0e+00;
	v1 =	vimm.f32 $1.000000000e+00;
	s13 =	sadd.s32 s13, s15;
	s15 =	simm.s32 $0x2C10;
	s12 =	sadd.s32 $0xBC00, s12  }
.LBB2_1:
0x10: {  	s21 =	simm.s32 $0x0  }
.LBB2_2:
0x11: {  	p0 =	sne.s32 s21, $0x13C0  }
.Ltmp0:
0x12: {  	_ = 	snop;
	(pc) =	sbr.rel @p0 .LBB2_2-.Ltmp0, $3  }
0x13: {  	_ =	sdelay $0x1  }
0x14: {  	s22 =	sshra.s32 s21, $0x2  }
0x15: {  	s21 =	sadd.s32 $0x40, s21;
	[tilespmem:s22+$0x2C10] =	vst v0  }
0x16: {  	s21 =	simm.s32 $0x40;
	s22 =	simm.s32 $0x0  }
.LBB2_4:
0x17: {  	p0 =	sne.s32 s21, $0x13C0;
	[tilespmem:s22+$0x2710] =	vst v1;
	s22 =	smov.u32 s21;
	s21 =	sadd.s32 $0x40, s21  }
.Ltmp1:
0x18: {  	(pc) =	sbr.rel @p0 .LBB2_4-.Ltmp1, $2  }
0x19: {  	_ =	sdelay $0x2  }
0x1a: {  	s22 =	sshra.s32 s22, $0x2  }
0x1b: {  	[tilespmem:s22+$0x2710] =	vst v1  }
0x1c: {  	[spmem:s4] =	stream.linear.scatter [tilespmem:s15], [sflag:$0x2], $0x500, $0x38;
	[tilespmem:$0x5910] =	vst v63  }
0x1d: {  	_ =	swait.ge [sflag:s16], $0x500  }
0x1e: {  	[sflag:s16] =	ssyncset.done $0x0  }
0x1f: {  	[sflag:s16] =	ssyncadd.s32 $0xFFFFFB00  }
0x20: {  	[spmem:s5] =	stream.linear.scatter [tilespmem:s15], [sflag:$0x2], $0x500, $0x38;
	[tilespmem:$0x5910] =	vst v63  }
0x21: {  	_ =	swait.ge [sflag:s16], $0x500  }
0x22: {  	[sflag:s16] =	ssyncset.done $0x0  }
0x23: {  	[sflag:s16] =	ssyncadd.s32 $0xFFFFFB00  }
0x24: {  	[spmem:s6] =	stream.linear.scatter [tilespmem:s15], [sflag:$0x2], $0x500, $0x38;
	[tilespmem:$0x5910] =	vst v63  }
0x25: {  	_ =	swait.ge [sflag:s16], $0x500  }
0x26: {  	[sflag:s16] =	ssyncset.done $0x0  }
0x27: {  	[sflag:s16] =	ssyncadd.s32 $0xFFFFFB00  }
0x28: {  	[spmem:s7] =	stream.linear.scatter [tilespmem:s15], [sflag:$0x2], $0x500, $0x38;
	[tilespmem:$0x5910] =	vst v63  }
0x29: {  	_ =	swait.ge [sflag:s16], $0x500  }
0x2a: {  	[sflag:s16] =	ssyncset.done $0x0  }
0x2b: {  	[sflag:s16] =	ssyncadd.s32 $0xFFFFFB00  }
0x2c: {  	[spmem:s8] =	stream.linear.scatter [tilespmem:s15], [sflag:$0x2], $0x500, $0x38;
	[tilespmem:$0x5910] =	vst v63  }
0x2d: {  	_ =	swait.ge [sflag:s16], $0x500  }
0x2e: {  	[sflag:s16] =	ssyncset.done $0x0  }
0x2f: {  	[sflag:s16] =	ssyncadd.s32 $0xFFFFFB00  }
0x30: {  	[spmem:s9] =	stream.linear.scatter [tilespmem:s15], [sflag:$0x2], $0x500, $0x38;
	[tilespmem:$0x5910] =	vst v63  }
0x31: {  	_ =	swait.ge [sflag:s16], $0x500  }
0x32: {  	[sflag:s16] =	ssyncset.done $0x0  }
0x33: {  	[sflag:s16] =	ssyncadd.s32 $0xFFFFFB00  }
0x34: {  	[spmem:s10] =	stream.linear.scatter [tilespmem:s15], [sflag:$0x2], $0x500, $0x38;
	[tilespmem:$0x5910] =	vst v63  }
0x35: {  	_ =	swait.ge [sflag:s16], $0x500  }
0x36: {  	[sflag:s16] =	ssyncset.done $0x0  }
0x37: {  	[sflag:s16] =	ssyncadd.s32 $0xFFFFFB00  }
0x38: {  	[spmem:s11] =	stream.linear.scatter [tilespmem:s15], [sflag:$0x2], $0x500, $0x38;
	[tilespmem:$0x5910] =	vst v63  }
0x39: {  	_ =	swait.ge [sflag:s16], $0x500  }
0x3a: {  	[sflag:s16] =	ssyncset.done $0x0  }
0x3b: {  	[sflag:s16] =	ssyncadd.s32 $0xFFFFFB00  }
0x3c: {  	[tilespmem:s3], [sflag:$0x2] =	stream.linear.gather [hbm4b:s12+s3], $0x2710, $0x38;
	[tilespmem:$0x5910] =	vst v63  }
0x3d: {  	_ =	swait.ge [sflag:s16], $0x2710  }
0x3e: {  	[sflag:s16] =	ssyncset.done $0x0  }
0x3f: {  	[sflag:s16] =	ssyncadd.s32 $0xFFFFD8F0  }
0x40: {  	[bflag:$0x0] =	sbarrier.arrive $0xFFFF  }
0x41: {  	[spmem:s2] =	stream.indirect.scatter.add.f32 [tilespmem:s18], [sflag:$0x1], $0x10, s3, s17, $0xb8;
	[tilespmem:$0x5910] =	vst v63  }
0x42: {  	_ =	swait.ge [sflag:s19], $0x500  }
0x43: {  	[sflag:s19] =	ssyncset.done $0x0  }
0x44: {  	s21 =	simm.s32 $0x280;
	s22 =	simm.s32 $0x50;
	[sflag:s19] =	ssyncadd.s32 $0xFFFFFB00  }
.LBB2_6:
0x45: {  	[spmem:s2] =	stream.indirect.scatter.add.f32 [tilespmem:s18], [sflag:$0x1], $0x10, s22, s17, $0xb8;
	[tilespmem:$0x5910] =	vst v63  }
0x46: {  	s22 =	smov.u32 s21;
	p0 =	sne.s32 s21, $0x9B00  }
.Ltmp2:
0x47: {  	s21 =	sadd.s32 $0x140, s21;
	(pc) =	sbr.rel @p0 .LBB2_6-.Ltmp2, $4  }
0x48: {  	_ = 	snop  }
0x49: {  	_ =	swait.ge [sflag:s19], $0x500  }
0x4a: {  	[sflag:s19] =	ssyncset.done $0x0  }
0x4b: {  	s22 =	sshra.s32 s22, $0x2;
	[sflag:s19] =	ssyncadd.s32 $0xFFFFFB00  }
0x4c: {  	[spmem:s2] =	stream.indirect.scatter.add.f32 [tilespmem:s18], [sflag:$0x1], $0x10, s22, s17, $0xb8;
	[tilespmem:$0x5910] =	vst v63  }
0x4d: {  	_ =	swait.ge [sflag:s19], $0x500  }
0x4e: {  	s21 =	sshll.u32 s0, $0x6;
	s20 =	sadd.s32 $0x1, s20;
	[sflag:s19] =	ssyncset.done $0x0  }
0x4f: {  	s31 =	sshrl.u32 s4, $0x3;
	p0 =	sne.s32 s20, s14;
	[sflag:s19] =	ssyncadd.s32 $0xFFFFFB00  }
.Ltmp3:
0x50: {  	s21 =	sor.u32 $0x1C02, s21;
	[bflag:$0x0] =	sbarrier.arrive $0xFFFF;
	(pc) =	sbr.rel @p0 .LBB2_1-.Ltmp3, $4  }
0x51: {  	[hbm:s13], [sflag:s21] =	dma.local [spmem:s31], $0x500  }
0x52: {  	_ =	swait.ge [sflag:s16], $0x500  }
0x53: {  	[sflag:s16] =	ssyncset.done $0x0  }
0x54: {  	[sflag:s16] =	ssyncadd.s32 $0xFFFFFB00  }
0x55: {  	_ =	sfence.sel $0x180000  }
0x56: {  	[bflag:$0x0] =	sbarrier.arrive $0xFFFF  }
0x57: {  	p0 =	sne.s32 s0, $0x0;
	_ =	strace $0x90000047  }
0x58: {  	s0 =	sadd.s32 @!p0 $0x100000, s1;
	[bflag:$0x2] =	sbarrier.arrive $0xFFFF  }
0x59: {  	[sflag:s0] =	ssyncadd.tile.s32 @!p0 $0x1;
	_ =	shalt  }
.Lfunc_end2:
_tile_overlayer_lowered:
.L_overlay_start_2:
0x5a: {  	(tag) =	ssettag $0x2  }
0x5b: {  	s0 =	rddreg [dreg:$0x0];
	s2 =	stileid.u32  }
0x5c: {  	s1 =	rddreg [dreg:$0x1];
	p0 =	sne.s32 s2, $0x0  }
0x5d: {  	s3 =	rddreg [dreg:$0x2];
	[bflag:$0x3] =	sbarrier.arrive $0xFFFF;
	s2 =	simm.s32 @!p0 $0x1C02  }
0x5e: {  	[timem:s3], [sflag:s2] =	dma.local @!p0 [hbm:s0], s1  }
0x5f: {  	s0 =	simm.s32 @!p0 $0x2  }
0x60: {  	_ =	swait.ge @!p0 [sflag:s0], s1  }
0x61: {  	s1 =	ssub.s32 @!p0 $0x0, s1;
	[sflag:s0] =	ssyncset.done @!p0 $0x0  }
0x62: {  	[sflag:s0] =	ssyncadd.s32 @!p0 s1  }
0x63: {  	[bflag:$0x3] =	sbarrier.arrive $0xFFFF  }
0x64: {  	_ =	shalt  }

// kernel: kernel.13.cloned.1.call-start
scs
__scs_entry_jumppad:
0x0: {  	(pc) =	sbr.rel $0x88, $3  }
0x1: {  	(tag) =	ssettag $0x0;
	lr =	simm.s32 $0x1  }
0x2: {  	[smem:$0x3F99] =	sst lr;
	_ =	strace $0xD0000000  }
0x3: {  	_ = 	snop  }
0x4: {  	_ = 	snop  }
0x5: {  	_ = 	snop  }
0x6: {  	_ = 	snop  }
0x7: {  	_ = 	snop  }
__scs_overlays_trampoline_lowered:
0x8: {  	[smem:$0x3FA8] =	sst s0  }
0x9: {  	[smem:$0x3FA9] =	sst s1  }
0xa: {  	[smem:$0x3FAA] =	sst s2  }
0xb: {  	[smem:$0x3FAB] =	sst s3  }
0xc: {  	[smem:$0x3FAC] =	sst s4  }
0xd: {  	[smem:$0x3FAD] =	sst s5  }
0xe: {  	[smem:$0x3FAE] =	sst s6  }
0xf: {  	[smem:$0x3FAF] =	sst s7  }
0x10: {  	[smem:$0x3FB0] =	sst s8  }
0x11: {  	[smem:$0x3FB1] =	sst s9;
	s0 =	simm.s32 @!p0 $0x0  }
0x12: {  	s1 =	sld [smem:$0x3F97];
	s0 =	simm.s32 @p0 $0x1  }
0x13: {  	[smem:$0x3FB2] =	sst s0;
	s0 =	simm.s32 @!p1 $0x0  }
0x14: {  	s2 =	sld [smem:$0x3F96];
	s0 =	simm.s32 @p1 $0x1  }
0x15: {  	[smem:$0x3FB3] =	sst s0;
	s0 =	simm.s32 @!p2 $0x0  }
0x16: {  	s3 =	sld [smem:$0x3FDB];
	s0 =	simm.s32 @p2 $0x1  }
0x17: {  	s4 =	simm.s32 $0x1BF5;
	[smem:$0x3FB5] =	sst s0  }
0x18: {  	s0 =	sld [smem:$0x3F98];
	_ =	swait.ge [sflag:s4], $0x0  }
0x19: {  	s7 =	sld [smem:$0x3F99]  }
0x1a: {  	s8 =	sadd.s32 $0xFFFFE003, lr  }
0x1b: {  	s9 =	sadd.s32 $0xFFFFFEF7, lr;
	s5 =	simm.s32 $0xFFFFFFFF;
	p2 =	slt.u32 s8, $0xFFFFF086  }
0x1c: {  	p1 =	slt.u32 s9, $0xF7A;
	s5 =	simm.s32 @!p2 $0x0  }
0x1d: {  	s5 =	simm.s32 @p1 $0x1;
	p0 =	seq.s32 s7, s2  }
0x1e: {  	s7 =	smul.u32 @!p0 $0xF7A, s2;
	p2 =	seq.s32 @!p0 s5, $0x0  }
0x1f: {  	s9 =	smul.u32 $0xF7A, s1;
	s8 =	simm.s32 @!p0 $0x1BF5;
	p2 =	por !p2, p0  }
0x20: {  	[sflag:s8] =	ssyncset.s32 @!p0 $0xFFFFF086;
	s6 =	sadd.s32 @!p0 s3, s7;
	s7 =	simm.s32 @!p0 $0x108  }
0x21: {  	s3 =	sadd.s32 s3, s9;
	s6 =	sadd.s32 @!p0 $0x88, s6;
	s7 =	simm.s32 @p2 $0x1082  }
0x22: {  	[simem:s7], [sflag:s8] =	dma.local @!p0 [hbm:s6], $0xF7A  }
0x23: {  	s9 =	sor.u32 $0xD0000000, s2;
	s6 =	simm.s32 $0x108;
	_ =	swait.ge @!p0 [sflag:s8], $0x0  }
0x24: {  	s3 =	sadd.s32 $0x88, s3;
	s6 =	simm.s32 @!p1 $0x1082;
	[sflag:s4] =	ssyncset.s32 $0xFFFFF086  }
0x25: {  	[simem:s6], [sflag:s4] =	dma.local [hbm:s3], $0xF7A  }
0x26: {  	[smem:$0x3F99] =	sst s1;
	(tag) =	ssettag s2;
	_ =	strace s9  }
0x27: {  	s1 =	sld [smem:$0x3FA9]  }
0x28: {  	s2 =	sld [smem:$0x3FAA]  }
0x29: {  	s4 =	sld [smem:$0x3FAC]  }
0x2a: {  	p0 =	seq.s32 s5, $0x0;
	s5 =	sld [smem:$0x3FAD]  }
0x2b: {  	s6 =	sld [smem:$0x3FAE]  }
0x2c: {  	s7 =	sld [smem:$0x3FAF]  }
0x2d: {  	s3 =	simm.s32 $0x108;
	s8 =	sld [smem:$0x3FB0]  }
0x2e: {  	s3 =	simm.s32 @!p0 $0x1082;
	s9 =	sld [smem:$0x3FB1]  }
0x2f: {  	lr =	sadd.s32 s0, s3;
	s0 =	sld [smem:$0x3FA8]  }
0x30: {  	s3 =	sld [smem:$0x3FAB]  }
0x31: {  	[smem:$0x3FB4] =	sst s10  }
0x32: {  	s10 =	sld [smem:$0x3FB2];
	_ =	sdelay $0x3  }
0x33: {  	p0 =	seq.s32 s10, $0x1;
	s10 =	sld [smem:$0x3FB4];
	_ =	sdelay $0x3  }
0x34: {  	[smem:$0x3FB4] =	sst s10  }
0x35: {  	s10 =	sld [smem:$0x3FB3];
	_ =	sdelay $0x3  }
0x36: {  	p1 =	seq.s32 s10, $0x1;
	s10 =	sld [smem:$0x3FB4];
	_ =	sdelay $0x3  }
0x37: {  	[smem:$0x3FB4] =	sst s10  }
0x38: {  	s10 =	sld [smem:$0x3FB5]  }
0x39: {  	_ = 	snop;
	(pc) =	sbr.ind lr, $3  }
0x3a: {  	_ = 	snop  }
0x3b: {  	_ = 	snop  }
0x3c: {  	p2 =	seq.s32 s10, $0x1;
	s10 =	sld [smem:$0x3FB4]  }
0x3d: {  	_ =	shalt  }
0x3e: {  	_ =	shalt  }
0x3f: {  	_ =	shalt  }
0x40: {  	_ =	shalt  }
0x41: {  	_ =	shalt  }
0x42: {  	_ =	shalt  }
0x43: {  	_ =	shalt  }
0x44: {  	_ =	shalt  }
0x45: {  	_ =	shalt  }
0x46: {  	_ =	shalt  }
0x47: {  	_ =	shalt  }
0x48: {  	_ =	shalt  }
0x49: {  	_ =	shalt  }
0x4a: {  	_ =	shalt  }
0x4b: {  	_ =	shalt  }
0x4c: {  	_ =	shalt  }
0x4d: {  	_ =	shalt  }
0x4e: {  	_ =	shalt  }
0x4f: {  	_ =	shalt  }
0x50: {  	_ =	shalt  }
0x51: {  	_ =	shalt  }
0x52: {  	_ =	shalt  }
0x53: {  	_ =	shalt  }
0x54: {  	_ =	shalt  }
0x55: {  	_ =	shalt  }
0x56: {  	_ =	shalt  }
0x57: {  	_ =	shalt  }
0x58: {  	_ =	shalt  }
0x59: {  	_ =	shalt  }
0x5a: {  	_ =	shalt  }
0x5b: {  	_ =	shalt  }
0x5c: {  	_ =	shalt  }
0x5d: {  	_ =	shalt  }
0x5e: {  	_ =	shalt  }
0x5f: {  	_ =	shalt  }
0x60: {  	_ =	shalt  }
0x61: {  	_ =	shalt  }
0x62: {  	_ =	shalt  }
0x63: {  	_ =	shalt  }
0x64: {  	_ =	shalt  }
0x65: {  	_ =	shalt  }
0x66: {  	_ =	shalt  }
0x67: {  	_ =	shalt  }
0x68: {  	_ =	shalt  }
0x69: {  	_ =	shalt  }
0x6a: {  	_ =	shalt  }
0x6b: {  	_ =	shalt  }
0x6c: {  	_ =	shalt  }
0x6d: {  	_ =	shalt  }
0x6e: {  	_ =	shalt  }
0x6f: {  	_ =	shalt  }
0x70: {  	_ =	shalt  }
0x71: {  	_ =	shalt  }
0x72: {  	_ =	shalt  }
0x73: {  	_ =	shalt  }
0x74: {  	_ =	shalt  }
0x75: {  	_ =	shalt  }
0x76: {  	_ =	shalt  }
0x77: {  	_ =	shalt  }
0x78: {  	_ =	shalt  }
0x79: {  	_ =	shalt  }
0x7a: {  	_ =	shalt  }
0x7b: {  	_ =	shalt  }
0x7c: {  	_ =	shalt  }
0x7d: {  	_ =	shalt  }
0x7e: {  	_ =	shalt  }
0x7f: {  	_ =	shalt  }
0x80: {  	_ =	shalt  }
0x81: {  	_ =	shalt  }
0x82: {  	_ =	shalt  }
0x83: {  	_ =	shalt  }
0x84: {  	_ =	shalt  }
0x85: {  	_ =	shalt  }
0x86: {  	_ =	shalt  }
0x87: {  	_ =	shalt  }
.Lfunc_end0:
.L_simem_size_0:
called_computation.1_lowered:
.L_overlay_start_0:
0x88: {  	s2 =	sld [smem:$0x3FD9]  }
0x89: {  	s3 =	sld [smem:$0x3FFE];
	_ =	sdelay $0x1  }
0x8a: {  	s1 =	srdreg.scid  }
0x8b: {  	s0 =	sand.u32 $0x1, s1  }
0x8c: {  	s17 =	sshll.u32 s0, $0xA;
	s2 =	sadd.s32 s3, s2  }
0x8d: {  	s2 =	sadd.s32 s2, s17  }
0x8e: {  	[smem:$0x3FC0] =	sst s2  }
0x8f: {  	_ = 	snop  }
0x90: {  	s2 =	sld [smem:$0x3FD0];
	(tm) =	ssettm $0x1  }
0x91: {  	s18 =	sld [smem:$0x3FFB];
	_ =	sdelay $0x3  }
0x92: {  	_ =	strace s18  }
0x93: {  	s3 =	sld [smem:$0x3FFC];
	_ =	sdelay $0x3  }
0x94: {  	_ =	strace s3  }
0x95: {  	s3 =	sld [smem:$0x3FFD];
	_ =	sdelay $0x3  }
0x96: {  	_ =	strace s3  }
0x97: {  	_ =	strace $0x8FFFFFFF  }
0x98: {  	s19 =	sld [smem:$0x3FDB];
	_ =	sdelay $0x1  }
0x99: {  	s4 =	simm.s32 $_scs_section_size  }
0x9a: {  	s5 =	simm.s32 $_size__tile_overlayer_lowered;
	s6 =	simm.s32 $_tile_overlayer_lowered  }
0x9b: {  	s22 =	simm.s32 $0x1BFF;
	s21 =	sshll.u32 s6, $0x1;
	s3 =	sadd.s32 s4, s19  }
0x9c: {  	s7 =	simm.s32 $0x0;
	s20 =	sshll.u32 s5, $0x1;
	s5 =	sadd.s32 s21, s3  }
0x9d: {  	[timem:s7], [sflag:s22] =	dma.local [hbm:s5], s20  }
0x9e: {  	_ =	swait.ge [sflag:s22], s20  }
0x9f: {  	s4 =	ssub.s32 $0x0, s20;
	[sflag:s22] =	ssyncset.done $0x0  }
0xa0: {  	[sflag:s22] =	ssyncadd.s32 s4;
	_ =	sdelay $0x1  }
0xa1: {  	s23 =	simm.s32 $0x1B8B  }
0xa2: {  	_ =	swait.ge [sflag:s23], $0x1  }
0xa3: {  	[sflag:s23] =	ssyncset.done $0x0  }
0xa4: {  	s25 =	simm.s32 $0x1B8E;
	s24 =	sld [smem:$0x3FFE];
	[sflag:s23] =	ssyncadd.s32 $0xFFFFFFFF  }
0xa5: {  	s26 =	simm.s32 $execute0_lowered;
	[smem:$0x3FD2] =	sst s25  }
0xa6: {  	s5 =	sshll.u32 s26, $0x1;
	_ =	strace $0x80000049;
	[dreg:$0x1] =	wrdreg $0xFFFFFFFF  }
0xa7: {  	s28 =	simm.s32 $_size_execute0_lowered;
	s3 =	sadd.s32 s3, s5;
	[dreg:$0x0] =	wrdreg $0x0  }
0xa8: {  	s5 =	sshll.u32 s28, $0x1;
	[dreg:$0x2] =	wrdreg s3  }
0xa9: {  	[dreg:$0x3] =	wrdreg s5  }
0xaa: {  	[dreg:$0x4] =	wrdreg $0xC0  }
0xab: {  	_ =	task [dreg:s7], $0x5FFFF  }
0xac: {  	[dreg:$0x1] =	wrdreg $0xFFFFFFFF  }
0xad: {  	[dreg:$0x0] =	wrdreg $0x60  }
0xae: {  	[dreg:$0x2] =	wrdreg s24  }
0xaf: {  	[dreg:$0x3] =	wrdreg s2  }
0xb0: {  	[dreg:$0x4] =	wrdreg $0x67200  }
0xb1: {  	[dreg:$0x5] =	wrdreg $0x9  }
0xb2: {  	_ =	task.clear_ibuf [dreg:s7], $0x6FFFF;
	_ =	strace $0x90000049  }
0xb3: {  	s29 =	simm.s32 $0x9;
	_ =	strace $0x8000004B  }
0xb4: {  	_ =	swait.ge [sflag:s29], $0x1  }
0xb5: {  	[sflag:s29] =	ssyncadd.s32 $0xFFFFFFFF  }
0xb6: {  	_ =	strace $0x9000004B  }
0xb7: {  	_ =	sfence  }
0xb8: {  	s30 =	sld [smem:$0x0];
	_ =	sdelay $0x2  }
0xb9: {  	s31 =	sshll.u32 s1, $0xD;
	s1 =	sshrl.u32 s1, $0x2  }
0xba: {  	s3 =	sand.u32 $0x4000, s31;
	s1 =	sadd.s32 s1, s30  }
0xbb: {  	s0 =	sor.u32 s3, s0;
	s1 =	sshll.u32 s1, $0x11  }
0xbc: {  	s0 =	sor.u32 s1, s0  }
0xbd: {  	s0 =	sadd.s32 $0x8F2B, s0  }
0xbe: {  	[sflag:s0] =	ssyncadd.remote.s32 $0x1  }
0xbf: {  	_ =	sfence.sel $0xFFFF  }
0xc0: {  	[dreg:$0x0] =	wrdreg $0xFFFFFFFF;
	(pc) =	sbr.abs _section_cstart, $3  }
0xc1: {  	[dreg:$0x1] =	wrdreg $0xFFFFFFFF  }
0xc2: {  	_ =	task.clear_ibuf [dreg:s7], $0x2FFFF;
	_ =	strace $0x9FFFFFFF  }
0xc3: {  	(tm) =	ssettm $0x7FFFFFFF  }
tec
execute0_lowered:
.L_overlay_start_1:
0x0: {  	(tag) =	ssettag $0x1  }
0x1: {  	s0 =	rddreg [dreg:$0x0]  }
0x2: {  	s1 =	srdreg.scid;
	s6 =	rddreg [dreg:$0x1]  }
0x3: {  	s2 =	rddreg [dreg:$0x2];
	s10 =	stileid.u32  }
0x4: {  	s3 =	simm.s32 $0x0;
	s17 =	simm.s32 $0x6220;
	s18 =	simm.s32 $0x9  }
0x5: {  	s19 =	simm.s32 $0x2710;
	s20 =	simm.s32 $0x50;
	s21 =	simm.s32 $0x4E20  }
0x6: {  	s28 =	simm.s32 $0x0;
	s1 =	sand.u32 $0x1, s1;
	s8 =	smul.u32 $0xA000, s10  }
0x7: {  	[smem:$0x7FF] =	sst s3;
	s11 =	smul.u32 $0x2800, s10;
	s4 =	sshll.u32 s1, $0x4  }
0x8: {  	_ =	strace $0x8000004A;
	s7 =	ssub.s32 $0x2, s1;
	s1 =	smul.u32 $0x28000, s1  }
0x9: {  	s4 =	sor.u32 s10, s4;
	s9 =	sshrl.u32 s7, $0x1;
	s8 =	sshrl.u32 s8, $0x2  }
0xa: {  	s5 =	smul.u32 $0x4E2, s4;
	s4 =	sadd.s32 $0x15A00, s0;
	s12 =	sadd.s32 s8, s2  }
0xb: {  	s7 =	ssub.s32 s7, s9;
	s1 =	sadd.s32 s11, s1;
	s8 =	sadd.s32 $0x500, s12  }
0xc: {  	s25 =	sadd.s32 $0xA00, s12;
	s26 =	sadd.s32 $0xF00, s12;
	[dreg:$0x4] =	wrdreg s8  }
0xd: {  	s29 =	sadd.s32 $0x1400, s12;
	s30 =	sadd.s32 $0x1900, s12;
	[dreg:$0x5] =	wrdreg s25  }
0xe: {  	s31 =	sadd.s32 $0x1E00, s12;
	s12 =	sadd.s32 $0x2300, s12;
	[dreg:$0x6] =	wrdreg s26  }
0xf: {  	s1 =	sshrl.u32 s1, $0x3;
	s16 =	smax.u32 s7, $0x1;
	[dreg:$0x7] =	wrdreg s29  }
0x10: {  	s0 =	sadd.s32 s5, s0;
	s5 =	sadd.s32 s11, s2;
	[dreg:$0x8] =	wrdreg s30  }
0x11: {  	[dreg:$0x9] =	wrdreg s31;
	s15 =	sadd.s32 s6, s1;
	s25 =	simm.s32 $0x1  }
0x12: {  	v0 =	vimm.f32 $0.0e+00;
	s26 =	simm.s32 $0x5;
	s13 =	sadd.s32 $0x1E00, s0;
	s14 =	sadd.s32 $0xBC00, s0  }
.LBB2_1:
0x13: {  	s0 =	simm.s32 $0x40;
	s1 =	simm.s32 $0x0  }
.LBB2_2:
0x14: {  	p0 =	sne.s32 s0, $0x13C0;
	[tilespmem:s1+$0x6220] =	vst v0;
	s1 =	smov.u32 s0;
	s0 =	sadd.s32 $0x40, s0  }
.Ltmp0:
0x15: {  	(pc) =	sbr.rel @p0 .LBB2_2-.Ltmp0, $2  }
0x16: {  	_ =	sdelay $0x2  }
0x17: {  	s1 =	sshra.s32 s1, $0x2  }
0x18: {  	[tilespmem:s1+$0x6220] =	vst v0  }
0x19: {  	[spmem:s5] =	stream.linear.scatter [tilespmem:s17], [sflag:$0x9], $0x500, $0x38;
	[tilespmem:$0x8F20] =	vst v63  }
0x1a: {  	_ =	swait.ge [sflag:s18], $0x500  }
0x1b: {  	[sflag:s18] =	ssyncset.done $0x0  }
0x1c: {  	s0 =	rddreg [dreg:$0x4];
	[sflag:s18] =	ssyncadd.s32 $0xFFFFFB00  }
0x1d: {  	[spmem:s0] =	stream.linear.scatter [tilespmem:s17], [sflag:$0x9], $0x500, $0x38;
	[tilespmem:$0x8F20] =	vst v63  }
0x1e: {  	_ =	swait.ge [sflag:s18], $0x500  }
0x1f: {  	[sflag:s18] =	ssyncset.done $0x0  }
0x20: {  	s10 =	rddreg [dreg:$0x5];
	[sflag:s18] =	ssyncadd.s32 $0xFFFFFB00  }
0x21: {  	[spmem:s10] =	stream.linear.scatter [tilespmem:s17], [sflag:$0x9], $0x500, $0x38;
	[tilespmem:$0x8F20] =	vst v63  }
0x22: {  	_ =	swait.ge [sflag:s18], $0x500  }
0x23: {  	[sflag:s18] =	ssyncset.done $0x0  }
0x24: {  	s11 =	rddreg [dreg:$0x6];
	[sflag:s18] =	ssyncadd.s32 $0xFFFFFB00  }
0x25: {  	[spmem:s11] =	stream.linear.scatter [tilespmem:s17], [sflag:$0x9], $0x500, $0x38;
	[tilespmem:$0x8F20] =	vst v63  }
0x26: {  	_ =	swait.ge [sflag:s18], $0x500  }
0x27: {  	[sflag:s18] =	ssyncset.done $0x0  }
0x28: {  	s22 =	rddreg [dreg:$0x7];
	[sflag:s18] =	ssyncadd.s32 $0xFFFFFB00  }
0x29: {  	[spmem:s22] =	stream.linear.scatter [tilespmem:s17], [sflag:$0x9], $0x500, $0x38;
	[tilespmem:$0x8F20] =	vst v63  }
0x2a: {  	_ =	swait.ge [sflag:s18], $0x500  }
0x2b: {  	[sflag:s18] =	ssyncset.done $0x0  }
0x2c: {  	s23 =	rddreg [dreg:$0x8];
	[sflag:s18] =	ssyncadd.s32 $0xFFFFFB00  }
0x2d: {  	[spmem:s23] =	stream.linear.scatter [tilespmem:s17], [sflag:$0x9], $0x500, $0x38;
	[tilespmem:$0x8F20] =	vst v63  }
0x2e: {  	_ =	swait.ge [sflag:s18], $0x500  }
0x2f: {  	[sflag:s18] =	ssyncset.done $0x0  }
0x30: {  	s24 =	rddreg [dreg:$0x9];
	[sflag:s18] =	ssyncadd.s32 $0xFFFFFB00  }
0x31: {  	[spmem:s24] =	stream.linear.scatter [tilespmem:s17], [sflag:$0x9], $0x500, $0x38;
	[tilespmem:$0x8F20] =	vst v63  }
0x32: {  	_ =	swait.ge [sflag:s18], $0x500  }
0x33: {  	[sflag:s18] =	ssyncset.done $0x0  }
0x34: {  	[sflag:s18] =	ssyncadd.s32 $0xFFFFFB00  }
0x35: {  	[spmem:s12] =	stream.linear.scatter [tilespmem:s17], [sflag:$0x9], $0x500, $0x38;
	[tilespmem:$0x8F20] =	vst v63  }
0x36: {  	_ =	swait.ge [sflag:s18], $0x500  }
0x37: {  	[sflag:s18] =	ssyncset.done $0x0  }
0x38: {  	[sflag:s18] =	ssyncadd.s32 $0xFFFFFB00  }
0x39: {  	[tilespmem:s3], [sflag:$0x9] =	stream.linear.gather [hbm4b:s13+s3], $0x2710, $0x38;
	[tilespmem:$0x8F20] =	vst v63  }
0x3a: {  	_ =	swait.ge [sflag:s18], $0x2710  }
0x3b: {  	[sflag:s18] =	ssyncset.done $0x0  }
0x3c: {  	[sflag:s18] =	ssyncadd.s32 $0xFFFFD8F0  }
0x3d: {  	[tilespmem:s19], [sflag:$0x9] =	stream.linear.gather [hbm4b:s14+s3], $0x2710, $0x38;
	[tilespmem:$0x8F20] =	vst v63  }
0x3e: {  	s1 =	simm.s32 $0x5320;
	_ =	swait.ge [sflag:s18], $0x2710  }
0x3f: {  	s6 =	simm.s32 $0xA0;
	s7 =	simm.s32 $0x5820;
	[sflag:s18] =	ssyncset.done $0x0  }
0x40: {  	s8 =	simm.s32 $0x4;
	s9 =	simm.s32 $0x1;
	[sflag:s18] =	ssyncadd.s32 $0xFFFFD8F0  }
0x41: {  	p0 =	por $0x0, $0x0;
	s31 =	simm.s32 $0x2;
	[bflag:$0x0] =	sbarrier.arrive $0xFFFF  }
0x42: {  	[tilespmem:s21], [sflag:$0x1] =	stream.indirect.gather [hbm4b:s4+s20], $0x10, s3, s20, $0xb8;
	[tilespmem:$0x8F20] =	vst v63  }
0x43: {  	s30 =	simm.s32 $0x27B0;
	s29 =	sand.u32 $0x3, s31;
	s0 =	sand.u32 $0x3, s8  }
0x44: {  	[tilespmem:s1], [sflag:$0x2] =	stream.indirect.gather [hbm4b:s4+s20], $0x10, s20, s20, $0xb8;
	[tilespmem:$0x8F20] =	vst v63  }
0x45: {  	s0 =	sadd.s32 $0x5, s0;
	s10 =	smul.u32 $0x1400, s29;
	s1 =	simm.s32 @!p0 $0x3  }
0x46: {  	[tilespmem:s7], [sflag:$0x3] =	stream.indirect.gather [hbm4b:s4+s20], $0x10, s6, s20, $0xb8;
	[tilespmem:$0x8F20] =	vst v63  }
0x47: {  	s23 =	simm.s32 $0x2760;
	s1 =	sand.u32 @!p0 $0x3, s1;
	_ =	swait.ge [sflag:s25], $0x500  }
0x48: {  	s6 =	simm.s32 $0xF0;
	s7 =	sand.u32 $0x3, s9;
	[sflag:s25] =	ssyncset.done $0x0  }
0x49: {  	s24 =	smul.u32 @!p0 $0x1400, s1;
	s1 =	sadd.s32 @!p0 $0x1, s1;
	[sflag:s25] =	ssyncadd.s32 $0xFFFFFB00  }
0x4a: {  	[spmem:s2] =	stream.indirect.scatter.add.f32 [tilespmem:s21], [sflag:$0x5], $0x10, s19, s20, $0xb8;
	[tilespmem:$0x8F20] =	vst v63  }
0x4b: {  	s22 =	smul.u32 $0x1400, s7;
	s8 =	sadd.s32 $0x1, s7;
	_ =	swait.ge [sflag:s0], $0x500  }
0x4c: {  	s7 =	sadd.s32 $0x5, s7;
	s24 =	sshrl.u32 @!p0 s24, $0x2;
	[sflag:s0] =	ssyncset.done $0x0  }
0x4d: {  	s24 =	sadd.s32 @!p0 $0x4E20, s24;
	[sflag:s0] =	ssyncadd.s32 $0xFFFFFB00;
	s0 =	simm.s32 @!p0 $0x50  }
0x4e: {  	[tilespmem:s24], [sflag:s1] =	stream.indirect.gather @!p0 [hbm4b:s4+s0], $0x10, s6, s0, $0xb8;
	[tilespmem:$0x8F20] =	vst v63  }
0x4f: {  	s11 =	sshrl.u32 s22, $0x2;
	s22 =	sshrl.u32 s10, $0x2;
	_ =	swait.ge [sflag:s8], $0x500  }
0x50: {  	s24 =	simm.s32 $0x5;
	s1 =	simm.s32 $0x6;
	[sflag:s8] =	ssyncset.done $0x0  }
0x51: {  	s0 =	simm.s32 $0x140;
	s6 =	sadd.s32 $0x4E20, s11;
	[sflag:s8] =	ssyncadd.s32 $0xFFFFFB00  }
.LBB2_4:
0x52: {  	[spmem:s2] =	stream.indirect.scatter.add.f32 [tilespmem:s6], [sflag:s7], $0x10, s23, s20, $0xb8;
	[tilespmem:$0x8F20] =	vst v63  }
0x53: {  	s6 =	smov.u32 s1;
	s7 =	smov.u32 s29;
	s8 =	smov.u32 s22  }
0x54: {  	s1 =	sadd.s32 $0x1, s1;
	p1 =	sgt.u32 s31, $0x7A;
	s31 =	sadd.s32 $0xFFFFFFFD, s6  }
0x55: {  	p0 =	sne.s32 s1, $0x80;
	s22 =	sadd.s32 @!p1 $0xFFFFFFFF, s24;
	s29 =	sand.u32 $0x3, s31  }
0x56: {  	s24 =	sand.u32 $0x3, s24;
	s22 =	sand.u32 @!p1 $0x3, s22;
	s23 =	smul.u32 $0x1400, s29  }
0x57: {  	s24 =	sadd.s32 $0x5, s24;
	s9 =	smul.u32 @!p1 $0x1400, s22;
	s10 =	sadd.s32 @!p1 $0x1, s22  }
0x58: {  	s11 =	sadd.s32 $0x1, s7;
	s22 =	sshrl.u32 s23, $0x2;
	_ =	swait.ge [sflag:s24], $0x500  }
0x59: {  	s9 =	sshrl.u32 @!p1 s9, $0x2;
	s23 =	simm.s32 @!p1 $0x50;
	[sflag:s24] =	ssyncset.done $0x0  }
.Ltmp1:
0x5a: {  	s9 =	sadd.s32 @!p1 $0x4E20, s9;
	[sflag:s24] =	ssyncadd.s32 $0xFFFFFB00;
	(pc) =	sbr.rel @p0 .LBB2_4-.Ltmp1, $4  }
0x5b: {  	[tilespmem:s9], [sflag:s10] =	stream.indirect.gather @!p1 [hbm4b:s4+s23], $0x10, s0, s23, $0xb8;
	[tilespmem:$0x8F20] =	vst v63  }
0x5c: {  	s24 =	smov.u32 s6;
	s23 =	smov.u32 s30;
	_ =	swait.ge [sflag:s11], $0x500  }
0x5d: {  	s30 =	sadd.s32 $0x50, s30;
	s0 =	sadd.s32 $0x50, s0;
	[sflag:s11] =	ssyncset.done $0x0  }
0x5e: {  	s7 =	sadd.s32 $0x5, s7;
	s6 =	sadd.s32 $0x4E20, s8;
	[sflag:s11] =	ssyncadd.s32 $0xFFFFFB00  }
0x5f: {  	[spmem:s2] =	stream.indirect.scatter.add.f32 [tilespmem:s6], [sflag:s7], $0x10, s23, s20, $0xb8;
	[tilespmem:$0x8F20] =	vst v63  }
0x60: {  	p0 =	sgt.u32 s31, $0x7A  }
0x61: {  	s1 =	sadd.s32 @!p0 $0xFFFFFFFF, s24  }
0x62: {  	s23 =	sand.u32 $0x3, s24;
	s1 =	sand.u32 @!p0 $0x3, s1  }
0x63: {  	s6 =	sadd.s32 $0x5, s23;
	s7 =	smul.u32 @!p0 $0x1400, s1  }
0x64: {  	s8 =	sadd.s32 $0x1, s29;
	_ =	swait.ge [sflag:s6], $0x500  }
0x65: {  	s9 =	simm.s32 @!p0 $0x50;
	[sflag:s6] =	ssyncset.done $0x0;
	s7 =	sshrl.u32 @!p0 s7, $0x2  }
0x66: {  	s1 =	sadd.s32 @!p0 $0x1, s1;
	[sflag:s6] =	ssyncadd.s32 $0xFFFFFB00;
	s6 =	sadd.s32 @!p0 $0x4E20, s7  }
0x67: {  	[tilespmem:s6], [sflag:s1] =	stream.indirect.gather @!p0 [hbm4b:s4+s9], $0x10, s0, s9, $0xb8;
	[tilespmem:$0x8F20] =	vst v63  }
0x68: {  	_ =	swait.ge [sflag:s8], $0x500  }
0x69: {  	[sflag:s8] =	ssyncset.done $0x0  }
0x6a: {  	s29 =	sadd.s32 $0x5, s29;
	s24 =	sadd.s32 $0x4E20, s22;
	[sflag:s8] =	ssyncadd.s32 $0xFFFFFB00  }
0x6b: {  	[spmem:s2] =	stream.indirect.scatter.add.f32 [tilespmem:s24], [sflag:s29], $0x10, s30, s20, $0xb8;
	[tilespmem:$0x8F20] =	vst v63  }
0x6c: {  	s31 =	sshrl.u32 s5, $0x3;
	_ =	swait.ge [sflag:s26], $0x500  }
0x6d: {  	s28 =	sadd.s32 $0x1, s28;
	s30 =	stileid.u32;
	[sflag:s26] =	ssyncset.done $0x0  }
0x6e: {  	p0 =	sne.s32 s28, s16;
	s0 =	sshll.u32 s30, $0x6;
	[sflag:s26] =	ssyncadd.s32 $0xFFFFFB00  }
.Ltmp2:
0x6f: {  	s0 =	sor.u32 $0x1C09, s0;
	[bflag:$0x0] =	sbarrier.arrive $0xFFFF;
	(pc) =	sbr.rel @p0 .LBB2_1-.Ltmp2, $4  }
0x70: {  	[hbm:s15], [sflag:s0] =	dma.local [spmem:s31], $0x500  }
0x71: {  	_ =	swait.ge [sflag:s18], $0x500  }
0x72: {  	[sflag:s18] =	ssyncset.done $0x0  }
0x73: {  	[sflag:s18] =	ssyncadd.s32 $0xFFFFFB00  }
0x74: {  	_ =	sfence.sel $0x180000  }
0x75: {  	[bflag:$0x0] =	sbarrier.arrive $0xFFFF  }
0x76: {  	_ =	strace $0x9000004A  }
0x77: {  	s0 =	stileid.u32;
	[bflag:$0x2] =	sbarrier.arrive $0xFFFF  }
0x78: {  	p0 =	sne.s32 s0, $0x0;
	s0 =	rddreg [dreg:$0x3]  }
0x79: {  	s0 =	sadd.s32 @!p0 $0x100000, s0  }
0x7a: {  	[sflag:s0] =	ssyncadd.tile.s32 @!p0 $0x1;
	_ =	shalt  }
.Lfunc_end2:
_tile_overlayer_lowered:
.L_overlay_start_2:
0x7b: {  	(tag) =	ssettag $0x2  }
0x7c: {  	s0 =	rddreg [dreg:$0x0];
	s2 =	stileid.u32  }
0x7d: {  	s1 =	rddreg [dreg:$0x1];
	p0 =	sne.s32 s2, $0x0  }
0x7e: {  	s3 =	rddreg [dreg:$0x2];
	[bflag:$0x3] =	sbarrier.arrive $0xFFFF;
	s2 =	simm.s32 @!p0 $0x1C09  }
0x7f: {  	[timem:s3], [sflag:s2] =	dma.local @!p0 [hbm:s0], s1  }
0x80: {  	s0 =	simm.s32 @!p0 $0x9  }
0x81: {  	_ =	swait.ge @!p0 [sflag:s0], s1  }
0x82: {  	s1 =	ssub.s32 @!p0 $0x0, s1;
	[sflag:s0] =	ssyncset.done @!p0 $0x0  }
0x83: {  	[sflag:s0] =	ssyncadd.s32 @!p0 s1  }
0x84: {  	[bflag:$0x3] =	sbarrier.arrive $0xFFFF  }
0x85: {  	_ =	shalt  }

// kernel: kernel.16.cloned.1.call-start
scs
__scs_entry_jumppad:
0x0: {  	(pc) =	sbr.rel $0x88, $3  }
0x1: {  	(tag) =	ssettag $0x0;
	lr =	simm.s32 $0x1  }
0x2: {  	[smem:$0x3F99] =	sst lr;
	_ =	strace $0xD0000000  }
0x3: {  	_ = 	snop  }
0x4: {  	_ = 	snop  }
0x5: {  	_ = 	snop  }
0x6: {  	_ = 	snop  }
0x7: {  	_ = 	snop  }
__scs_overlays_trampoline_lowered:
0x8: {  	[smem:$0x3FA8] =	sst s0  }
0x9: {  	[smem:$0x3FA9] =	sst s1  }
0xa: {  	[smem:$0x3FAA] =	sst s2  }
0xb: {  	[smem:$0x3FAB] =	sst s3  }
0xc: {  	[smem:$0x3FAC] =	sst s4  }
0xd: {  	[smem:$0x3FAD] =	sst s5  }
0xe: {  	[smem:$0x3FAE] =	sst s6  }
0xf: {  	[smem:$0x3FAF] =	sst s7  }
0x10: {  	[smem:$0x3FB0] =	sst s8  }
0x11: {  	[smem:$0x3FB1] =	sst s9;
	s0 =	simm.s32 @!p0 $0x0  }
0x12: {  	s1 =	sld [smem:$0x3F97];
	s0 =	simm.s32 @p0 $0x1  }
0x13: {  	[smem:$0x3FB2] =	sst s0;
	s0 =	simm.s32 @!p1 $0x0  }
0x14: {  	s2 =	sld [smem:$0x3F96];
	s0 =	simm.s32 @p1 $0x1  }
0x15: {  	[smem:$0x3FB3] =	sst s0;
	s0 =	simm.s32 @!p2 $0x0  }
0x16: {  	s3 =	sld [smem:$0x3FDB];
	s0 =	simm.s32 @p2 $0x1  }
0x17: {  	s4 =	simm.s32 $0x1BF5;
	[smem:$0x3FB5] =	sst s0  }
0x18: {  	s0 =	sld [smem:$0x3F98];
	_ =	swait.ge [sflag:s4], $0x0  }
0x19: {  	s7 =	sld [smem:$0x3F99]  }
0x1a: {  	s8 =	sadd.s32 $0xFFFFE003, lr  }
0x1b: {  	s9 =	sadd.s32 $0xFFFFFEF7, lr;
	s5 =	simm.s32 $0xFFFFFFFF;
	p2 =	slt.u32 s8, $0xFFFFF086  }
0x1c: {  	p1 =	slt.u32 s9, $0xF7A;
	s5 =	simm.s32 @!p2 $0x0  }
0x1d: {  	s5 =	simm.s32 @p1 $0x1;
	p0 =	seq.s32 s7, s2  }
0x1e: {  	s7 =	smul.u32 @!p0 $0xF7A, s2;
	p2 =	seq.s32 @!p0 s5, $0x0  }
0x1f: {  	s9 =	smul.u32 $0xF7A, s1;
	s8 =	simm.s32 @!p0 $0x1BF5;
	p2 =	por !p2, p0  }
0x20: {  	[sflag:s8] =	ssyncset.s32 @!p0 $0xFFFFF086;
	s6 =	sadd.s32 @!p0 s3, s7;
	s7 =	simm.s32 @!p0 $0x108  }
0x21: {  	s3 =	sadd.s32 s3, s9;
	s6 =	sadd.s32 @!p0 $0x88, s6;
	s7 =	simm.s32 @p2 $0x1082  }
0x22: {  	[simem:s7], [sflag:s8] =	dma.local @!p0 [hbm:s6], $0xF7A  }
0x23: {  	s9 =	sor.u32 $0xD0000000, s2;
	s6 =	simm.s32 $0x108;
	_ =	swait.ge @!p0 [sflag:s8], $0x0  }
0x24: {  	s3 =	sadd.s32 $0x88, s3;
	s6 =	simm.s32 @!p1 $0x1082;
	[sflag:s4] =	ssyncset.s32 $0xFFFFF086  }
0x25: {  	[simem:s6], [sflag:s4] =	dma.local [hbm:s3], $0xF7A  }
0x26: {  	[smem:$0x3F99] =	sst s1;
	(tag) =	ssettag s2;
	_ =	strace s9  }
0x27: {  	s1 =	sld [smem:$0x3FA9]  }
0x28: {  	s2 =	sld [smem:$0x3FAA]  }
0x29: {  	s4 =	sld [smem:$0x3FAC]  }
0x2a: {  	p0 =	seq.s32 s5, $0x0;
	s5 =	sld [smem:$0x3FAD]  }
0x2b: {  	s6 =	sld [smem:$0x3FAE]  }
0x2c: {  	s7 =	sld [smem:$0x3FAF]  }
0x2d: {  	s3 =	simm.s32 $0x108;
	s8 =	sld [smem:$0x3FB0]  }
0x2e: {  	s3 =	simm.s32 @!p0 $0x1082;
	s9 =	sld [smem:$0x3FB1]  }
0x2f: {  	lr =	sadd.s32 s0, s3;
	s0 =	sld [smem:$0x3FA8]  }
0x30: {  	s3 =	sld [smem:$0x3FAB]  }
0x31: {  	[smem:$0x3FB4] =	sst s10  }
0x32: {  	s10 =	sld [smem:$0x3FB2];
	_ =	sdelay $0x3  }
0x33: {  	p0 =	seq.s32 s10, $0x1;
	s10 =	sld [smem:$0x3FB4];
	_ =	sdelay $0x3  }
0x34: {  	[smem:$0x3FB4] =	sst s10  }
0x35: {  	s10 =	sld [smem:$0x3FB3];
	_ =	sdelay $0x3  }
0x36: {  	p1 =	seq.s32 s10, $0x1;
	s10 =	sld [smem:$0x3FB4];
	_ =	sdelay $0x3  }
0x37: {  	[smem:$0x3FB4] =	sst s10  }
0x38: {  	s10 =	sld [smem:$0x3FB5]  }
0x39: {  	_ = 	snop;
	(pc) =	sbr.ind lr, $3  }
0x3a: {  	_ = 	snop  }
0x3b: {  	_ = 	snop  }
0x3c: {  	p2 =	seq.s32 s10, $0x1;
	s10 =	sld [smem:$0x3FB4]  }
0x3d: {  	_ =	shalt  }
0x3e: {  	_ =	shalt  }
0x3f: {  	_ =	shalt  }
0x40: {  	_ =	shalt  }
0x41: {  	_ =	shalt  }
0x42: {  	_ =	shalt  }
0x43: {  	_ =	shalt  }
0x44: {  	_ =	shalt  }
0x45: {  	_ =	shalt  }
0x46: {  	_ =	shalt  }
0x47: {  	_ =	shalt  }
0x48: {  	_ =	shalt  }
0x49: {  	_ =	shalt  }
0x4a: {  	_ =	shalt  }
0x4b: {  	_ =	shalt  }
0x4c: {  	_ =	shalt  }
0x4d: {  	_ =	shalt  }
0x4e: {  	_ =	shalt  }
0x4f: {  	_ =	shalt  }
0x50: {  	_ =	shalt  }
0x51: {  	_ =	shalt  }
0x52: {  	_ =	shalt  }
0x53: {  	_ =	shalt  }
0x54: {  	_ =	shalt  }
0x55: {  	_ =	shalt  }
0x56: {  	_ =	shalt  }
0x57: {  	_ =	shalt  }
0x58: {  	_ =	shalt  }
0x59: {  	_ =	shalt  }
0x5a: {  	_ =	shalt  }
0x5b: {  	_ =	shalt  }
0x5c: {  	_ =	shalt  }
0x5d: {  	_ =	shalt  }
0x5e: {  	_ =	shalt  }
0x5f: {  	_ =	shalt  }
0x60: {  	_ =	shalt  }
0x61: {  	_ =	shalt  }
0x62: {  	_ =	shalt  }
0x63: {  	_ =	shalt  }
0x64: {  	_ =	shalt  }
0x65: {  	_ =	shalt  }
0x66: {  	_ =	shalt  }
0x67: {  	_ =	shalt  }
0x68: {  	_ =	shalt  }
0x69: {  	_ =	shalt  }
0x6a: {  	_ =	shalt  }
0x6b: {  	_ =	shalt  }
0x6c: {  	_ =	shalt  }
0x6d: {  	_ =	shalt  }
0x6e: {  	_ =	shalt  }
0x6f: {  	_ =	shalt  }
0x70: {  	_ =	shalt  }
0x71: {  	_ =	shalt  }
0x72: {  	_ =	shalt  }
0x73: {  	_ =	shalt  }
0x74: {  	_ =	shalt  }
0x75: {  	_ =	shalt  }
0x76: {  	_ =	shalt  }
0x77: {  	_ =	shalt  }
0x78: {  	_ =	shalt  }
0x79: {  	_ =	shalt  }
0x7a: {  	_ =	shalt  }
0x7b: {  	_ =	shalt  }
0x7c: {  	_ =	shalt  }
0x7d: {  	_ =	shalt  }
0x7e: {  	_ =	shalt  }
0x7f: {  	_ =	shalt  }
0x80: {  	_ =	shalt  }
0x81: {  	_ =	shalt  }
0x82: {  	_ =	shalt  }
0x83: {  	_ =	shalt  }
0x84: {  	_ =	shalt  }
0x85: {  	_ =	shalt  }
0x86: {  	_ =	shalt  }
0x87: {  	_ =	shalt  }
.Lfunc_end0:
.L_simem_size_0:
called_computation.2_lowered:
.L_overlay_start_0:
0x88: {  	s2 =	sld [smem:$0x3FD9]  }
0x89: {  	s3 =	sld [smem:$0x3FFE];
	_ =	sdelay $0x1  }
0x8a: {  	s1 =	srdreg.scid  }
0x8b: {  	s0 =	sand.u32 $0x1, s1  }
0x8c: {  	s17 =	sshll.u32 s0, $0xA;
	s2 =	sadd.s32 s3, s2  }
0x8d: {  	s2 =	sadd.s32 s2, s17  }
0x8e: {  	[smem:$0x3FC0] =	sst s2  }
0x8f: {  	_ = 	snop  }
0x90: {  	s2 =	sld [smem:$0x3FD0];
	(tm) =	ssettm $0x1  }
0x91: {  	s18 =	sld [smem:$0x3FFB];
	_ =	sdelay $0x3  }
0x92: {  	_ =	strace s18  }
0x93: {  	s3 =	sld [smem:$0x3FFC];
	_ =	sdelay $0x3  }
0x94: {  	_ =	strace s3  }
0x95: {  	s3 =	sld [smem:$0x3FFD];
	_ =	sdelay $0x3  }
0x96: {  	_ =	strace s3  }
0x97: {  	_ =	strace $0x8FFFFFFF  }
0x98: {  	s19 =	sld [smem:$0x3FDB];
	_ =	sdelay $0x1  }
0x99: {  	s4 =	simm.s32 $_scs_section_size  }
0x9a: {  	s5 =	simm.s32 $_size__tile_overlayer_lowered;
	s6 =	simm.s32 $_tile_overlayer_lowered  }
0x9b: {  	s22 =	simm.s32 $0x1BFF;
	s21 =	sshll.u32 s6, $0x1;
	s3 =	sadd.s32 s4, s19  }
0x9c: {  	s7 =	simm.s32 $0x0;
	s20 =	sshll.u32 s5, $0x1;
	s5 =	sadd.s32 s21, s3  }
0x9d: {  	[timem:s7], [sflag:s22] =	dma.local [hbm:s5], s20  }
0x9e: {  	_ =	swait.ge [sflag:s22], s20  }
0x9f: {  	s4 =	ssub.s32 $0x0, s20;
	[sflag:s22] =	ssyncset.done $0x0  }
0xa0: {  	[sflag:s22] =	ssyncadd.s32 s4;
	_ =	sdelay $0x1  }
0xa1: {  	s23 =	simm.s32 $0x1B8B  }
0xa2: {  	_ =	swait.ge [sflag:s23], $0x1  }
0xa3: {  	[sflag:s23] =	ssyncset.done $0x0  }
0xa4: {  	s25 =	simm.s32 $0x1B8E;
	s24 =	sld [smem:$0x3FFE];
	[sflag:s23] =	ssyncadd.s32 $0xFFFFFFFF  }
0xa5: {  	s26 =	simm.s32 $execute0_lowered;
	[smem:$0x3FD2] =	sst s25  }
0xa6: {  	s5 =	sshll.u32 s26, $0x1;
	_ =	strace $0x8000004C;
	[dreg:$0x1] =	wrdreg $0xFFFFFFFF  }
0xa7: {  	s28 =	simm.s32 $_size_execute0_lowered;
	s3 =	sadd.s32 s3, s5;
	[dreg:$0x0] =	wrdreg $0x0  }
0xa8: {  	s5 =	sshll.u32 s28, $0x1;
	[dreg:$0x2] =	wrdreg s3  }
0xa9: {  	[dreg:$0x3] =	wrdreg s5  }
0xaa: {  	[dreg:$0x4] =	wrdreg $0xC0  }
0xab: {  	_ =	task [dreg:s7], $0x5FFFF  }
0xac: {  	[dreg:$0x1] =	wrdreg $0xFFFFFFFF  }
0xad: {  	[dreg:$0x0] =	wrdreg $0x60  }
0xae: {  	[dreg:$0x2] =	wrdreg s24  }
0xaf: {  	[dreg:$0x3] =	wrdreg s2  }
0xb0: {  	[dreg:$0x4] =	wrdreg $0x67200  }
0xb1: {  	[dreg:$0x5] =	wrdreg $0x9  }
0xb2: {  	_ =	task.clear_ibuf [dreg:s7], $0x6FFFF;
	_ =	strace $0x9000004C  }
0xb3: {  	s29 =	simm.s32 $0x9;
	_ =	strace $0x8000004E  }
0xb4: {  	_ =	swait.ge [sflag:s29], $0x1  }
0xb5: {  	[sflag:s29] =	ssyncadd.s32 $0xFFFFFFFF  }
0xb6: {  	_ =	strace $0x9000004E  }
0xb7: {  	_ =	sfence  }
0xb8: {  	s30 =	sld [smem:$0x0];
	_ =	sdelay $0x2  }
0xb9: {  	s31 =	sshll.u32 s1, $0xD;
	s1 =	sshrl.u32 s1, $0x2  }
0xba: {  	s3 =	sand.u32 $0x4000, s31;
	s1 =	sadd.s32 s1, s30  }
0xbb: {  	s0 =	sor.u32 s3, s0;
	s1 =	sshll.u32 s1, $0x11  }
0xbc: {  	s0 =	sor.u32 s1, s0  }
0xbd: {  	s0 =	sadd.s32 $0x8F2B, s0  }
0xbe: {  	[sflag:s0] =	ssyncadd.remote.s32 $0x1  }
0xbf: {  	_ =	sfence.sel $0xFFFF  }
0xc0: {  	[dreg:$0x0] =	wrdreg $0xFFFFFFFF;
	(pc) =	sbr.abs _section_cstart, $3  }
0xc1: {  	[dreg:$0x1] =	wrdreg $0xFFFFFFFF  }
0xc2: {  	_ =	task.clear_ibuf [dreg:s7], $0x2FFFF;
	_ =	strace $0x9FFFFFFF  }
0xc3: {  	(tm) =	ssettm $0x7FFFFFFF  }
tec
execute0_lowered:
.L_overlay_start_1:
0x0: {  	(tag) =	ssettag $0x1  }
0x1: {  	s0 =	rddreg [dreg:$0x0]  }
0x2: {  	s1 =	srdreg.scid;
	s6 =	rddreg [dreg:$0x1]  }
0x3: {  	s2 =	rddreg [dreg:$0x2];
	s10 =	stileid.u32  }
0x4: {  	s3 =	simm.s32 $0x0;
	s17 =	simm.s32 $0x6220;
	s18 =	simm.s32 $0x9  }
0x5: {  	s19 =	simm.s32 $0x2710;
	s20 =	simm.s32 $0x50;
	s21 =	simm.s32 $0x4E20  }
0x6: {  	s28 =	simm.s32 $0x0;
	s1 =	sand.u32 $0x1, s1;
	s8 =	smul.u32 $0xA000, s10  }
0x7: {  	[smem:$0x7FF] =	sst s3;
	s11 =	smul.u32 $0x2800, s10;
	s4 =	sshll.u32 s1, $0x4  }
0x8: {  	_ =	strace $0x8000004D;
	s7 =	ssub.s32 $0x2, s1;
	s1 =	smul.u32 $0x28000, s1  }
0x9: {  	s4 =	sor.u32 s10, s4;
	s9 =	sshrl.u32 s7, $0x1;
	s8 =	sshrl.u32 s8, $0x2  }
0xa: {  	s5 =	smul.u32 $0x4E2, s4;
	s4 =	sadd.s32 $0x15A00, s0;
	s12 =	sadd.s32 s8, s2  }
0xb: {  	s7 =	ssub.s32 s7, s9;
	s1 =	sadd.s32 s11, s1;
	s8 =	sadd.s32 $0x500, s12  }
0xc: {  	s25 =	sadd.s32 $0xA00, s12;
	s26 =	sadd.s32 $0xF00, s12;
	[dreg:$0x4] =	wrdreg s8  }
0xd: {  	s29 =	sadd.s32 $0x1400, s12;
	s30 =	sadd.s32 $0x1900, s12;
	[dreg:$0x5] =	wrdreg s25  }
0xe: {  	s31 =	sadd.s32 $0x1E00, s12;
	s12 =	sadd.s32 $0x2300, s12;
	[dreg:$0x6] =	wrdreg s26  }
0xf: {  	s1 =	sshrl.u32 s1, $0x3;
	s16 =	smax.u32 s7, $0x1;
	[dreg:$0x7] =	wrdreg s29  }
0x10: {  	s0 =	sadd.s32 s5, s0;
	s5 =	sadd.s32 s11, s2;
	[dreg:$0x8] =	wrdreg s30  }
0x11: {  	[dreg:$0x9] =	wrdreg s31;
	s15 =	sadd.s32 s6, s1;
	s25 =	simm.s32 $0x1  }
0x12: {  	v0 =	vimm.f32 $0.0e+00;
	s26 =	simm.s32 $0x5;
	s13 =	sadd.s32 $0x1E00, s0;
	s14 =	sadd.s32 $0xBC00, s0  }
.LBB2_1:
0x13: {  	s0 =	simm.s32 $0x40;
	s1 =	simm.s32 $0x0  }
.LBB2_2:
0x14: {  	p0 =	sne.s32 s0, $0x13C0;
	[tilespmem:s1+$0x6220] =	vst v0;
	s1 =	smov.u32 s0;
	s0 =	sadd.s32 $0x40, s0  }
.Ltmp0:
0x15: {  	(pc) =	sbr.rel @p0 .LBB2_2-.Ltmp0, $2  }
0x16: {  	_ =	sdelay $0x2  }
0x17: {  	s1 =	sshra.s32 s1, $0x2  }
0x18: {  	[tilespmem:s1+$0x6220] =	vst v0  }
0x19: {  	[spmem:s5] =	stream.linear.scatter [tilespmem:s17], [sflag:$0x9], $0x500, $0x38;
	[tilespmem:$0x8F20] =	vst v63  }
0x1a: {  	_ =	swait.ge [sflag:s18], $0x500  }
0x1b: {  	[sflag:s18] =	ssyncset.done $0x0  }
0x1c: {  	s0 =	rddreg [dreg:$0x4];
	[sflag:s18] =	ssyncadd.s32 $0xFFFFFB00  }
0x1d: {  	[spmem:s0] =	stream.linear.scatter [tilespmem:s17], [sflag:$0x9], $0x500, $0x38;
	[tilespmem:$0x8F20] =	vst v63  }
0x1e: {  	_ =	swait.ge [sflag:s18], $0x500  }
0x1f: {  	[sflag:s18] =	ssyncset.done $0x0  }
0x20: {  	s10 =	rddreg [dreg:$0x5];
	[sflag:s18] =	ssyncadd.s32 $0xFFFFFB00  }
0x21: {  	[spmem:s10] =	stream.linear.scatter [tilespmem:s17], [sflag:$0x9], $0x500, $0x38;
	[tilespmem:$0x8F20] =	vst v63  }
0x22: {  	_ =	swait.ge [sflag:s18], $0x500  }
0x23: {  	[sflag:s18] =	ssyncset.done $0x0  }
0x24: {  	s11 =	rddreg [dreg:$0x6];
	[sflag:s18] =	ssyncadd.s32 $0xFFFFFB00  }
0x25: {  	[spmem:s11] =	stream.linear.scatter [tilespmem:s17], [sflag:$0x9], $0x500, $0x38;
	[tilespmem:$0x8F20] =	vst v63  }
0x26: {  	_ =	swait.ge [sflag:s18], $0x500  }
0x27: {  	[sflag:s18] =	ssyncset.done $0x0  }
0x28: {  	s22 =	rddreg [dreg:$0x7];
	[sflag:s18] =	ssyncadd.s32 $0xFFFFFB00  }
0x29: {  	[spmem:s22] =	stream.linear.scatter [tilespmem:s17], [sflag:$0x9], $0x500, $0x38;
	[tilespmem:$0x8F20] =	vst v63  }
0x2a: {  	_ =	swait.ge [sflag:s18], $0x500  }
0x2b: {  	[sflag:s18] =	ssyncset.done $0x0  }
0x2c: {  	s23 =	rddreg [dreg:$0x8];
	[sflag:s18] =	ssyncadd.s32 $0xFFFFFB00  }
0x2d: {  	[spmem:s23] =	stream.linear.scatter [tilespmem:s17], [sflag:$0x9], $0x500, $0x38;
	[tilespmem:$0x8F20] =	vst v63  }
0x2e: {  	_ =	swait.ge [sflag:s18], $0x500  }
0x2f: {  	[sflag:s18] =	ssyncset.done $0x0  }
0x30: {  	s24 =	rddreg [dreg:$0x9];
	[sflag:s18] =	ssyncadd.s32 $0xFFFFFB00  }
0x31: {  	[spmem:s24] =	stream.linear.scatter [tilespmem:s17], [sflag:$0x9], $0x500, $0x38;
	[tilespmem:$0x8F20] =	vst v63  }
0x32: {  	_ =	swait.ge [sflag:s18], $0x500  }
0x33: {  	[sflag:s18] =	ssyncset.done $0x0  }
0x34: {  	[sflag:s18] =	ssyncadd.s32 $0xFFFFFB00  }
0x35: {  	[spmem:s12] =	stream.linear.scatter [tilespmem:s17], [sflag:$0x9], $0x500, $0x38;
	[tilespmem:$0x8F20] =	vst v63  }
0x36: {  	_ =	swait.ge [sflag:s18], $0x500  }
0x37: {  	[sflag:s18] =	ssyncset.done $0x0  }
0x38: {  	[sflag:s18] =	ssyncadd.s32 $0xFFFFFB00  }
0x39: {  	[tilespmem:s3], [sflag:$0x9] =	stream.linear.gather [hbm4b:s13+s3], $0x2710, $0x38;
	[tilespmem:$0x8F20] =	vst v63  }
0x3a: {  	_ =	swait.ge [sflag:s18], $0x2710  }
0x3b: {  	[sflag:s18] =	ssyncset.done $0x0  }
0x3c: {  	[sflag:s18] =	ssyncadd.s32 $0xFFFFD8F0  }
0x3d: {  	[tilespmem:s19], [sflag:$0x9] =	stream.linear.gather [hbm4b:s14+s3], $0x2710, $0x38;
	[tilespmem:$0x8F20] =	vst v63  }
0x3e: {  	s1 =	simm.s32 $0x5320;
	_ =	swait.ge [sflag:s18], $0x2710  }
0x3f: {  	s6 =	simm.s32 $0xA0;
	s7 =	simm.s32 $0x5820;
	[sflag:s18] =	ssyncset.done $0x0  }
0x40: {  	s8 =	simm.s32 $0x4;
	s9 =	simm.s32 $0x1;
	[sflag:s18] =	ssyncadd.s32 $0xFFFFD8F0  }
0x41: {  	p0 =	por $0x0, $0x0;
	s31 =	simm.s32 $0x2;
	[bflag:$0x0] =	sbarrier.arrive $0xFFFF  }
0x42: {  	[tilespmem:s21], [sflag:$0x1] =	stream.indirect.gather [hbm4b:s4+s20], $0x10, s3, s20, $0xb8;
	[tilespmem:$0x8F20] =	vst v63  }
0x43: {  	s30 =	simm.s32 $0x27B0;
	s29 =	sand.u32 $0x3, s31;
	s0 =	sand.u32 $0x3, s8  }
0x44: {  	[tilespmem:s1], [sflag:$0x2] =	stream.indirect.gather [hbm4b:s4+s20], $0x10, s20, s20, $0xb8;
	[tilespmem:$0x8F20] =	vst v63  }
0x45: {  	s0 =	sadd.s32 $0x5, s0;
	s10 =	smul.u32 $0x1400, s29;
	s1 =	simm.s32 @!p0 $0x3  }
0x46: {  	[tilespmem:s7], [sflag:$0x3] =	stream.indirect.gather [hbm4b:s4+s20], $0x10, s6, s20, $0xb8;
	[tilespmem:$0x8F20] =	vst v63  }
0x47: {  	s23 =	simm.s32 $0x2760;
	s1 =	sand.u32 @!p0 $0x3, s1;
	_ =	swait.ge [sflag:s25], $0x500  }
0x48: {  	s6 =	simm.s32 $0xF0;
	s7 =	sand.u32 $0x3, s9;
	[sflag:s25] =	ssyncset.done $0x0  }
0x49: {  	s24 =	smul.u32 @!p0 $0x1400, s1;
	s1 =	sadd.s32 @!p0 $0x1, s1;
	[sflag:s25] =	ssyncadd.s32 $0xFFFFFB00  }
0x4a: {  	[spmem:s2] =	stream.indirect.scatter.add.f32 [tilespmem:s21], [sflag:$0x5], $0x10, s19, s20, $0xb8;
	[tilespmem:$0x8F20] =	vst v63  }
0x4b: {  	s22 =	smul.u32 $0x1400, s7;
	s8 =	sadd.s32 $0x1, s7;
	_ =	swait.ge [sflag:s0], $0x500  }
0x4c: {  	s7 =	sadd.s32 $0x5, s7;
	s24 =	sshrl.u32 @!p0 s24, $0x2;
	[sflag:s0] =	ssyncset.done $0x0  }
0x4d: {  	s24 =	sadd.s32 @!p0 $0x4E20, s24;
	[sflag:s0] =	ssyncadd.s32 $0xFFFFFB00;
	s0 =	simm.s32 @!p0 $0x50  }
0x4e: {  	[tilespmem:s24], [sflag:s1] =	stream.indirect.gather @!p0 [hbm4b:s4+s0], $0x10, s6, s0, $0xb8;
	[tilespmem:$0x8F20] =	vst v63  }
0x4f: {  	s11 =	sshrl.u32 s22, $0x2;
	s22 =	sshrl.u32 s10, $0x2;
	_ =	swait.ge [sflag:s8], $0x500  }
0x50: {  	s24 =	simm.s32 $0x5;
	s1 =	simm.s32 $0x6;
	[sflag:s8] =	ssyncset.done $0x0  }
0x51: {  	s0 =	simm.s32 $0x140;
	s6 =	sadd.s32 $0x4E20, s11;
	[sflag:s8] =	ssyncadd.s32 $0xFFFFFB00  }
.LBB2_4:
0x52: {  	[spmem:s2] =	stream.indirect.scatter.add.f32 [tilespmem:s6], [sflag:s7], $0x10, s23, s20, $0xb8;
	[tilespmem:$0x8F20] =	vst v63  }
0x53: {  	s6 =	smov.u32 s1;
	s7 =	smov.u32 s29;
	s8 =	smov.u32 s22  }
0x54: {  	s1 =	sadd.s32 $0x1, s1;
	p1 =	sgt.u32 s31, $0x7A;
	s31 =	sadd.s32 $0xFFFFFFFD, s6  }
0x55: {  	p0 =	sne.s32 s1, $0x80;
	s22 =	sadd.s32 @!p1 $0xFFFFFFFF, s24;
	s29 =	sand.u32 $0x3, s31  }
0x56: {  	s24 =	sand.u32 $0x3, s24;
	s22 =	sand.u32 @!p1 $0x3, s22;
	s23 =	smul.u32 $0x1400, s29  }
0x57: {  	s24 =	sadd.s32 $0x5, s24;
	s9 =	smul.u32 @!p1 $0x1400, s22;
	s10 =	sadd.s32 @!p1 $0x1, s22  }
0x58: {  	s11 =	sadd.s32 $0x1, s7;
	s22 =	sshrl.u32 s23, $0x2;
	_ =	swait.ge [sflag:s24], $0x500  }
0x59: {  	s9 =	sshrl.u32 @!p1 s9, $0x2;
	s23 =	simm.s32 @!p1 $0x50;
	[sflag:s24] =	ssyncset.done $0x0  }
.Ltmp1:
0x5a: {  	s9 =	sadd.s32 @!p1 $0x4E20, s9;
	[sflag:s24] =	ssyncadd.s32 $0xFFFFFB00;
	(pc) =	sbr.rel @p0 .LBB2_4-.Ltmp1, $4  }
0x5b: {  	[tilespmem:s9], [sflag:s10] =	stream.indirect.gather @!p1 [hbm4b:s4+s23], $0x10, s0, s23, $0xb8;
	[tilespmem:$0x8F20] =	vst v63  }
0x5c: {  	s24 =	smov.u32 s6;
	s23 =	smov.u32 s30;
	_ =	swait.ge [sflag:s11], $0x500  }
0x5d: {  	s30 =	sadd.s32 $0x50, s30;
	s0 =	sadd.s32 $0x50, s0;
	[sflag:s11] =	ssyncset.done $0x0  }
0x5e: {  	s7 =	sadd.s32 $0x5, s7;
	s6 =	sadd.s32 $0x4E20, s8;
	[sflag:s11] =	ssyncadd.s32 $0xFFFFFB00  }
0x5f: {  	[spmem:s2] =	stream.indirect.scatter.add.f32 [tilespmem:s6], [sflag:s7], $0x10, s23, s20, $0xb8;
	[tilespmem:$0x8F20] =	vst v63  }
0x60: {  	p0 =	sgt.u32 s31, $0x7A  }
0x61: {  	s1 =	sadd.s32 @!p0 $0xFFFFFFFF, s24  }
0x62: {  	s23 =	sand.u32 $0x3, s24;
	s1 =	sand.u32 @!p0 $0x3, s1  }
0x63: {  	s6 =	sadd.s32 $0x5, s23;
	s7 =	smul.u32 @!p0 $0x1400, s1  }
0x64: {  	s8 =	sadd.s32 $0x1, s29;
	_ =	swait.ge [sflag:s6], $0x500  }
0x65: {  	s9 =	simm.s32 @!p0 $0x50;
	[sflag:s6] =	ssyncset.done $0x0;
	s7 =	sshrl.u32 @!p0 s7, $0x2  }
0x66: {  	s1 =	sadd.s32 @!p0 $0x1, s1;
	[sflag:s6] =	ssyncadd.s32 $0xFFFFFB00;
	s6 =	sadd.s32 @!p0 $0x4E20, s7  }
0x67: {  	[tilespmem:s6], [sflag:s1] =	stream.indirect.gather @!p0 [hbm4b:s4+s9], $0x10, s0, s9, $0xb8;
	[tilespmem:$0x8F20] =	vst v63  }
0x68: {  	_ =	swait.ge [sflag:s8], $0x500  }
0x69: {  	[sflag:s8] =	ssyncset.done $0x0  }
0x6a: {  	s29 =	sadd.s32 $0x5, s29;
	s24 =	sadd.s32 $0x4E20, s22;
	[sflag:s8] =	ssyncadd.s32 $0xFFFFFB00  }
0x6b: {  	[spmem:s2] =	stream.indirect.scatter.add.f32 [tilespmem:s24], [sflag:s29], $0x10, s30, s20, $0xb8;
	[tilespmem:$0x8F20] =	vst v63  }
0x6c: {  	s31 =	sshrl.u32 s5, $0x3;
	_ =	swait.ge [sflag:s26], $0x500  }
0x6d: {  	s28 =	sadd.s32 $0x1, s28;
	s30 =	stileid.u32;
	[sflag:s26] =	ssyncset.done $0x0  }
0x6e: {  	p0 =	sne.s32 s28, s16;
	s0 =	sshll.u32 s30, $0x6;
	[sflag:s26] =	ssyncadd.s32 $0xFFFFFB00  }
.Ltmp2:
0x6f: {  	s0 =	sor.u32 $0x1C09, s0;
	[bflag:$0x0] =	sbarrier.arrive $0xFFFF;
	(pc) =	sbr.rel @p0 .LBB2_1-.Ltmp2, $4  }
0x70: {  	[hbm:s15], [sflag:s0] =	dma.local [spmem:s31], $0x500  }
0x71: {  	_ =	swait.ge [sflag:s18], $0x500  }
0x72: {  	[sflag:s18] =	ssyncset.done $0x0  }
0x73: {  	[sflag:s18] =	ssyncadd.s32 $0xFFFFFB00  }
0x74: {  	_ =	sfence.sel $0x180000  }
0x75: {  	[bflag:$0x0] =	sbarrier.arrive $0xFFFF  }
0x76: {  	_ =	strace $0x9000004D  }
0x77: {  	s0 =	stileid.u32;
	[bflag:$0x2] =	sbarrier.arrive $0xFFFF  }
0x78: {  	p0 =	sne.s32 s0, $0x0;
	s0 =	rddreg [dreg:$0x3]  }
0x79: {  	s0 =	sadd.s32 @!p0 $0x100000, s0  }
0x7a: {  	[sflag:s0] =	ssyncadd.tile.s32 @!p0 $0x1;
	_ =	shalt  }
.Lfunc_end2:
_tile_overlayer_lowered:
.L_overlay_start_2:
0x7b: {  	(tag) =	ssettag $0x2  }
0x7c: {  	s0 =	rddreg [dreg:$0x0];
	s2 =	stileid.u32  }
0x7d: {  	s1 =	rddreg [dreg:$0x1];
	p0 =	sne.s32 s2, $0x0  }
0x7e: {  	s3 =	rddreg [dreg:$0x2];
	[bflag:$0x3] =	sbarrier.arrive $0xFFFF;
	s2 =	simm.s32 @!p0 $0x1C09  }
0x7f: {  	[timem:s3], [sflag:s2] =	dma.local @!p0 [hbm:s0], s1  }
0x80: {  	s0 =	simm.s32 @!p0 $0x9  }
0x81: {  	_ =	swait.ge @!p0 [sflag:s0], s1  }
0x82: {  	s1 =	ssub.s32 @!p0 $0x0, s1;
	[sflag:s0] =	ssyncset.done @!p0 $0x0  }
0x83: {  	[sflag:s0] =	ssyncadd.s32 @!p0 s1  }
0x84: {  	[bflag:$0x3] =	sbarrier.arrive $0xFFFF  }
0x85: {  	_ =	shalt  }

// kernel: kernel.19.cloned.1.call-start
scs
__scs_entry_jumppad:
0x0: {  	(pc) =	sbr.rel $0x88, $3  }
0x1: {  	(tag) =	ssettag $0x0;
	lr =	simm.s32 $0x1  }
0x2: {  	[smem:$0x3F99] =	sst lr;
	_ =	strace $0xD0000000  }
0x3: {  	_ = 	snop  }
0x4: {  	_ = 	snop  }
0x5: {  	_ = 	snop  }
0x6: {  	_ = 	snop  }
0x7: {  	_ = 	snop  }
__scs_overlays_trampoline_lowered:
0x8: {  	[smem:$0x3FA8] =	sst s0  }
0x9: {  	[smem:$0x3FA9] =	sst s1  }
0xa: {  	[smem:$0x3FAA] =	sst s2  }
0xb: {  	[smem:$0x3FAB] =	sst s3  }
0xc: {  	[smem:$0x3FAC] =	sst s4  }
0xd: {  	[smem:$0x3FAD] =	sst s5  }
0xe: {  	[smem:$0x3FAE] =	sst s6  }
0xf: {  	[smem:$0x3FAF] =	sst s7  }
0x10: {  	[smem:$0x3FB0] =	sst s8  }
0x11: {  	[smem:$0x3FB1] =	sst s9;
	s0 =	simm.s32 @!p0 $0x0  }
0x12: {  	s1 =	sld [smem:$0x3F97];
	s0 =	simm.s32 @p0 $0x1  }
0x13: {  	[smem:$0x3FB2] =	sst s0;
	s0 =	simm.s32 @!p1 $0x0  }
0x14: {  	s2 =	sld [smem:$0x3F96];
	s0 =	simm.s32 @p1 $0x1  }
0x15: {  	[smem:$0x3FB3] =	sst s0;
	s0 =	simm.s32 @!p2 $0x0  }
0x16: {  	s3 =	sld [smem:$0x3FDB];
	s0 =	simm.s32 @p2 $0x1  }
0x17: {  	s4 =	simm.s32 $0x1BF5;
	[smem:$0x3FB5] =	sst s0  }
0x18: {  	s0 =	sld [smem:$0x3F98];
	_ =	swait.ge [sflag:s4], $0x0  }
0x19: {  	s7 =	sld [smem:$0x3F99]  }
0x1a: {  	s8 =	sadd.s32 $0xFFFFE003, lr  }
0x1b: {  	s9 =	sadd.s32 $0xFFFFFEF7, lr;
	s5 =	simm.s32 $0xFFFFFFFF;
	p2 =	slt.u32 s8, $0xFFFFF086  }
0x1c: {  	p1 =	slt.u32 s9, $0xF7A;
	s5 =	simm.s32 @!p2 $0x0  }
0x1d: {  	s5 =	simm.s32 @p1 $0x1;
	p0 =	seq.s32 s7, s2  }
0x1e: {  	s7 =	smul.u32 @!p0 $0xF7A, s2;
	p2 =	seq.s32 @!p0 s5, $0x0  }
0x1f: {  	s9 =	smul.u32 $0xF7A, s1;
	s8 =	simm.s32 @!p0 $0x1BF5;
	p2 =	por !p2, p0  }
0x20: {  	[sflag:s8] =	ssyncset.s32 @!p0 $0xFFFFF086;
	s6 =	sadd.s32 @!p0 s3, s7;
	s7 =	simm.s32 @!p0 $0x108  }
0x21: {  	s3 =	sadd.s32 s3, s9;
	s6 =	sadd.s32 @!p0 $0x88, s6;
	s7 =	simm.s32 @p2 $0x1082  }
0x22: {  	[simem:s7], [sflag:s8] =	dma.local @!p0 [hbm:s6], $0xF7A  }
0x23: {  	s9 =	sor.u32 $0xD0000000, s2;
	s6 =	simm.s32 $0x108;
	_ =	swait.ge @!p0 [sflag:s8], $0x0  }
0x24: {  	s3 =	sadd.s32 $0x88, s3;
	s6 =	simm.s32 @!p1 $0x1082;
	[sflag:s4] =	ssyncset.s32 $0xFFFFF086  }
0x25: {  	[simem:s6], [sflag:s4] =	dma.local [hbm:s3], $0xF7A  }
0x26: {  	[smem:$0x3F99] =	sst s1;
	(tag) =	ssettag s2;
	_ =	strace s9  }
0x27: {  	s1 =	sld [smem:$0x3FA9]  }
0x28: {  	s2 =	sld [smem:$0x3FAA]  }
0x29: {  	s4 =	sld [smem:$0x3FAC]  }
0x2a: {  	p0 =	seq.s32 s5, $0x0;
	s5 =	sld [smem:$0x3FAD]  }
0x2b: {  	s6 =	sld [smem:$0x3FAE]  }
0x2c: {  	s7 =	sld [smem:$0x3FAF]  }
0x2d: {  	s3 =	simm.s32 $0x108;
	s8 =	sld [smem:$0x3FB0]  }
0x2e: {  	s3 =	simm.s32 @!p0 $0x1082;
	s9 =	sld [smem:$0x3FB1]  }
0x2f: {  	lr =	sadd.s32 s0, s3;
	s0 =	sld [smem:$0x3FA8]  }
0x30: {  	s3 =	sld [smem:$0x3FAB]  }
0x31: {  	[smem:$0x3FB4] =	sst s10  }
0x32: {  	s10 =	sld [smem:$0x3FB2];
	_ =	sdelay $0x3  }
0x33: {  	p0 =	seq.s32 s10, $0x1;
	s10 =	sld [smem:$0x3FB4];
	_ =	sdelay $0x3  }
0x34: {  	[smem:$0x3FB4] =	sst s10  }
0x35: {  	s10 =	sld [smem:$0x3FB3];
	_ =	sdelay $0x3  }
0x36: {  	p1 =	seq.s32 s10, $0x1;
	s10 =	sld [smem:$0x3FB4];
	_ =	sdelay $0x3  }
0x37: {  	[smem:$0x3FB4] =	sst s10  }
0x38: {  	s10 =	sld [smem:$0x3FB5]  }
0x39: {  	_ = 	snop;
	(pc) =	sbr.ind lr, $3  }
0x3a: {  	_ = 	snop  }
0x3b: {  	_ = 	snop  }
0x3c: {  	p2 =	seq.s32 s10, $0x1;
	s10 =	sld [smem:$0x3FB4]  }
0x3d: {  	_ =	shalt  }
0x3e: {  	_ =	shalt  }
0x3f: {  	_ =	shalt  }
0x40: {  	_ =	shalt  }
0x41: {  	_ =	shalt  }
0x42: {  	_ =	shalt  }
0x43: {  	_ =	shalt  }
0x44: {  	_ =	shalt  }
0x45: {  	_ =	shalt  }
0x46: {  	_ =	shalt  }
0x47: {  	_ =	shalt  }
0x48: {  	_ =	shalt  }
0x49: {  	_ =	shalt  }
0x4a: {  	_ =	shalt  }
0x4b: {  	_ =	shalt  }
0x4c: {  	_ =	shalt  }
0x4d: {  	_ =	shalt  }
0x4e: {  	_ =	shalt  }
0x4f: {  	_ =	shalt  }
0x50: {  	_ =	shalt  }
0x51: {  	_ =	shalt  }
0x52: {  	_ =	shalt  }
0x53: {  	_ =	shalt  }
0x54: {  	_ =	shalt  }
0x55: {  	_ =	shalt  }
0x56: {  	_ =	shalt  }
0x57: {  	_ =	shalt  }
0x58: {  	_ =	shalt  }
0x59: {  	_ =	shalt  }
0x5a: {  	_ =	shalt  }
0x5b: {  	_ =	shalt  }
0x5c: {  	_ =	shalt  }
0x5d: {  	_ =	shalt  }
0x5e: {  	_ =	shalt  }
0x5f: {  	_ =	shalt  }
0x60: {  	_ =	shalt  }
0x61: {  	_ =	shalt  }
0x62: {  	_ =	shalt  }
0x63: {  	_ =	shalt  }
0x64: {  	_ =	shalt  }
0x65: {  	_ =	shalt  }
0x66: {  	_ =	shalt  }
0x67: {  	_ =	shalt  }
0x68: {  	_ =	shalt  }
0x69: {  	_ =	shalt  }
0x6a: {  	_ =	shalt  }
0x6b: {  	_ =	shalt  }
0x6c: {  	_ =	shalt  }
0x6d: {  	_ =	shalt  }
0x6e: {  	_ =	shalt  }
0x6f: {  	_ =	shalt  }
0x70: {  	_ =	shalt  }
0x71: {  	_ =	shalt  }
0x72: {  	_ =	shalt  }
0x73: {  	_ =	shalt  }
0x74: {  	_ =	shalt  }
0x75: {  	_ =	shalt  }
0x76: {  	_ =	shalt  }
0x77: {  	_ =	shalt  }
0x78: {  	_ =	shalt  }
0x79: {  	_ =	shalt  }
0x7a: {  	_ =	shalt  }
0x7b: {  	_ =	shalt  }
0x7c: {  	_ =	shalt  }
0x7d: {  	_ =	shalt  }
0x7e: {  	_ =	shalt  }
0x7f: {  	_ =	shalt  }
0x80: {  	_ =	shalt  }
0x81: {  	_ =	shalt  }
0x82: {  	_ =	shalt  }
0x83: {  	_ =	shalt  }
0x84: {  	_ =	shalt  }
0x85: {  	_ =	shalt  }
0x86: {  	_ =	shalt  }
0x87: {  	_ =	shalt  }
.Lfunc_end0:
.L_simem_size_0:
called_computation.3_lowered:
.L_overlay_start_0:
0x88: {  	s2 =	sld [smem:$0x3FD9]  }
0x89: {  	s3 =	sld [smem:$0x3FFE];
	_ =	sdelay $0x1  }
0x8a: {  	s1 =	srdreg.scid  }
0x8b: {  	s0 =	sand.u32 $0x1, s1  }
0x8c: {  	s17 =	sshll.u32 s0, $0xA;
	s2 =	sadd.s32 s3, s2  }
0x8d: {  	s2 =	sadd.s32 s2, s17  }
0x8e: {  	[smem:$0x3FC0] =	sst s2  }
0x8f: {  	_ = 	snop  }
0x90: {  	s2 =	sld [smem:$0x3FD0];
	(tm) =	ssettm $0x1  }
0x91: {  	s18 =	sld [smem:$0x3FFB];
	_ =	sdelay $0x3  }
0x92: {  	_ =	strace s18  }
0x93: {  	s3 =	sld [smem:$0x3FFC];
	_ =	sdelay $0x3  }
0x94: {  	_ =	strace s3  }
0x95: {  	s3 =	sld [smem:$0x3FFD];
	_ =	sdelay $0x3  }
0x96: {  	_ =	strace s3  }
0x97: {  	_ =	strace $0x8FFFFFFF  }
0x98: {  	s19 =	sld [smem:$0x3FDB];
	_ =	sdelay $0x1  }
0x99: {  	s4 =	simm.s32 $_scs_section_size  }
0x9a: {  	s5 =	simm.s32 $_size__tile_overlayer_lowered;
	s6 =	simm.s32 $_tile_overlayer_lowered  }
0x9b: {  	s22 =	simm.s32 $0x1BFF;
	s21 =	sshll.u32 s6, $0x1;
	s3 =	sadd.s32 s4, s19  }
0x9c: {  	s7 =	simm.s32 $0x0;
	s20 =	sshll.u32 s5, $0x1;
	s5 =	sadd.s32 s21, s3  }
0x9d: {  	[timem:s7], [sflag:s22] =	dma.local [hbm:s5], s20  }
0x9e: {  	_ =	swait.ge [sflag:s22], s20  }
0x9f: {  	s4 =	ssub.s32 $0x0, s20;
	[sflag:s22] =	ssyncset.done $0x0  }
0xa0: {  	[sflag:s22] =	ssyncadd.s32 s4;
	_ =	sdelay $0x1  }
0xa1: {  	s23 =	simm.s32 $0x1B8B  }
0xa2: {  	_ =	swait.ge [sflag:s23], $0x1  }
0xa3: {  	[sflag:s23] =	ssyncset.done $0x0  }
0xa4: {  	s25 =	simm.s32 $0x1B8E;
	s24 =	sld [smem:$0x3FFE];
	[sflag:s23] =	ssyncadd.s32 $0xFFFFFFFF  }
0xa5: {  	s26 =	simm.s32 $execute0_lowered;
	[smem:$0x3FD2] =	sst s25  }
0xa6: {  	s5 =	sshll.u32 s26, $0x1;
	_ =	strace $0x8000004F;
	[dreg:$0x1] =	wrdreg $0xFFFFFFFF  }
0xa7: {  	s28 =	simm.s32 $_size_execute0_lowered;
	s3 =	sadd.s32 s3, s5;
	[dreg:$0x0] =	wrdreg $0x0  }
0xa8: {  	s5 =	sshll.u32 s28, $0x1;
	[dreg:$0x2] =	wrdreg s3  }
0xa9: {  	[dreg:$0x3] =	wrdreg s5  }
0xaa: {  	[dreg:$0x4] =	wrdreg $0xC0  }
0xab: {  	_ =	task [dreg:s7], $0x5FFFF  }
0xac: {  	[dreg:$0x1] =	wrdreg $0xFFFFFFFF  }
0xad: {  	[dreg:$0x0] =	wrdreg $0x60  }
0xae: {  	[dreg:$0x2] =	wrdreg s2  }
0xaf: {  	[dreg:$0x3] =	wrdreg s24  }
0xb0: {  	[dreg:$0x4] =	wrdreg $0xB2200  }
0xb1: {  	[dreg:$0x5] =	wrdreg $0x9  }
0xb2: {  	_ =	task.clear_ibuf [dreg:s7], $0x6FFFF;
	_ =	strace $0x9000004F  }
0xb3: {  	s29 =	simm.s32 $0x9;
	_ =	strace $0x80000051  }
0xb4: {  	_ =	swait.ge [sflag:s29], $0x1  }
0xb5: {  	[sflag:s29] =	ssyncadd.s32 $0xFFFFFFFF  }
0xb6: {  	_ =	strace $0x90000051  }
0xb7: {  	_ =	sfence  }
0xb8: {  	s30 =	sld [smem:$0x0];
	_ =	sdelay $0x2  }
0xb9: {  	s31 =	sshll.u32 s1, $0xD;
	s1 =	sshrl.u32 s1, $0x2  }
0xba: {  	s3 =	sand.u32 $0x4000, s31;
	s1 =	sadd.s32 s1, s30  }
0xbb: {  	s0 =	sor.u32 s3, s0;
	s1 =	sshll.u32 s1, $0x11  }
0xbc: {  	s0 =	sor.u32 s1, s0  }
0xbd: {  	s0 =	sadd.s32 $0x8F2B, s0  }
0xbe: {  	[sflag:s0] =	ssyncadd.remote.s32 $0x1  }
0xbf: {  	_ =	sfence.sel $0xFFFF  }
0xc0: {  	[dreg:$0x0] =	wrdreg $0xFFFFFFFF;
	(pc) =	sbr.abs _section_cstart, $3  }
0xc1: {  	[dreg:$0x1] =	wrdreg $0xFFFFFFFF  }
0xc2: {  	_ =	task.clear_ibuf [dreg:s7], $0x2FFFF;
	_ =	strace $0x9FFFFFFF  }
0xc3: {  	(tm) =	ssettm $0x7FFFFFFF  }
tec
execute0_lowered:
.L_overlay_start_1:
0x0: {  	(tag) =	ssettag $0x1  }
0x1: {  	s2 =	rddreg [dreg:$0x0]  }
0x2: {  	s0 =	srdreg.scid;
	s5 =	rddreg [dreg:$0x1]  }
0x3: {  	s8 =	stileid.u32;
	s3 =	rddreg [dreg:$0x2]  }
0x4: {  	s4 =	simm.s32 $0x0;
	s17 =	simm.s32 $0x9E20;
	s18 =	simm.s32 $0x9  }
0x5: {  	s19 =	simm.s32 $0x2710;
	s20 =	simm.s32 $0x50;
	s21 =	simm.s32 $0x4E20  }
0x6: {  	s28 =	simm.s32 $0x0;
	s0 =	sand.u32 $0x1, s0;
	s6 =	smul.u32 $0xA000, s8  }
0x7: {  	[smem:$0x7FF] =	sst s4;
	s1 =	sshll.u32 s0, $0x4;
	s7 =	smul.u32 $0xA0000, s0  }
0x8: {  	s0 =	ssub.s32 $0x2, s0;
	s1 =	sor.u32 s8, s1;
	s8 =	smul.u32 $0x28000, s8  }
0x9: {  	_ =	strace $0x80000050;
	s23 =	sshrl.u32 s0, $0x1;
	s1 =	smul.u32 $0x4E2, s1  }
0xa: {  	s7 =	sadd.s32 s6, s7;
	s0 =	ssub.s32 s0, s23;
	s8 =	sshrl.u32 s8, $0x2  }
0xb: {  	s7 =	sshrl.u32 s7, $0x3;
	s16 =	smax.u32 s0, $0x1;
	s12 =	sadd.s32 s8, s3  }
0xc: {  	s1 =	sadd.s32 s1, s5;
	s7 =	sadd.s32 s7, s5;
	s24 =	sadd.s32 $0x1400, s12  }
0xd: {  	s5 =	sadd.s32 s6, s3;
	s25 =	sadd.s32 $0x2800, s12;
	[dreg:$0x4] =	wrdreg s24  }
0xe: {  	s26 =	sadd.s32 $0x3C00, s12;
	s29 =	sadd.s32 $0x5000, s12;
	[dreg:$0x5] =	wrdreg s25  }
0xf: {  	s30 =	sadd.s32 $0x6400, s12;
	s31 =	sadd.s32 $0x7800, s12;
	[dreg:$0x6] =	wrdreg s26  }
0x10: {  	s12 =	sadd.s32 $0x8C00, s12;
	s13 =	sadd.s32 $0x1E00, s1;
	[dreg:$0x7] =	wrdreg s29  }
0x11: {  	s14 =	sadd.s32 $0xBC00, s1;
	s15 =	sadd.s32 $0x15A00, s7;
	[dreg:$0x8] =	wrdreg s30  }
0x12: {  	v0 =	vimm.f32 $0.0e+00;
	[dreg:$0x9] =	wrdreg s31;
	s25 =	simm.s32 $0x1;
	s26 =	simm.s32 $0x5  }
.LBB2_1:
0x13: {  	s1 =	simm.s32 $0x100;
	s0 =	simm.s32 $0x0  }
.LBB2_2:
0x14: {  	p0 =	sne.s32 s1, $0x4F00;
	[tilespmem:s0+$0x9E50] =	vst v0;
	s6 =	smov.u32 s1;
	s1 =	sadd.s32 $0x100, s1  }
.Ltmp0:
0x15: {  	[tilespmem:s0+$0x9E40] =	vst v0;
	(pc) =	sbr.rel @p0 .LBB2_2-.Ltmp0, $3  }
0x16: {  	[tilespmem:s0+$0x9E20] =	vst v0  }
0x17: {  	[tilespmem:s0+$0x9E30] =	vst v0;
	_ =	sdelay $0x1  }
0x18: {  	s0 =	sshra.s32 s6, $0x2  }
0x19: {  	[tilespmem:s0+$0x9E50] =	vst v0  }
0x1a: {  	[tilespmem:s0+$0x9E40] =	vst v0  }
0x1b: {  	[tilespmem:s0+$0x9E20] =	vst v0  }
0x1c: {  	[tilespmem:s0+$0x9E30] =	vst v0  }
0x1d: {  	[spmem:s5] =	stream.linear.scatter [tilespmem:s17], [sflag:$0x9], $0x1400, $0x38;
	[tilespmem:$0x15220] =	vst v63  }
0x1e: {  	_ =	swait.ge [sflag:s18], $0x1400  }
0x1f: {  	[sflag:s18] =	ssyncset.done $0x0  }
0x20: {  	s10 =	rddreg [dreg:$0x4];
	[sflag:s18] =	ssyncadd.s32 $0xFFFFEC00  }
0x21: {  	[spmem:s10] =	stream.linear.scatter [tilespmem:s17], [sflag:$0x9], $0x1400, $0x38;
	[tilespmem:$0x15220] =	vst v63  }
0x22: {  	_ =	swait.ge [sflag:s18], $0x1400  }
0x23: {  	[sflag:s18] =	ssyncset.done $0x0  }
0x24: {  	s11 =	rddreg [dreg:$0x5];
	[sflag:s18] =	ssyncadd.s32 $0xFFFFEC00  }
0x25: {  	[spmem:s11] =	stream.linear.scatter [tilespmem:s17], [sflag:$0x9], $0x1400, $0x38;
	[tilespmem:$0x15220] =	vst v63  }
0x26: {  	_ =	swait.ge [sflag:s18], $0x1400  }
0x27: {  	[sflag:s18] =	ssyncset.done $0x0  }
0x28: {  	s22 =	rddreg [dreg:$0x6];
	[sflag:s18] =	ssyncadd.s32 $0xFFFFEC00  }
0x29: {  	[spmem:s22] =	stream.linear.scatter [tilespmem:s17], [sflag:$0x9], $0x1400, $0x38;
	[tilespmem:$0x15220] =	vst v63  }
0x2a: {  	_ =	swait.ge [sflag:s18], $0x1400  }
0x2b: {  	[sflag:s18] =	ssyncset.done $0x0  }
0x2c: {  	s23 =	rddreg [dreg:$0x7];
	[sflag:s18] =	ssyncadd.s32 $0xFFFFEC00  }
0x2d: {  	[spmem:s23] =	stream.linear.scatter [tilespmem:s17], [sflag:$0x9], $0x1400, $0x38;
	[tilespmem:$0x15220] =	vst v63  }
0x2e: {  	_ =	swait.ge [sflag:s18], $0x1400  }
0x2f: {  	[sflag:s18] =	ssyncset.done $0x0  }
0x30: {  	s24 =	rddreg [dreg:$0x8];
	[sflag:s18] =	ssyncadd.s32 $0xFFFFEC00  }
0x31: {  	[spmem:s24] =	stream.linear.scatter [tilespmem:s17], [sflag:$0x9], $0x1400, $0x38;
	[tilespmem:$0x15220] =	vst v63  }
0x32: {  	_ =	swait.ge [sflag:s18], $0x1400  }
0x33: {  	[sflag:s18] =	ssyncset.done $0x0  }
0x34: {  	s1 =	rddreg [dreg:$0x9];
	[sflag:s18] =	ssyncadd.s32 $0xFFFFEC00  }
0x35: {  	[spmem:s1] =	stream.linear.scatter [tilespmem:s17], [sflag:$0x9], $0x1400, $0x38;
	[tilespmem:$0x15220] =	vst v63  }
0x36: {  	_ =	swait.ge [sflag:s18], $0x1400  }
0x37: {  	[sflag:s18] =	ssyncset.done $0x0  }
0x38: {  	[sflag:s18] =	ssyncadd.s32 $0xFFFFEC00  }
0x39: {  	[spmem:s12] =	stream.linear.scatter [tilespmem:s17], [sflag:$0x9], $0x1400, $0x38;
	[tilespmem:$0x15220] =	vst v63  }
0x3a: {  	_ =	swait.ge [sflag:s18], $0x1400  }
0x3b: {  	[sflag:s18] =	ssyncset.done $0x0  }
0x3c: {  	[sflag:s18] =	ssyncadd.s32 $0xFFFFEC00  }
0x3d: {  	[tilespmem:s4], [sflag:$0x9] =	stream.linear.gather [hbm4b:s13+s4], $0x2710, $0x38;
	[tilespmem:$0x15220] =	vst v63  }
0x3e: {  	_ =	swait.ge [sflag:s18], $0x2710  }
0x3f: {  	[sflag:s18] =	ssyncset.done $0x0  }
0x40: {  	[sflag:s18] =	ssyncadd.s32 $0xFFFFD8F0  }
0x41: {  	[tilespmem:s19], [sflag:$0x9] =	stream.linear.gather [hbm4b:s14+s4], $0x2710, $0x38;
	[tilespmem:$0x15220] =	vst v63  }
0x42: {  	s6 =	simm.s32 $0x6220;
	_ =	swait.ge [sflag:s18], $0x2710  }
0x43: {  	s7 =	simm.s32 $0xA0;
	s8 =	simm.s32 $0x4;
	[sflag:s18] =	ssyncset.done $0x0  }
0x44: {  	s9 =	simm.s32 $0x1;
	p0 =	por $0x0, $0x0;
	[sflag:s18] =	ssyncadd.s32 $0xFFFFD8F0  }
0x45: {  	s31 =	simm.s32 $0x2;
	s0 =	sand.u32 $0x3, s8;
	[bflag:$0x0] =	sbarrier.arrive $0xFFFF  }
0x46: {  	[tilespmem:s21], [sflag:$0x1] =	stream.indirect.gather [hbm4b:s2+s20], $0x40, s4, s20, $0xb8;
	[tilespmem:$0x15220] =	vst v63  }
0x47: {  	s30 =	simm.s32 $0x27B0;
	s29 =	sand.u32 $0x3, s31;
	s0 =	sadd.s32 $0x5, s0  }
0x48: {  	[tilespmem:s6], [sflag:$0x2] =	stream.indirect.gather [hbm4b:s2+s20], $0x40, s20, s20, $0xb8;
	[tilespmem:$0x15220] =	vst v63  }
0x49: {  	s10 =	smul.u32 $0x5000, s29;
	s23 =	simm.s32 $0x2760;
	s1 =	simm.s32 $0x7620  }
0x4a: {  	[tilespmem:s1], [sflag:$0x3] =	stream.indirect.gather [hbm4b:s2+s20], $0x40, s7, s20, $0xb8;
	[tilespmem:$0x15220] =	vst v63  }
0x4b: {  	s7 =	sand.u32 $0x3, s9;
	s1 =	simm.s32 @!p0 $0x3;
	_ =	swait.ge [sflag:s25], $0x1400  }
0x4c: {  	s22 =	smul.u32 $0x5000, s7;
	s1 =	sand.u32 @!p0 $0x3, s1;
	[sflag:s25] =	ssyncset.done $0x0  }
0x4d: {  	s6 =	simm.s32 $0xF0;
	s24 =	smul.u32 @!p0 $0x5000, s1;
	[sflag:s25] =	ssyncadd.s32 $0xFFFFEC00  }
0x4e: {  	[spmem:s3] =	stream.indirect.scatter.add.f32 [tilespmem:s21], [sflag:$0x5], $0x40, s19, s20, $0xb8;
	[tilespmem:$0x15220] =	vst v63  }
0x4f: {  	s8 =	sadd.s32 $0x1, s7;
	s7 =	sadd.s32 $0x5, s7;
	_ =	swait.ge [sflag:s0], $0x1400  }
0x50: {  	s1 =	sadd.s32 @!p0 $0x1, s1;
	s24 =	sshrl.u32 @!p0 s24, $0x2;
	[sflag:s0] =	ssyncset.done $0x0  }
0x51: {  	s24 =	sadd.s32 @!p0 $0x4E20, s24;
	[sflag:s0] =	ssyncadd.s32 $0xFFFFEC00;
	s0 =	simm.s32 @!p0 $0x50  }
0x52: {  	[tilespmem:s24], [sflag:s1] =	stream.indirect.gather @!p0 [hbm4b:s2+s0], $0x40, s6, s0, $0xb8;
	[tilespmem:$0x15220] =	vst v63  }
0x53: {  	s11 =	sshrl.u32 s22, $0x2;
	s22 =	sshrl.u32 s10, $0x2;
	_ =	swait.ge [sflag:s8], $0x1400  }
0x54: {  	s24 =	simm.s32 $0x5;
	s0 =	simm.s32 $0x6;
	[sflag:s8] =	ssyncset.done $0x0  }
0x55: {  	s1 =	simm.s32 $0x140;
	s6 =	sadd.s32 $0x4E20, s11;
	[sflag:s8] =	ssyncadd.s32 $0xFFFFEC00  }
.LBB2_4:
0x56: {  	[spmem:s3] =	stream.indirect.scatter.add.f32 [tilespmem:s6], [sflag:s7], $0x40, s23, s20, $0xb8;
	[tilespmem:$0x15220] =	vst v63  }
0x57: {  	s6 =	smov.u32 s0;
	s7 =	smov.u32 s29;
	s8 =	smov.u32 s22  }
0x58: {  	s0 =	sadd.s32 $0x1, s0;
	p1 =	sgt.u32 s31, $0x7A;
	s31 =	sadd.s32 $0xFFFFFFFD, s6  }
0x59: {  	p0 =	sne.s32 s0, $0x80;
	s22 =	sadd.s32 @!p1 $0xFFFFFFFF, s24;
	s29 =	sand.u32 $0x3, s31  }
0x5a: {  	s24 =	sand.u32 $0x3, s24;
	s22 =	sand.u32 @!p1 $0x3, s22;
	s23 =	smul.u32 $0x5000, s29  }
0x5b: {  	s24 =	sadd.s32 $0x5, s24;
	s9 =	smul.u32 @!p1 $0x5000, s22;
	s10 =	sadd.s32 @!p1 $0x1, s22  }
0x5c: {  	s11 =	sadd.s32 $0x1, s7;
	s22 =	sshrl.u32 s23, $0x2;
	_ =	swait.ge [sflag:s24], $0x1400  }
0x5d: {  	s9 =	sshrl.u32 @!p1 s9, $0x2;
	s23 =	simm.s32 @!p1 $0x50;
	[sflag:s24] =	ssyncset.done $0x0  }
.Ltmp1:
0x5e: {  	s9 =	sadd.s32 @!p1 $0x4E20, s9;
	[sflag:s24] =	ssyncadd.s32 $0xFFFFEC00;
	(pc) =	sbr.rel @p0 .LBB2_4-.Ltmp1, $4  }
0x5f: {  	[tilespmem:s9], [sflag:s10] =	stream.indirect.gather @!p1 [hbm4b:s2+s23], $0x40, s1, s23, $0xb8;
	[tilespmem:$0x15220] =	vst v63  }
0x60: {  	s24 =	smov.u32 s6;
	s23 =	smov.u32 s30;
	_ =	swait.ge [sflag:s11], $0x1400  }
0x61: {  	s30 =	sadd.s32 $0x50, s30;
	s1 =	sadd.s32 $0x50, s1;
	[sflag:s11] =	ssyncset.done $0x0  }
0x62: {  	s7 =	sadd.s32 $0x5, s7;
	s6 =	sadd.s32 $0x4E20, s8;
	[sflag:s11] =	ssyncadd.s32 $0xFFFFEC00  }
0x63: {  	[spmem:s3] =	stream.indirect.scatter.add.f32 [tilespmem:s6], [sflag:s7], $0x40, s23, s20, $0xb8;
	[tilespmem:$0x15220] =	vst v63  }
0x64: {  	p0 =	sgt.u32 s31, $0x7A  }
0x65: {  	s0 =	sadd.s32 @!p0 $0xFFFFFFFF, s24  }
0x66: {  	s23 =	sand.u32 $0x3, s24;
	s0 =	sand.u32 @!p0 $0x3, s0  }
0x67: {  	s6 =	sadd.s32 $0x5, s23;
	s7 =	smul.u32 @!p0 $0x5000, s0  }
0x68: {  	s8 =	sadd.s32 $0x1, s29;
	_ =	swait.ge [sflag:s6], $0x1400  }
0x69: {  	s9 =	simm.s32 @!p0 $0x50;
	[sflag:s6] =	ssyncset.done $0x0;
	s7 =	sshrl.u32 @!p0 s7, $0x2  }
0x6a: {  	s0 =	sadd.s32 @!p0 $0x1, s0;
	[sflag:s6] =	ssyncadd.s32 $0xFFFFEC00;
	s6 =	sadd.s32 @!p0 $0x4E20, s7  }
0x6b: {  	[tilespmem:s6], [sflag:s0] =	stream.indirect.gather @!p0 [hbm4b:s2+s9], $0x40, s1, s9, $0xb8;
	[tilespmem:$0x15220] =	vst v63  }
0x6c: {  	_ =	swait.ge [sflag:s8], $0x1400  }
0x6d: {  	[sflag:s8] =	ssyncset.done $0x0  }
0x6e: {  	s29 =	sadd.s32 $0x5, s29;
	s24 =	sadd.s32 $0x4E20, s22;
	[sflag:s8] =	ssyncadd.s32 $0xFFFFEC00  }
0x6f: {  	[spmem:s3] =	stream.indirect.scatter.add.f32 [tilespmem:s24], [sflag:s29], $0x40, s30, s20, $0xb8;
	[tilespmem:$0x15220] =	vst v63  }
0x70: {  	s31 =	sshrl.u32 s5, $0x3;
	_ =	swait.ge [sflag:s26], $0x1400  }
0x71: {  	s28 =	sadd.s32 $0x1, s28;
	s30 =	stileid.u32;
	[sflag:s26] =	ssyncset.done $0x0  }
0x72: {  	p0 =	sne.s32 s28, s16;
	s0 =	sshll.u32 s30, $0x6;
	[sflag:s26] =	ssyncadd.s32 $0xFFFFEC00  }
.Ltmp2:
0x73: {  	s0 =	sor.u32 $0x1C09, s0;
	[bflag:$0x0] =	sbarrier.arrive $0xFFFF;
	(pc) =	sbr.rel @p0 .LBB2_1-.Ltmp2, $4  }
0x74: {  	[hbm:s15], [sflag:s0] =	dma.local [spmem:s31], $0x1400  }
0x75: {  	_ =	swait.ge [sflag:s18], $0x1400  }
0x76: {  	[sflag:s18] =	ssyncset.done $0x0  }
0x77: {  	[sflag:s18] =	ssyncadd.s32 $0xFFFFEC00  }
0x78: {  	_ =	sfence.sel $0x180000  }
0x79: {  	[bflag:$0x0] =	sbarrier.arrive $0xFFFF  }
0x7a: {  	_ =	strace $0x90000050  }
0x7b: {  	s0 =	stileid.u32;
	[bflag:$0x2] =	sbarrier.arrive $0xFFFF  }
0x7c: {  	p0 =	sne.s32 s0, $0x0;
	s0 =	rddreg [dreg:$0x3]  }
0x7d: {  	s0 =	sadd.s32 @!p0 $0x100000, s0  }
0x7e: {  	[sflag:s0] =	ssyncadd.tile.s32 @!p0 $0x1;
	_ =	shalt  }
.Lfunc_end2:
_tile_overlayer_lowered:
.L_overlay_start_2:
0x7f: {  	(tag) =	ssettag $0x2  }
0x80: {  	s0 =	rddreg [dreg:$0x0];
	s2 =	stileid.u32  }
0x81: {  	s1 =	rddreg [dreg:$0x1];
	p0 =	sne.s32 s2, $0x0  }
0x82: {  	s3 =	rddreg [dreg:$0x2];
	[bflag:$0x3] =	sbarrier.arrive $0xFFFF;
	s2 =	simm.s32 @!p0 $0x1C09  }
0x83: {  	[timem:s3], [sflag:s2] =	dma.local @!p0 [hbm:s0], s1  }
0x84: {  	s0 =	simm.s32 @!p0 $0x9  }
0x85: {  	_ =	swait.ge @!p0 [sflag:s0], s1  }
0x86: {  	s1 =	ssub.s32 @!p0 $0x0, s1;
	[sflag:s0] =	ssyncset.done @!p0 $0x0  }
0x87: {  	[sflag:s0] =	ssyncadd.s32 @!p0 s1  }
0x88: {  	[bflag:$0x3] =	sbarrier.arrive $0xFFFF  }
0x89: {  	_ =	shalt  }

</sc_bundles>
